<compile_context>
chip_gen: v7x
topology: tpu7x:2x2x1
jax: 0.10.2.dev20260603
libtpu: 0.0.44.dev20260713+nightly
codegen_flags: <defaults>
</compile_context>

<pallas_src>
import functools

import jax
import jax.numpy as jnp
from jax import lax
from jax.experimental import pallas as pl
from jax.experimental.pallas import tpu as pltpu
from jax.experimental.pallas import tpu_sc as plsc

_NC = 2
_NS = 16
_NW = _NC * _NS
_L = 16


def _repack_body(t_ref, o_ref):
    D, W = t_ref.shape
    K = W // 128
    v = t_ref[...].reshape(D, K, 128)
    vt = jnp.transpose(v, (1, 0, 2))
    pad = jnp.zeros((K, 8 - D, 128), dtype=vt.dtype)
    o_ref[...] = jnp.concatenate([vt, pad], axis=1).reshape(8 * K, 128)


def _repack_tc(table_t):
    D, V = table_t.shape
    T = (V + 127) // 128
    G = 13
    K = T // G
    return pl.pallas_call(
        _repack_body,
        grid=(G,),
        in_specs=[pl.BlockSpec((D, K * 128), lambda g: (0, g))],
        out_specs=pl.BlockSpec((8 * K, 128), lambda g: (g, 0)),
        out_shape=jax.ShapeDtypeStruct((8 * T, 128), jnp.float32),
    )(table_t)


def _sc_gather_tiled(indices, flat8):
    (B,) = indices.shape
    D = 6
    bpw = B // _NW
    mesh = plsc.VectorSubcoreMesh(core_axis_name="c", subcore_axis_name="s")

    @functools.partial(
        pl.kernel,
        mesh=mesh,
        compiler_params=pltpu.CompilerParams(use_tc_tiling_on_sc=False),
        out_type=jax.ShapeDtypeStruct((D, B), jnp.float32),
        scratch_types=[
            pltpu.VMEM((bpw,), jnp.int32),
            pltpu.VMEM((D, bpw), jnp.int32),
            pltpu.VMEM((D, bpw), jnp.float32),
            pltpu.SemaphoreType.DMA,
        ],
    )
    def k(flat_hbm, idx_hbm, out_hbm, idx_v, e_v, cols_v, sem):
        wid = lax.axis_index("s") * _NC + lax.axis_index("c")
        base = wid * bpw
        pltpu.sync_copy(idx_hbm.at[pl.ds(base, bpw)], idx_v)
        for i in range(bpw // _L):
            c = idx_v[pl.ds(i * _L, _L)]
            e0 = (c >> 7) * 1024 + (c & 127)
            for j in range(D):
                e_v[j, pl.ds(i * _L, _L)] = e0 + (j * 128)
        copies = [
            pltpu.async_copy(flat_hbm.at[e_v.at[j]], cols_v.at[j], sem)
            for j in range(D)
        ]
        for c in copies:
            c.wait()
        for j in range(D):
            pltpu.sync_copy(cols_v.at[j], out_hbm.at[j, pl.ds(base, bpw)])

    return k(flat8, indices)


def _expmap_body(g_ref, o_ref):
    tx = g_ref[0]
    ty = g_ref[1]
    tz = g_ref[2]
    wx = g_ref[3]
    wy = g_ref[4]
    wz = g_ref[5]
    nrms = wx * wx + wy * wy + wz * wz
    ang = jnp.sqrt(jnp.maximum(nrms, 1e-4))
    inv = 1.0 / ang
    fac1 = inv * jnp.sin(ang)
    fac2 = inv * inv * (1.0 - jnp.cos(ang))
    xx = wx * wx
    yy = wy * wy
    zz = wz * wz
    xy = wx * wy
    xz = wx * wz
    yz = wy * wz
    o_ref[0] = 1.0 + fac2 * (xx - nrms)
    o_ref[1] = fac2 * xy - fac1 * wz
    o_ref[2] = fac2 * xz + fac1 * wy
    o_ref[3] = tx
    o_ref[4] = fac2 * xy + fac1 * wz
    o_ref[5] = 1.0 + fac2 * (yy - nrms)
    o_ref[6] = fac2 * yz - fac1 * wx
    o_ref[7] = ty
    o_ref[8] = fac2 * xz - fac1 * wy
    o_ref[9] = fac2 * yz + fac1 * wx
    o_ref[10] = 1.0 + fac2 * (zz - nrms)
    o_ref[11] = tz


def _expmap_tc(gt):
    _, R, C = gt.shape
    return pl.pallas_call(
        _expmap_body,
        out_shape=jax.ShapeDtypeStruct((12, R, C), jnp.float32),
    )(gt)


def kernel(indices, pose_adjustment):
    B = indices.shape[0]
    idx = indices.astype(jnp.int32)
    table_t = pose_adjustment.T
    packed = _repack_tc(table_t)
    flat8 = packed.reshape(-1)
    cols = _sc_gather_tiled(idx, flat8)
    out12 = _expmap_tc(cols.reshape(6, B // 128, 128))
    return out12.reshape(12, B).T.reshape(B, 3, 4)

# --- scband reference (transcript-rebuilt; emitter-appended) ---
"""Pipeline reference for scband-camera-optimizer-41111426957414 (READ-ONLY COPY).

The authoritative reference and input builder live on the scoring server;
editing this copy changes nothing except your own understanding.
"""

import jax
import jax.numpy as jnp
import numpy as np

NUM_CAMERAS = 1000000
BATCH = 16384


def exp_map_SO3xR3(tangent):
    # tangent: [N, 6]; first 3 = translation, last 3 = so(3) log-rotation
    log_rot = tangent[:, 3:]
    nrms = jnp.sum(log_rot * log_rot, axis=1)
    rot_angles = jnp.sqrt(jnp.clip(nrms, 1e-4, None))
    rot_angles_inv = 1.0 / rot_angles
    fac1 = rot_angles_inv * jnp.sin(rot_angles)
    fac2 = rot_angles_inv * rot_angles_inv * (1.0 - jnp.cos(rot_angles))
    wx = log_rot[:, 0]
    wy = log_rot[:, 1]
    wz = log_rot[:, 2]
    zeros = jnp.zeros_like(wx)
    skews = jnp.stack(
        [zeros, -wz, wy,
         wz, zeros, -wx,
         -wy, wx, zeros], axis=1).reshape(-1, 3, 3)
    skews_square = jnp.matmul(skews, skews)
    R = (fac1[:, None, None] * skews
         + fac2[:, None, None] * skews_square
         + jnp.eye(3, dtype=tangent.dtype)[None, :, :])
    t = tangent[:, :3]
    # [N, 3, 4]
    return jnp.concatenate([R, t[:, :, None]], axis=2)


def setup_inputs(seed: int = 0) -> dict:
    key = jax.random.key(seed)
    k1, k2 = jax.random.split(key)
    indices = jax.random.randint(k1, (BATCH,), 0, NUM_CAMERAS)
    # learned parameter: pose_adjustment [num_cameras, 6]
    # (initialized to zeros in the module; use small random values so the
    #  exp-map math is exercised nontrivially)
    pose_adjustment = jax.random.normal(k2, (NUM_CAMERAS, 6), dtype=jnp.float32) * 0.01
    return {"indices": indices, "pose_adjustment": pose_adjustment}


def reference(indices, pose_adjustment):
    # mode == 'SO3xR3', no pose noise, no non-trainable cameras
    gathered = jnp.take(pose_adjustment, indices, axis=0)  # [B, 6]
    return exp_map_SO3xR3(gathered)  # [B, 3, 4]

if __name__ == "__main__":
    import jax
    _d = setup_inputs()
    print(jax.jit(kernel)(*tuple(_d.values())))

</pallas_src>

<mosaic_0001>
#map = affine_map<(d0, d1) -> (0)>
#map1 = affine_map<(d0, d1) -> (0, 0)>
module attributes {stable_mosaic.version = 14 : i64} {
  func.func @k(%arg0: i32, %arg1: i32, %arg2: memref<8000512xf32, #tpu.memory_space<hbm>>, %arg3: memref<16384xi32, #tpu.memory_space<hbm>>, %arg4: memref<6x16384xf32, #tpu.memory_space<hbm>>, %arg5: memref<512xi32, #tpu.memory_space<vmem>>, %arg6: memref<6x512xi32, #tpu.memory_space<vmem>>, %arg7: memref<6x512xf32, #tpu.memory_space<vmem>>, %arg8: memref<!tpu.dma_semaphore, #tpu.memory_space<semaphore_mem>>) attributes {dimension_semantics = [#tpu.dimension_semantics<core_parallel>, #tpu.dimension_semantics<subcore_parallel>], iteration_bounds = array<i64: 2, 16>, scalar_prefetch = 0 : i64, scratch_operands = 4 : i64, tpu.core_type = #tpu.core_type<sc_vector_subcore>, window_params = [{transform_indices = #map}, {transform_indices = #map}, {transform_indices = #map1}]} {
    %mul3A = arith.constant 2 : i32
    %mul3A_0 = arith.muli %arg1, %mul3A : i32
    %add3A = arith.addi %mul3A_0, %arg0 : i32
    %mul3A_1 = arith.constant 512 : i32
    %mul3A_2 = arith.muli %add3A, %mul3A_1 : i32
    "tpu.region"() ({
      %run_scoped3A_2272 = tpu.sem_alloc : memref<!tpu.dma_semaphore, #tpu.memory_space<semaphore_mem>>
      %dma_start3A_2273 = tpu.memref_slice %arg3[%mul3A_2] : memref<16384xi32, #tpu.memory_space<hbm>> -> memref<512xi32, #tpu.memory_space<hbm>>
      %dma_start3A_2274 = tpu.memref_slice %arg3[%mul3A_2] : memref<16384xi32, #tpu.memory_space<hbm>> -> memref<512xi32, #tpu.memory_space<hbm>>
      tpu.enqueue_dma source(%dma_start3A_2274 : memref<512xi32, #tpu.memory_space<hbm>>) target(%arg5 : memref<512xi32, #tpu.memory_space<vmem>>) target_semaphore(%run_scoped3A_2272 : memref<!tpu.dma_semaphore, #tpu.memory_space<semaphore_mem>>)
      %dma_wait3A_2275 = tpu.memref_slice %arg3[%mul3A_2] : memref<16384xi32, #tpu.memory_space<hbm>> -> memref<512xi32, #tpu.memory_space<hbm>>
      %dma_wait3A_2276 = tpu.memref_slice %arg3[%mul3A_2] : memref<16384xi32, #tpu.memory_space<hbm>> -> memref<512xi32, #tpu.memory_space<hbm>>
      tpu.wait_dma2 semaphore(%run_scoped3A_2272 : memref<!tpu.dma_semaphore, #tpu.memory_space<semaphore_mem>>) src(%dma_wait3A_2276 : memref<512xi32, #tpu.memory_space<hbm>>) dst(%arg5 : memref<512xi32, #tpu.memory_space<vmem>>)
      tpu.yield
    }) : () -> ()
    %get3A = arith.constant 0 : index
    %get3A_3 = tpu.vector_load %arg5[%get3A] {strides = array<i32>} : memref<512xi32, #tpu.memory_space<vmem>>, vector<16xi32>,
    %get3A_4 = vector.shape_cast %get3A_3 : vector<16xi32> to vector<16xi32>
    %shift_right_arithmetic3A = arith.constant 7 : i32
    %shift_right_arithmetic3A_5 = vector.broadcast %shift_right_arithmetic3A : i32 to vector<16xi32>
    %shift_right_arithmetic3A_6 = arith.shrsi %get3A_4, %shift_right_arithmetic3A_5 : vector<16xi32>
    %mul3A_7 = arith.constant 1024 : i32
    %mul3A_8 = vector.broadcast %mul3A_7 : i32 to vector<16xi32>
    %mul3A_9 = arith.muli %shift_right_arithmetic3A_6, %mul3A_8 : vector<16xi32>
    %and3A = arith.constant 127 : i32
    %and3A_10 = vector.broadcast %and3A : i32 to vector<16xi32>
    %and3A_11 = arith.andi %get3A_4, %and3A_10 : vector<16xi32>
    %add3A_12 = arith.addi %mul3A_9, %and3A_11 : vector<16xi32>
    %add3A_13 = arith.constant 0 : i32
    %add3A_14 = vector.broadcast %add3A_13 : i32 to vector<16xi32>
    %add3A_15 = arith.addi %add3A_12, %add3A_14 : vector<16xi32>
    %swap3A = arith.constant 0 : i32
    %swap3A_16 = arith.index_cast %swap3A : i32 to index
    %swap3A_17 = arith.constant 0 : index
    %swap3A_18 = tpu.vector_load %arg6[%swap3A_16, %swap3A_17] {strides = array<i32>} : memref<6x512xi32, #tpu.memory_space<vmem>>, vector<1x16xi32>,
    %swap3A_19 = vector.shape_cast %swap3A_18 : vector<1x16xi32> to vector<16xi32>
    %swap3A_20 = vector.shape_cast %add3A_15 : vector<16xi32> to vector<1x16xi32>
    tpu.vector_store %arg6[%swap3A_16, %swap3A_17], %swap3A_20 {strides = array<i32>} : memref<6x512xi32, #tpu.memory_space<vmem>>, vector<1x16xi32>,
    %add3A_21 = arith.constant 128 : i32
    %add3A_22 = vector.broadcast %add3A_21 : i32 to vector<16xi32>
    %add3A_23 = arith.addi %add3A_12, %add3A_22 : vector<16xi32>
    %swap3A_24 = arith.constant 1 : i32
    %swap3A_25 = arith.index_cast %swap3A_24 : i32 to index
    %swap3A_26 = arith.constant 0 : index
    %swap3A_27 = tpu.vector_load %arg6[%swap3A_25, %swap3A_26] {strides = array<i32>} : memref<6x512xi32, #tpu.memory_space<vmem>>, vector<1x16xi32>,
    %swap3A_28 = vector.shape_cast %swap3A_27 : vector<1x16xi32> to vector<16xi32>
    %swap3A_29 = vector.shape_cast %add3A_23 : vector<16xi32> to vector<1x16xi32>
    tpu.vector_store %arg6[%swap3A_25, %swap3A_26], %swap3A_29 {strides = array<i32>} : memref<6x512xi32, #tpu.memory_space<vmem>>, vector<1x16xi32>,
    %add3A_30 = arith.constant 256 : i32
    %add3A_31 = vector.broadcast %add3A_30 : i32 to vector<16xi32>
    %add3A_32 = arith.addi %add3A_12, %add3A_31 : vector<16xi32>
    %swap3A_33 = arith.constant 2 : i32
    %swap3A_34 = arith.index_cast %swap3A_33 : i32 to index
    %swap3A_35 = arith.constant 0 : index
    %swap3A_36 = tpu.vector_load %arg6[%swap3A_34, %swap3A_35] {strides = array<i32>} : memref<6x512xi32, #tpu.memory_space<vmem>>, vector<1x16xi32>,
    %swap3A_37 = vector.shape_cast %swap3A_36 : vector<1x16xi32> to vector<16xi32>
    %swap3A_38 = vector.shape_cast %add3A_32 : vector<16xi32> to vector<1x16xi32>
    tpu.vector_store %arg6[%swap3A_34, %swap3A_35], %swap3A_38 {strides = array<i32>} : memref<6x512xi32, #tpu.memory_space<vmem>>, vector<1x16xi32>,
    %add3A_39 = arith.constant 384 : i32
    %add3A_40 = vector.broadcast %add3A_39 : i32 to vector<16xi32>
    %add3A_41 = arith.addi %add3A_12, %add3A_40 : vector<16xi32>
    %swap3A_42 = arith.constant 3 : i32
    %swap3A_43 = arith.index_cast %swap3A_42 : i32 to index
    %swap3A_44 = arith.constant 0 : index
    %swap3A_45 = tpu.vector_load %arg6[%swap3A_43, %swap3A_44] {strides = array<i32>} : memref<6x512xi32, #tpu.memory_space<vmem>>, vector<1x16xi32>,
    %swap3A_46 = vector.shape_cast %swap3A_45 : vector<1x16xi32> to vector<16xi32>
    %swap3A_47 = vector.shape_cast %add3A_41 : vector<16xi32> to vector<1x16xi32>
    tpu.vector_store %arg6[%swap3A_43, %swap3A_44], %swap3A_47 {strides = array<i32>} : memref<6x512xi32, #tpu.memory_space<vmem>>, vector<1x16xi32>,
    %add3A_48 = arith.constant 512 : i32
    %add3A_49 = vector.broadcast %add3A_48 : i32 to vector<16xi32>
    %add3A_50 = arith.addi %add3A_12, %add3A_49 : vector<16xi32>
    %swap3A_51 = arith.constant 4 : i32
    %swap3A_52 = arith.index_cast %swap3A_51 : i32 to index
    %swap3A_53 = arith.constant 0 : index
    %swap3A_54 = tpu.vector_load %arg6[%swap3A_52, %swap3A_53] {strides = array<i32>} : memref<6x512xi32, #tpu.memory_space<vmem>>, vector<1x16xi32>,
    %swap3A_55 = vector.shape_cast %swap3A_54 : vector<1x16xi32> to vector<16xi32>
    %swap3A_56 = vector.shape_cast %add3A_50 : vector<16xi32> to vector<1x16xi32>
    tpu.vector_store %arg6[%swap3A_52, %swap3A_53], %swap3A_56 {strides = array<i32>} : memref<6x512xi32, #tpu.memory_space<vmem>>, vector<1x16xi32>,
    %add3A_57 = arith.constant 640 : i32
    %add3A_58 = vector.broadcast %add3A_57 : i32 to vector<16xi32>
    %add3A_59 = arith.addi %add3A_12, %add3A_58 : vector<16xi32>
    %swap3A_60 = arith.constant 5 : i32
    %swap3A_61 = arith.index_cast %swap3A_60 : i32 to index
    %swap3A_62 = arith.constant 0 : index
    %swap3A_63 = tpu.vector_load %arg6[%swap3A_61, %swap3A_62] {strides = array<i32>} : memref<6x512xi32, #tpu.memory_space<vmem>>, vector<1x16xi32>,
    %swap3A_64 = vector.shape_cast %swap3A_63 : vector<1x16xi32> to vector<16xi32>
    %swap3A_65 = vector.shape_cast %add3A_59 : vector<16xi32> to vector<1x16xi32>
    tpu.vector_store %arg6[%swap3A_61, %swap3A_62], %swap3A_65 {strides = array<i32>} : memref<6x512xi32, #tpu.memory_space<vmem>>, vector<1x16xi32>,
    %get3A_66 = arith.constant 16 : index
    %get3A_67 = tpu.vector_load %arg5[%get3A_66] {strides = array<i32>} : memref<512xi32, #tpu.memory_space<vmem>>, vector<16xi32>,
    %get3A_68 = vector.shape_cast %get3A_67 : vector<16xi32> to vector<16xi32>
    %shift_right_arithmetic3A_69 = arith.constant 7 : i32
    %shift_right_arithmetic3A_70 = vector.broadcast %shift_right_arithmetic3A_69 : i32 to vector<16xi32>
    %shift_right_arithmetic3A_71 = arith.shrsi %get3A_68, %shift_right_arithmetic3A_70 : vector<16xi32>
    %mul3A_72 = arith.constant 1024 : i32
    %mul3A_73 = vector.broadcast %mul3A_72 : i32 to vector<16xi32>
    %mul3A_74 = arith.muli %shift_right_arithmetic3A_71, %mul3A_73 : vector<16xi32>
    %and3A_75 = arith.constant 127 : i32
    %and3A_76 = vector.broadcast %and3A_75 : i32 to vector<16xi32>
    %and3A_77 = arith.andi %get3A_68, %and3A_76 : vector<16xi32>
    %add3A_78 = arith.addi %mul3A_74, %and3A_77 : vector<16xi32>
    %add3A_79 = arith.constant 0 : i32
    %add3A_80 = vector.broadcast %add3A_79 : i32 to vector<16xi32>
    %add3A_81 = arith.addi %add3A_78, %add3A_80 : vector<16xi32>
    %swap3A_82 = arith.constant 0 : i32
    %swap3A_83 = arith.index_cast %swap3A_82 : i32 to index
    %swap3A_84 = arith.constant 16 : index
    %swap3A_85 = tpu.vector_load %arg6[%swap3A_83, %swap3A_84] {strides = array<i32>} : memref<6x512xi32, #tpu.memory_space<vmem>>, vector<1x16xi32>,
    %swap3A_86 = vector.shape_cast %swap3A_85 : vector<1x16xi32> to vector<16xi32>
    %swap3A_87 = vector.shape_cast %add3A_81 : vector<16xi32> to vector<1x16xi32>
    tpu.vector_store %arg6[%swap3A_83, %swap3A_84], %swap3A_87 {strides = array<i32>} : memref<6x512xi32, #tpu.memory_space<vmem>>, vector<1x16xi32>,
    %add3A_88 = arith.constant 128 : i32
    %add3A_89 = vector.broadcast %add3A_88 : i32 to vector<16xi32>
    %add3A_90 = arith.addi %add3A_78, %add3A_89 : vector<16xi32>
    %swap3A_91 = arith.constant 1 : i32
    %swap3A_92 = arith.index_cast %swap3A_91 : i32 to index
    %swap3A_93 = arith.constant 16 : index
    %swap3A_94 = tpu.vector_load %arg6[%swap3A_92, %swap3A_93] {strides = array<i32>} : memref<6x512xi32, #tpu.memory_space<vmem>>, vector<1x16xi32>,
    %swap3A_95 = vector.shape_cast %swap3A_94 : vector<1x16xi32> to vector<16xi32>
    %swap3A_96 = vector.shape_cast %add3A_90 : vector<16xi32> to vector<1x16xi32>
    tpu.vector_store %arg6[%swap3A_92, %swap3A_93], %swap3A_96 {strides = array<i32>} : memref<6x512xi32, #tpu.memory_space<vmem>>, vector<1x16xi32>,
    %add3A_97 = arith.constant 256 : i32
    %add3A_98 = vector.broadcast %add3A_97 : i32 to vector<16xi32>
    %add3A_99 = arith.addi %add3A_78, %add3A_98 : vector<16xi32>
    %swap3A_100 = arith.constant 2 : i32
    %swap3A_101 = arith.index_cast %swap3A_100 : i32 to index
    %swap3A_102 = arith.constant 16 : index
    %swap3A_103 = tpu.vector_load %arg6[%swap3A_101, %swap3A_102] {strides = array<i32>} : memref<6x512xi32, #tpu.memory_space<vmem>>, vector<1x16xi32>,
    %swap3A_104 = vector.shape_cast %swap3A_103 : vector<1x16xi32> to vector<16xi32>
    %swap3A_105 = vector.shape_cast %add3A_99 : vector<16xi32> to vector<1x16xi32>
    tpu.vector_store %arg6[%swap3A_101, %swap3A_102], %swap3A_105 {strides = array<i32>} : memref<6x512xi32, #tpu.memory_space<vmem>>, vector<1x16xi32>,
    %add3A_106 = arith.constant 384 : i32
    %add3A_107 = vector.broadcast %add3A_106 : i32 to vector<16xi32>
    %add3A_108 = arith.addi %add3A_78, %add3A_107 : vector<16xi32>
    %swap3A_109 = arith.constant 3 : i32
    %swap3A_110 = arith.index_cast %swap3A_109 : i32 to index
    %swap3A_111 = arith.constant 16 : index
    %swap3A_112 = tpu.vector_load %arg6[%swap3A_110, %swap3A_111] {strides = array<i32>} : memref<6x512xi32, #tpu.memory_space<vmem>>, vector<1x16xi32>,
    %swap3A_113 = vector.shape_cast %swap3A_112 : vector<1x16xi32> to vector<16xi32>
    %swap3A_114 = vector.shape_cast %add3A_108 : vector<16xi32> to vector<1x16xi32>
    tpu.vector_store %arg6[%swap3A_110, %swap3A_111], %swap3A_114 {strides = array<i32>} : memref<6x512xi32, #tpu.memory_space<vmem>>, vector<1x16xi32>,
    %add3A_115 = arith.constant 512 : i32
    %add3A_116 = vector.broadcast %add3A_115 : i32 to vector<16xi32>
    %add3A_117 = arith.addi %add3A_78, %add3A_116 : vector<16xi32>
    %swap3A_118 = arith.constant 4 : i32
    %swap3A_119 = arith.index_cast %swap3A_118 : i32 to index
    %swap3A_120 = arith.constant 16 : index
    %swap3A_121 = tpu.vector_load %arg6[%swap3A_119, %swap3A_120] {strides = array<i32>} : memref<6x512xi32, #tpu.memory_space<vmem>>, vector<1x16xi32>,
    %swap3A_122 = vector.shape_cast %swap3A_121 : vector<1x16xi32> to vector<16xi32>
    %swap3A_123 = vector.shape_cast %add3A_117 : vector<16xi32> to vector<1x16xi32>
    tpu.vector_store %arg6[%swap3A_119, %swap3A_120], %swap3A_123 {strides = array<i32>} : memref<6x512xi32, #tpu.memory_space<vmem>>, vector<1x16xi32>,
    %add3A_124 = arith.constant 640 : i32
    %add3A_125 = vector.broadcast %add3A_124 : i32 to vector<16xi32>
    %add3A_126 = arith.addi %add3A_78, %add3A_125 : vector<16xi32>
    %swap3A_127 = arith.constant 5 : i32
    %swap3A_128 = arith.index_cast %swap3A_127 : i32 to index
    %swap3A_129 = arith.constant 16 : index
    %swap3A_130 = tpu.vector_load %arg6[%swap3A_128, %swap3A_129] {strides = array<i32>} : memref<6x512xi32, #tpu.memory_space<vmem>>, vector<1x16xi32>,
    %swap3A_131 = vector.shape_cast %swap3A_130 : vector<1x16xi32> to vector<16xi32>
    %swap3A_132 = vector.shape_cast %add3A_126 : vector<16xi32> to vector<1x16xi32>
    tpu.vector_store %arg6[%swap3A_128, %swap3A_129], %swap3A_132 {strides = array<i32>} : memref<6x512xi32, #tpu.memory_space<vmem>>, vector<1x16xi32>,
    %get3A_133 = arith.constant 32 : index
    %get3A_134 = tpu.vector_load %arg5[%get3A_133] {strides = array<i32>} : memref<512xi32, #tpu.memory_space<vmem>>, vector<16xi32>,
    %get3A_135 = vector.shape_cast %get3A_134 : vector<16xi32> to vector<16xi32>
    %shift_right_arithmetic3A_136 = arith.constant 7 : i32
    %shift_right_arithmetic3A_137 = vector.broadcast %shift_right_arithmetic3A_136 : i32 to vector<16xi32>
    %shift_right_arithmetic3A_138 = arith.shrsi %get3A_135, %shift_right_arithmetic3A_137 : vector<16xi32>
    %mul3A_139 = arith.constant 1024 : i32
    %mul3A_140 = vector.broadcast %mul3A_139 : i32 to vector<16xi32>
    %mul3A_141 = arith.muli %shift_right_arithmetic3A_138, %mul3A_140 : vector<16xi32>
    %and3A_142 = arith.constant 127 : i32
    %and3A_143 = vector.broadcast %and3A_142 : i32 to vector<16xi32>
    %and3A_144 = arith.andi %get3A_135, %and3A_143 : vector<16xi32>
    %add3A_145 = arith.addi %mul3A_141, %and3A_144 : vector<16xi32>
    %add3A_146 = arith.constant 0 : i32
    %add3A_147 = vector.broadcast %add3A_146 : i32 to vector<16xi32>
    %add3A_148 = arith.addi %add3A_145, %add3A_147 : vector<16xi32>
    %swap3A_149 = arith.constant 0 : i32
    %swap3A_150 = arith.index_cast %swap3A_149 : i32 to index
    %swap3A_151 = arith.constant 32 : index
    %swap3A_152 = tpu.vector_load %arg6[%swap3A_150, %swap3A_151] {strides = array<i32>} : memref<6x512xi32, #tpu.memory_space<vmem>>, vector<1x16xi32>,
    %swap3A_153 = vector.shape_cast %swap3A_152 : vector<1x16xi32> to vector<16xi32>
    %swap3A_154 = vector.shape_cast %add3A_148 : vector<16xi32> to vector<1x16xi32>
    tpu.vector_store %arg6[%swap3A_150, %swap3A_151], %swap3A_154 {strides = array<i32>} : memref<6x512xi32, #tpu.memory_space<vmem>>, vector<1x16xi32>,
    %add3A_155 = arith.constant 128 : i32
    %add3A_156 = vector.broadcast %add3A_155 : i32 to vector<16xi32>
    %add3A_157 = arith.addi %add3A_145, %add3A_156 : vector<16xi32>
    %swap3A_158 = arith.constant 1 : i32
    %swap3A_159 = arith.index_cast %swap3A_158 : i32 to index
    %swap3A_160 = arith.constant 32 : index
    %swap3A_161 = tpu.vector_load %arg6[%swap3A_159, %swap3A_160] {strides = array<i32>} : memref<6x512xi32, #tpu.memory_space<vmem>>, vector<1x16xi32>,
    %swap3A_162 = vector.shape_cast %swap3A_161 : vector<1x16xi32> to vector<16xi32>
    %swap3A_163 = vector.shape_cast %add3A_157 : vector<16xi32> to vector<1x16xi32>
    tpu.vector_store %arg6[%swap3A_159, %swap3A_160], %swap3A_163 {strides = array<i32>} : memref<6x512xi32, #tpu.memory_space<vmem>>, vector<1x16xi32>,
    %add3A_164 = arith.constant 256 : i32
    %add3A_165 = vector.broadcast %add3A_164 : i32 to vector<16xi32>
    %add3A_166 = arith.addi %add3A_145, %add3A_165 : vector<16xi32>
    %swap3A_167 = arith.constant 2 : i32
    %swap3A_168 = arith.index_cast %swap3A_167 : i32 to index
    %swap3A_169 = arith.constant 32 : index
    %swap3A_170 = tpu.vector_load %arg6[%swap3A_168, %swap3A_169] {strides = array<i32>} : memref<6x512xi32, #tpu.memory_space<vmem>>, vector<1x16xi32>,
    %swap3A_171 = vector.shape_cast %swap3A_170 : vector<1x16xi32> to vector<16xi32>
    %swap3A_172 = vector.shape_cast %add3A_166 : vector<16xi32> to vector<1x16xi32>
    tpu.vector_store %arg6[%swap3A_168, %swap3A_169], %swap3A_172 {strides = array<i32>} : memref<6x512xi32, #tpu.memory_space<vmem>>, vector<1x16xi32>,
    %add3A_173 = arith.constant 384 : i32
    %add3A_174 = vector.broadcast %add3A_173 : i32 to vector<16xi32>
    %add3A_175 = arith.addi %add3A_145, %add3A_174 : vector<16xi32>
    %swap3A_176 = arith.constant 3 : i32
    %swap3A_177 = arith.index_cast %swap3A_176 : i32 to index
    %swap3A_178 = arith.constant 32 : index
    %swap3A_179 = tpu.vector_load %arg6[%swap3A_177, %swap3A_178] {strides = array<i32>} : memref<6x512xi32, #tpu.memory_space<vmem>>, vector<1x16xi32>,
    %swap3A_180 = vector.shape_cast %swap3A_179 : vector<1x16xi32> to vector<16xi32>
    %swap3A_181 = vector.shape_cast %add3A_175 : vector<16xi32> to vector<1x16xi32>
    tpu.vector_store %arg6[%swap3A_177, %swap3A_178], %swap3A_181 {strides = array<i32>} : memref<6x512xi32, #tpu.memory_space<vmem>>, vector<1x16xi32>,
    %add3A_182 = arith.constant 512 : i32
    %add3A_183 = vector.broadcast %add3A_182 : i32 to vector<16xi32>
    %add3A_184 = arith.addi %add3A_145, %add3A_183 : vector<16xi32>
    %swap3A_185 = arith.constant 4 : i32
    %swap3A_186 = arith.index_cast %swap3A_185 : i32 to index
    %swap3A_187 = arith.constant 32 : index
    %swap3A_188 = tpu.vector_load %arg6[%swap3A_186, %swap3A_187] {strides = array<i32>} : memref<6x512xi32, #tpu.memory_space<vmem>>, vector<1x16xi32>,
    %swap3A_189 = vector.shape_cast %swap3A_188 : vector<1x16xi32> to vector<16xi32>
    %swap3A_190 = vector.shape_cast %add3A_184 : vector<16xi32> to vector<1x16xi32>
    tpu.vector_store %arg6[%swap3A_186, %swap3A_187], %swap3A_190 {strides = array<i32>} : memref<6x512xi32, #tpu.memory_space<vmem>>, vector<1x16xi32>,
    %add3A_191 = arith.constant 640 : i32
    %add3A_192 = vector.broadcast %add3A_191 : i32 to vector<16xi32>
    %add3A_193 = arith.addi %add3A_145, %add3A_192 : vector<16xi32>
    %swap3A_194 = arith.constant 5 : i32
    %swap3A_195 = arith.index_cast %swap3A_194 : i32 to index
    %swap3A_196 = arith.constant 32 : index
    %swap3A_197 = tpu.vector_load %arg6[%swap3A_195, %swap3A_196] {strides = array<i32>} : memref<6x512xi32, #tpu.memory_space<vmem>>, vector<1x16xi32>,
    %swap3A_198 = vector.shape_cast %swap3A_197 : vector<1x16xi32> to vector<16xi32>
    %swap3A_199 = vector.shape_cast %add3A_193 : vector<16xi32> to vector<1x16xi32>
    tpu.vector_store %arg6[%swap3A_195, %swap3A_196], %swap3A_199 {strides = array<i32>} : memref<6x512xi32, #tpu.memory_space<vmem>>, vector<1x16xi32>,
    %get3A_200 = arith.constant 48 : index
    %get3A_201 = tpu.vector_load %arg5[%get3A_200] {strides = array<i32>} : memref<512xi32, #tpu.memory_space<vmem>>, vector<16xi32>,
    %get3A_202 = vector.shape_cast %get3A_201 : vector<16xi32> to vector<16xi32>
    %shift_right_arithmetic3A_203 = arith.constant 7 : i32
    %shift_right_arithmetic3A_204 = vector.broadcast %shift_right_arithmetic3A_203 : i32 to vector<16xi32>
    %shift_right_arithmetic3A_205 = arith.shrsi %get3A_202, %shift_right_arithmetic3A_204 : vector<16xi32>
    %mul3A_206 = arith.constant 1024 : i32
    %mul3A_207 = vector.broadcast %mul3A_206 : i32 to vector<16xi32>
    %mul3A_208 = arith.muli %shift_right_arithmetic3A_205, %mul3A_207 : vector<16xi32>
    %and3A_209 = arith.constant 127 : i32
    %and3A_210 = vector.broadcast %and3A_209 : i32 to vector<16xi32>
    %and3A_211 = arith.andi %get3A_202, %and3A_210 : vector<16xi32>
    %add3A_212 = arith.addi %mul3A_208, %and3A_211 : vector<16xi32>
    %add3A_213 = arith.constant 0 : i32
    %add3A_214 = vector.broadcast %add3A_213 : i32 to vector<16xi32>
    %add3A_215 = arith.addi %add3A_212, %add3A_214 : vector<16xi32>
    %swap3A_216 = arith.constant 0 : i32
    %swap3A_217 = arith.index_cast %swap3A_216 : i32 to index
    %swap3A_218 = arith.constant 48 : index
    %swap3A_219 = tpu.vector_load %arg6[%swap3A_217, %swap3A_218] {strides = array<i32>} : memref<6x512xi32, #tpu.memory_space<vmem>>, vector<1x16xi32>,
    %swap3A_220 = vector.shape_cast %swap3A_219 : vector<1x16xi32> to vector<16xi32>
    %swap3A_221 = vector.shape_cast %add3A_215 : vector<16xi32> to vector<1x16xi32>
    tpu.vector_store %arg6[%swap3A_217, %swap3A_218], %swap3A_221 {strides = array<i32>} : memref<6x512xi32, #tpu.memory_space<vmem>>, vector<1x16xi32>,
    %add3A_222 = arith.constant 128 : i32
    %add3A_223 = vector.broadcast %add3A_222 : i32 to vector<16xi32>
    %add3A_224 = arith.addi %add3A_212, %add3A_223 : vector<16xi32>
    %swap3A_225 = arith.constant 1 : i32
    %swap3A_226 = arith.index_cast %swap3A_225 : i32 to index
    %swap3A_227 = arith.constant 48 : index
    %swap3A_228 = tpu.vector_load %arg6[%swap3A_226, %swap3A_227] {strides = array<i32>} : memref<6x512xi32, #tpu.memory_space<vmem>>, vector<1x16xi32>,
    %swap3A_229 = vector.shape_cast %swap3A_228 : vector<1x16xi32> to vector<16xi32>
    %swap3A_230 = vector.shape_cast %add3A_224 : vector<16xi32> to vector<1x16xi32>
    tpu.vector_store %arg6[%swap3A_226, %swap3A_227], %swap3A_230 {strides = array<i32>} : memref<6x512xi32, #tpu.memory_space<vmem>>, vector<1x16xi32>,
    %add3A_231 = arith.constant 256 : i32
    %add3A_232 = vector.broadcast %add3A_231 : i32 to vector<16xi32>
    %add3A_233 = arith.addi %add3A_212, %add3A_232 : vector<16xi32>
    %swap3A_234 = arith.constant 2 : i32
    %swap3A_235 = arith.index_cast %swap3A_234 : i32 to index
    %swap3A_236 = arith.constant 48 : index
    %swap3A_237 = tpu.vector_load %arg6[%swap3A_235, %swap3A_236] {strides = array<i32>} : memref<6x512xi32, #tpu.memory_space<vmem>>, vector<1x16xi32>,
    %swap3A_238 = vector.shape_cast %swap3A_237 : vector<1x16xi32> to vector<16xi32>
    %swap3A_239 = vector.shape_cast %add3A_233 : vector<16xi32> to vector<1x16xi32>
    tpu.vector_store %arg6[%swap3A_235, %swap3A_236], %swap3A_239 {strides = array<i32>} : memref<6x512xi32, #tpu.memory_space<vmem>>, vector<1x16xi32>,
    %add3A_240 = arith.constant 384 : i32
    %add3A_241 = vector.broadcast %add3A_240 : i32 to vector<16xi32>
    %add3A_242 = arith.addi %add3A_212, %add3A_241 : vector<16xi32>
    %swap3A_243 = arith.constant 3 : i32
    %swap3A_244 = arith.index_cast %swap3A_243 : i32 to index
    %swap3A_245 = arith.constant 48 : index
    %swap3A_246 = tpu.vector_load %arg6[%swap3A_244, %swap3A_245] {strides = array<i32>} : memref<6x512xi32, #tpu.memory_space<vmem>>, vector<1x16xi32>,
    %swap3A_247 = vector.shape_cast %swap3A_246 : vector<1x16xi32> to vector<16xi32>
    %swap3A_248 = vector.shape_cast %add3A_242 : vector<16xi32> to vector<1x16xi32>
    tpu.vector_store %arg6[%swap3A_244, %swap3A_245], %swap3A_248 {strides = array<i32>} : memref<6x512xi32, #tpu.memory_space<vmem>>, vector<1x16xi32>,
    %add3A_249 = arith.constant 512 : i32
    %add3A_250 = vector.broadcast %add3A_249 : i32 to vector<16xi32>
    %add3A_251 = arith.addi %add3A_212, %add3A_250 : vector<16xi32>
    %swap3A_252 = arith.constant 4 : i32
    %swap3A_253 = arith.index_cast %swap3A_252 : i32 to index
    %swap3A_254 = arith.constant 48 : index
    %swap3A_255 = tpu.vector_load %arg6[%swap3A_253, %swap3A_254] {strides = array<i32>} : memref<6x512xi32, #tpu.memory_space<vmem>>, vector<1x16xi32>,
    %swap3A_256 = vector.shape_cast %swap3A_255 : vector<1x16xi32> to vector<16xi32>
    %swap3A_257 = vector.shape_cast %add3A_251 : vector<16xi32> to vector<1x16xi32>
    tpu.vector_store %arg6[%swap3A_253, %swap3A_254], %swap3A_257 {strides = array<i32>} : memref<6x512xi32, #tpu.memory_space<vmem>>, vector<1x16xi32>,
    %add3A_258 = arith.constant 640 : i32
    %add3A_259 = vector.broadcast %add3A_258 : i32 to vector<16xi32>
    %add3A_260 = arith.addi %add3A_212, %add3A_259 : vector<16xi32>
    %swap3A_261 = arith.constant 5 : i32
    %swap3A_262 = arith.index_cast %swap3A_261 : i32 to index
    %swap3A_263 = arith.constant 48 : index
    %swap3A_264 = tpu.vector_load %arg6[%swap3A_262, %swap3A_263] {strides = array<i32>} : memref<6x512xi32, #tpu.memory_space<vmem>>, vector<1x16xi32>,
    %swap3A_265 = vector.shape_cast %swap3A_264 : vector<1x16xi32> to vector<16xi32>
    %swap3A_266 = vector.shape_cast %add3A_260 : vector<16xi32> to vector<1x16xi32>
    tpu.vector_store %arg6[%swap3A_262, %swap3A_263], %swap3A_266 {strides = array<i32>} : memref<6x512xi32, #tpu.memory_space<vmem>>, vector<1x16xi32>,
    %get3A_267 = arith.constant 64 : index
    %get3A_268 = tpu.vector_load %arg5[%get3A_267] {strides = array<i32>} : memref<512xi32, #tpu.memory_space<vmem>>, vector<16xi32>,
    %get3A_269 = vector.shape_cast %get3A_268 : vector<16xi32> to vector<16xi32>
    %shift_right_arithmetic3A_270 = arith.constant 7 : i32
    %shift_right_arithmetic3A_271 = vector.broadcast %shift_right_arithmetic3A_270 : i32 to vector<16xi32>
    %shift_right_arithmetic3A_272 = arith.shrsi %get3A_269, %shift_right_arithmetic3A_271 : vector<16xi32>
    %mul3A_273 = arith.constant 1024 : i32
    %mul3A_274 = vector.broadcast %mul3A_273 : i32 to vector<16xi32>
    %mul3A_275 = arith.muli %shift_right_arithmetic3A_272, %mul3A_274 : vector<16xi32>
    %and3A_276 = arith.constant 127 : i32
    %and3A_277 = vector.broadcast %and3A_276 : i32 to vector<16xi32>
    %and3A_278 = arith.andi %get3A_269, %and3A_277 : vector<16xi32>
    %add3A_279 = arith.addi %mul3A_275, %and3A_278 : vector<16xi32>
    %add3A_280 = arith.constant 0 : i32
    %add3A_281 = vector.broadcast %add3A_280 : i32 to vector<16xi32>
    %add3A_282 = arith.addi %add3A_279, %add3A_281 : vector<16xi32>
    %swap3A_283 = arith.constant 0 : i32
    %swap3A_284 = arith.index_cast %swap3A_283 : i32 to index
    %swap3A_285 = arith.constant 64 : index
    %swap3A_286 = tpu.vector_load %arg6[%swap3A_284, %swap3A_285] {strides = array<i32>} : memref<6x512xi32, #tpu.memory_space<vmem>>, vector<1x16xi32>,
    %swap3A_287 = vector.shape_cast %swap3A_286 : vector<1x16xi32> to vector<16xi32>
    %swap3A_288 = vector.shape_cast %add3A_282 : vector<16xi32> to vector<1x16xi32>
    tpu.vector_store %arg6[%swap3A_284, %swap3A_285], %swap3A_288 {strides = array<i32>} : memref<6x512xi32, #tpu.memory_space<vmem>>, vector<1x16xi32>,
    %add3A_289 = arith.constant 128 : i32
    %add3A_290 = vector.broadcast %add3A_289 : i32 to vector<16xi32>
    %add3A_291 = arith.addi %add3A_279, %add3A_290 : vector<16xi32>
    %swap3A_292 = arith.constant 1 : i32
    %swap3A_293 = arith.index_cast %swap3A_292 : i32 to index
    %swap3A_294 = arith.constant 64 : index
    %swap3A_295 = tpu.vector_load %arg6[%swap3A_293, %swap3A_294] {strides = array<i32>} : memref<6x512xi32, #tpu.memory_space<vmem>>, vector<1x16xi32>,
    %swap3A_296 = vector.shape_cast %swap3A_295 : vector<1x16xi32> to vector<16xi32>
    %swap3A_297 = vector.shape_cast %add3A_291 : vector<16xi32> to vector<1x16xi32>
    tpu.vector_store %arg6[%swap3A_293, %swap3A_294], %swap3A_297 {strides = array<i32>} : memref<6x512xi32, #tpu.memory_space<vmem>>, vector<1x16xi32>,
    %add3A_298 = arith.constant 256 : i32
    %add3A_299 = vector.broadcast %add3A_298 : i32 to vector<16xi32>
    %add3A_300 = arith.addi %add3A_279, %add3A_299 : vector<16xi32>
    %swap3A_301 = arith.constant 2 : i32
    %swap3A_302 = arith.index_cast %swap3A_301 : i32 to index
    %swap3A_303 = arith.constant 64 : index
    %swap3A_304 = tpu.vector_load %arg6[%swap3A_302, %swap3A_303] {strides = array<i32>} : memref<6x512xi32, #tpu.memory_space<vmem>>, vector<1x16xi32>,
    %swap3A_305 = vector.shape_cast %swap3A_304 : vector<1x16xi32> to vector<16xi32>
    %swap3A_306 = vector.shape_cast %add3A_300 : vector<16xi32> to vector<1x16xi32>
    tpu.vector_store %arg6[%swap3A_302, %swap3A_303], %swap3A_306 {strides = array<i32>} : memref<6x512xi32, #tpu.memory_space<vmem>>, vector<1x16xi32>,
    %add3A_307 = arith.constant 384 : i32
    %add3A_308 = vector.broadcast %add3A_307 : i32 to vector<16xi32>
    %add3A_309 = arith.addi %add3A_279, %add3A_308 : vector<16xi32>
    %swap3A_310 = arith.constant 3 : i32
    %swap3A_311 = arith.index_cast %swap3A_310 : i32 to index
    %swap3A_312 = arith.constant 64 : index
    %swap3A_313 = tpu.vector_load %arg6[%swap3A_311, %swap3A_312] {strides = array<i32>} : memref<6x512xi32, #tpu.memory_space<vmem>>, vector<1x16xi32>,
    %swap3A_314 = vector.shape_cast %swap3A_313 : vector<1x16xi32> to vector<16xi32>
    %swap3A_315 = vector.shape_cast %add3A_309 : vector<16xi32> to vector<1x16xi32>
    tpu.vector_store %arg6[%swap3A_311, %swap3A_312], %swap3A_315 {strides = array<i32>} : memref<6x512xi32, #tpu.memory_space<vmem>>, vector<1x16xi32>,
    %add3A_316 = arith.constant 512 : i32
    %add3A_317 = vector.broadcast %add3A_316 : i32 to vector<16xi32>
    %add3A_318 = arith.addi %add3A_279, %add3A_317 : vector<16xi32>
    %swap3A_319 = arith.constant 4 : i32
    %swap3A_320 = arith.index_cast %swap3A_319 : i32 to index
    %swap3A_321 = arith.constant 64 : index
    %swap3A_322 = tpu.vector_load %arg6[%swap3A_320, %swap3A_321] {strides = array<i32>} : memref<6x512xi32, #tpu.memory_space<vmem>>, vector<1x16xi32>,
    %swap3A_323 = vector.shape_cast %swap3A_322 : vector<1x16xi32> to vector<16xi32>
    %swap3A_324 = vector.shape_cast %add3A_318 : vector<16xi32> to vector<1x16xi32>
    tpu.vector_store %arg6[%swap3A_320, %swap3A_321], %swap3A_324 {strides = array<i32>} : memref<6x512xi32, #tpu.memory_space<vmem>>, vector<1x16xi32>,
    %add3A_325 = arith.constant 640 : i32
    %add3A_326 = vector.broadcast %add3A_325 : i32 to vector<16xi32>
    %add3A_327 = arith.addi %add3A_279, %add3A_326 : vector<16xi32>
    %swap3A_328 = arith.constant 5 : i32
    %swap3A_329 = arith.index_cast %swap3A_328 : i32 to index
    %swap3A_330 = arith.constant 64 : index
    %swap3A_331 = tpu.vector_load %arg6[%swap3A_329, %swap3A_330] {strides = array<i32>} : memref<6x512xi32, #tpu.memory_space<vmem>>, vector<1x16xi32>,
    %swap3A_332 = vector.shape_cast %swap3A_331 : vector<1x16xi32> to vector<16xi32>
    %swap3A_333 = vector.shape_cast %add3A_327 : vector<16xi32> to vector<1x16xi32>
    tpu.vector_store %arg6[%swap3A_329, %swap3A_330], %swap3A_333 {strides = array<i32>} : memref<6x512xi32, #tpu.memory_space<vmem>>, vector<1x16xi32>,
    %get3A_334 = arith.constant 80 : index
    %get3A_335 = tpu.vector_load %arg5[%get3A_334] {strides = array<i32>} : memref<512xi32, #tpu.memory_space<vmem>>, vector<16xi32>,
    %get3A_336 = vector.shape_cast %get3A_335 : vector<16xi32> to vector<16xi32>
    %shift_right_arithmetic3A_337 = arith.constant 7 : i32
    %shift_right_arithmetic3A_338 = vector.broadcast %shift_right_arithmetic3A_337 : i32 to vector<16xi32>
    %shift_right_arithmetic3A_339 = arith.shrsi %get3A_336, %shift_right_arithmetic3A_338 : vector<16xi32>
    %mul3A_340 = arith.constant 1024 : i32
    %mul3A_341 = vector.broadcast %mul3A_340 : i32 to vector<16xi32>
    %mul3A_342 = arith.muli %shift_right_arithmetic3A_339, %mul3A_341 : vector<16xi32>
    %and3A_343 = arith.constant 127 : i32
    %and3A_344 = vector.broadcast %and3A_343 : i32 to vector<16xi32>
    %and3A_345 = arith.andi %get3A_336, %and3A_344 : vector<16xi32>
    %add3A_346 = arith.addi %mul3A_342, %and3A_345 : vector<16xi32>
    %add3A_347 = arith.constant 0 : i32
    %add3A_348 = vector.broadcast %add3A_347 : i32 to vector<16xi32>
    %add3A_349 = arith.addi %add3A_346, %add3A_348 : vector<16xi32>
    %swap3A_350 = arith.constant 0 : i32
    %swap3A_351 = arith.index_cast %swap3A_350 : i32 to index
    %swap3A_352 = arith.constant 80 : index
    %swap3A_353 = tpu.vector_load %arg6[%swap3A_351, %swap3A_352] {strides = array<i32>} : memref<6x512xi32, #tpu.memory_space<vmem>>, vector<1x16xi32>,
    %swap3A_354 = vector.shape_cast %swap3A_353 : vector<1x16xi32> to vector<16xi32>
    %swap3A_355 = vector.shape_cast %add3A_349 : vector<16xi32> to vector<1x16xi32>
    tpu.vector_store %arg6[%swap3A_351, %swap3A_352], %swap3A_355 {strides = array<i32>} : memref<6x512xi32, #tpu.memory_space<vmem>>, vector<1x16xi32>,
    %add3A_356 = arith.constant 128 : i32
    %add3A_357 = vector.broadcast %add3A_356 : i32 to vector<16xi32>
    %add3A_358 = arith.addi %add3A_346, %add3A_357 : vector<16xi32>
    %swap3A_359 = arith.constant 1 : i32
    %swap3A_360 = arith.index_cast %swap3A_359 : i32 to index
    %swap3A_361 = arith.constant 80 : index
    %swap3A_362 = tpu.vector_load %arg6[%swap3A_360, %swap3A_361] {strides = array<i32>} : memref<6x512xi32, #tpu.memory_space<vmem>>, vector<1x16xi32>,
    %swap3A_363 = vector.shape_cast %swap3A_362 : vector<1x16xi32> to vector<16xi32>
    %swap3A_364 = vector.shape_cast %add3A_358 : vector<16xi32> to vector<1x16xi32>
    tpu.vector_store %arg6[%swap3A_360, %swap3A_361], %swap3A_364 {strides = array<i32>} : memref<6x512xi32, #tpu.memory_space<vmem>>, vector<1x16xi32>,
    %add3A_365 = arith.constant 256 : i32
    %add3A_366 = vector.broadcast %add3A_365 : i32 to vector<16xi32>
    %add3A_367 = arith.addi %add3A_346, %add3A_366 : vector<16xi32>
    %swap3A_368 = arith.constant 2 : i32
    %swap3A_369 = arith.index_cast %swap3A_368 : i32 to index
    %swap3A_370 = arith.constant 80 : index
    %swap3A_371 = tpu.vector_load %arg6[%swap3A_369, %swap3A_370] {strides = array<i32>} : memref<6x512xi32, #tpu.memory_space<vmem>>, vector<1x16xi32>,
    %swap3A_372 = vector.shape_cast %swap3A_371 : vector<1x16xi32> to vector<16xi32>
    %swap3A_373 = vector.shape_cast %add3A_367 : vector<16xi32> to vector<1x16xi32>
    tpu.vector_store %arg6[%swap3A_369, %swap3A_370], %swap3A_373 {strides = array<i32>} : memref<6x512xi32, #tpu.memory_space<vmem>>, vector<1x16xi32>,
    %add3A_374 = arith.constant 384 : i32
    %add3A_375 = vector.broadcast %add3A_374 : i32 to vector<16xi32>
    %add3A_376 = arith.addi %add3A_346, %add3A_375 : vector<16xi32>
    %swap3A_377 = arith.constant 3 : i32
    %swap3A_378 = arith.index_cast %swap3A_377 : i32 to index
    %swap3A_379 = arith.constant 80 : index
    %swap3A_380 = tpu.vector_load %arg6[%swap3A_378, %swap3A_379] {strides = array<i32>} : memref<6x512xi32, #tpu.memory_space<vmem>>, vector<1x16xi32>,
    %swap3A_381 = vector.shape_cast %swap3A_380 : vector<1x16xi32> to vector<16xi32>
    %swap3A_382 = vector.shape_cast %add3A_376 : vector<16xi32> to vector<1x16xi32>
    tpu.vector_store %arg6[%swap3A_378, %swap3A_379], %swap3A_382 {strides = array<i32>} : memref<6x512xi32, #tpu.memory_space<vmem>>, vector<1x16xi32>,
    %add3A_383 = arith.constant 512 : i32
    %add3A_384 = vector.broadcast %add3A_383 : i32 to vector<16xi32>
    %add3A_385 = arith.addi %add3A_346, %add3A_384 : vector<16xi32>
    %swap3A_386 = arith.constant 4 : i32
    %swap3A_387 = arith.index_cast %swap3A_386 : i32 to index
    %swap3A_388 = arith.constant 80 : index
    %swap3A_389 = tpu.vector_load %arg6[%swap3A_387, %swap3A_388] {strides = array<i32>} : memref<6x512xi32, #tpu.memory_space<vmem>>, vector<1x16xi32>,
    %swap3A_390 = vector.shape_cast %swap3A_389 : vector<1x16xi32> to vector<16xi32>
    %swap3A_391 = vector.shape_cast %add3A_385 : vector<16xi32> to vector<1x16xi32>
    tpu.vector_store %arg6[%swap3A_387, %swap3A_388], %swap3A_391 {strides = array<i32>} : memref<6x512xi32, #tpu.memory_space<vmem>>, vector<1x16xi32>,
    %add3A_392 = arith.constant 640 : i32
    %add3A_393 = vector.broadcast %add3A_392 : i32 to vector<16xi32>
    %add3A_394 = arith.addi %add3A_346, %add3A_393 : vector<16xi32>
    %swap3A_395 = arith.constant 5 : i32
    %swap3A_396 = arith.index_cast %swap3A_395 : i32 to index
    %swap3A_397 = arith.constant 80 : index
    %swap3A_398 = tpu.vector_load %arg6[%swap3A_396, %swap3A_397] {strides = array<i32>} : memref<6x512xi32, #tpu.memory_space<vmem>>, vector<1x16xi32>,
    %swap3A_399 = vector.shape_cast %swap3A_398 : vector<1x16xi32> to vector<16xi32>
    %swap3A_400 = vector.shape_cast %add3A_394 : vector<16xi32> to vector<1x16xi32>
    tpu.vector_store %arg6[%swap3A_396, %swap3A_397], %swap3A_400 {strides = array<i32>} : memref<6x512xi32, #tpu.memory_space<vmem>>, vector<1x16xi32>,
    %get3A_401 = arith.constant 96 : index
    %get3A_402 = tpu.vector_load %arg5[%get3A_401] {strides = array<i32>} : memref<512xi32, #tpu.memory_space<vmem>>, vector<16xi32>,
    %get3A_403 = vector.shape_cast %get3A_402 : vector<16xi32> to vector<16xi32>
    %shift_right_arithmetic3A_404 = arith.constant 7 : i32
    %shift_right_arithmetic3A_405 = vector.broadcast %shift_right_arithmetic3A_404 : i32 to vector<16xi32>
    %shift_right_arithmetic3A_406 = arith.shrsi %get3A_403, %shift_right_arithmetic3A_405 : vector<16xi32>
    %mul3A_407 = arith.constant 1024 : i32
    %mul3A_408 = vector.broadcast %mul3A_407 : i32 to vector<16xi32>
    %mul3A_409 = arith.muli %shift_right_arithmetic3A_406, %mul3A_408 : vector<16xi32>
    %and3A_410 = arith.constant 127 : i32
    %and3A_411 = vector.broadcast %and3A_410 : i32 to vector<16xi32>
    %and3A_412 = arith.andi %get3A_403, %and3A_411 : vector<16xi32>
    %add3A_413 = arith.addi %mul3A_409, %and3A_412 : vector<16xi32>
    %add3A_414 = arith.constant 0 : i32
    %add3A_415 = vector.broadcast %add3A_414 : i32 to vector<16xi32>
    %add3A_416 = arith.addi %add3A_413, %add3A_415 : vector<16xi32>
    %swap3A_417 = arith.constant 0 : i32
    %swap3A_418 = arith.index_cast %swap3A_417 : i32 to index
    %swap3A_419 = arith.constant 96 : index
    %swap3A_420 = tpu.vector_load %arg6[%swap3A_418, %swap3A_419] {strides = array<i32>} : memref<6x512xi32, #tpu.memory_space<vmem>>, vector<1x16xi32>,
    %swap3A_421 = vector.shape_cast %swap3A_420 : vector<1x16xi32> to vector<16xi32>
    %swap3A_422 = vector.shape_cast %add3A_416 : vector<16xi32> to vector<1x16xi32>
    tpu.vector_store %arg6[%swap3A_418, %swap3A_419], %swap3A_422 {strides = array<i32>} : memref<6x512xi32, #tpu.memory_space<vmem>>, vector<1x16xi32>,
    %add3A_423 = arith.constant 128 : i32
    %add3A_424 = vector.broadcast %add3A_423 : i32 to vector<16xi32>
    %add3A_425 = arith.addi %add3A_413, %add3A_424 : vector<16xi32>
    %swap3A_426 = arith.constant 1 : i32
    %swap3A_427 = arith.index_cast %swap3A_426 : i32 to index
    %swap3A_428 = arith.constant 96 : index
    %swap3A_429 = tpu.vector_load %arg6[%swap3A_427, %swap3A_428] {strides = array<i32>} : memref<6x512xi32, #tpu.memory_space<vmem>>, vector<1x16xi32>,
    %swap3A_430 = vector.shape_cast %swap3A_429 : vector<1x16xi32> to vector<16xi32>
    %swap3A_431 = vector.shape_cast %add3A_425 : vector<16xi32> to vector<1x16xi32>
    tpu.vector_store %arg6[%swap3A_427, %swap3A_428], %swap3A_431 {strides = array<i32>} : memref<6x512xi32, #tpu.memory_space<vmem>>, vector<1x16xi32>,
    %add3A_432 = arith.constant 256 : i32
    %add3A_433 = vector.broadcast %add3A_432 : i32 to vector<16xi32>
    %add3A_434 = arith.addi %add3A_413, %add3A_433 : vector<16xi32>
    %swap3A_435 = arith.constant 2 : i32
    %swap3A_436 = arith.index_cast %swap3A_435 : i32 to index
    %swap3A_437 = arith.constant 96 : index
    %swap3A_438 = tpu.vector_load %arg6[%swap3A_436, %swap3A_437] {strides = array<i32>} : memref<6x512xi32, #tpu.memory_space<vmem>>, vector<1x16xi32>,
    %swap3A_439 = vector.shape_cast %swap3A_438 : vector<1x16xi32> to vector<16xi32>
    %swap3A_440 = vector.shape_cast %add3A_434 : vector<16xi32> to vector<1x16xi32>
    tpu.vector_store %arg6[%swap3A_436, %swap3A_437], %swap3A_440 {strides = array<i32>} : memref<6x512xi32, #tpu.memory_space<vmem>>, vector<1x16xi32>,
    %add3A_441 = arith.constant 384 : i32
    %add3A_442 = vector.broadcast %add3A_441 : i32 to vector<16xi32>
    %add3A_443 = arith.addi %add3A_413, %add3A_442 : vector<16xi32>
    %swap3A_444 = arith.constant 3 : i32
    %swap3A_445 = arith.index_cast %swap3A_444 : i32 to index
    %swap3A_446 = arith.constant 96 : index
    %swap3A_447 = tpu.vector_load %arg6[%swap3A_445, %swap3A_446] {strides = array<i32>} : memref<6x512xi32, #tpu.memory_space<vmem>>, vector<1x16xi32>,
    %swap3A_448 = vector.shape_cast %swap3A_447 : vector<1x16xi32> to vector<16xi32>
    %swap3A_449 = vector.shape_cast %add3A_443 : vector<16xi32> to vector<1x16xi32>
    tpu.vector_store %arg6[%swap3A_445, %swap3A_446], %swap3A_449 {strides = array<i32>} : memref<6x512xi32, #tpu.memory_space<vmem>>, vector<1x16xi32>,
    %add3A_450 = arith.constant 512 : i32
    %add3A_451 = vector.broadcast %add3A_450 : i32 to vector<16xi32>
    %add3A_452 = arith.addi %add3A_413, %add3A_451 : vector<16xi32>
    %swap3A_453 = arith.constant 4 : i32
    %swap3A_454 = arith.index_cast %swap3A_453 : i32 to index
    %swap3A_455 = arith.constant 96 : index
    %swap3A_456 = tpu.vector_load %arg6[%swap3A_454, %swap3A_455] {strides = array<i32>} : memref<6x512xi32, #tpu.memory_space<vmem>>, vector<1x16xi32>,
    %swap3A_457 = vector.shape_cast %swap3A_456 : vector<1x16xi32> to vector<16xi32>
    %swap3A_458 = vector.shape_cast %add3A_452 : vector<16xi32> to vector<1x16xi32>
    tpu.vector_store %arg6[%swap3A_454, %swap3A_455], %swap3A_458 {strides = array<i32>} : memref<6x512xi32, #tpu.memory_space<vmem>>, vector<1x16xi32>,
    %add3A_459 = arith.constant 640 : i32
    %add3A_460 = vector.broadcast %add3A_459 : i32 to vector<16xi32>
    %add3A_461 = arith.addi %add3A_413, %add3A_460 : vector<16xi32>
    %swap3A_462 = arith.constant 5 : i32
    %swap3A_463 = arith.index_cast %swap3A_462 : i32 to index
    %swap3A_464 = arith.constant 96 : index
    %swap3A_465 = tpu.vector_load %arg6[%swap3A_463, %swap3A_464] {strides = array<i32>} : memref<6x512xi32, #tpu.memory_space<vmem>>, vector<1x16xi32>,
    %swap3A_466 = vector.shape_cast %swap3A_465 : vector<1x16xi32> to vector<16xi32>
    %swap3A_467 = vector.shape_cast %add3A_461 : vector<16xi32> to vector<1x16xi32>
    tpu.vector_store %arg6[%swap3A_463, %swap3A_464], %swap3A_467 {strides = array<i32>} : memref<6x512xi32, #tpu.memory_space<vmem>>, vector<1x16xi32>,
    %get3A_468 = arith.constant 112 : index
    %get3A_469 = tpu.vector_load %arg5[%get3A_468] {strides = array<i32>} : memref<512xi32, #tpu.memory_space<vmem>>, vector<16xi32>,
    %get3A_470 = vector.shape_cast %get3A_469 : vector<16xi32> to vector<16xi32>
    %shift_right_arithmetic3A_471 = arith.constant 7 : i32
    %shift_right_arithmetic3A_472 = vector.broadcast %shift_right_arithmetic3A_471 : i32 to vector<16xi32>
    %shift_right_arithmetic3A_473 = arith.shrsi %get3A_470, %shift_right_arithmetic3A_472 : vector<16xi32>
    %mul3A_474 = arith.constant 1024 : i32
    %mul3A_475 = vector.broadcast %mul3A_474 : i32 to vector<16xi32>
    %mul3A_476 = arith.muli %shift_right_arithmetic3A_473, %mul3A_475 : vector<16xi32>
    %and3A_477 = arith.constant 127 : i32
    %and3A_478 = vector.broadcast %and3A_477 : i32 to vector<16xi32>
    %and3A_479 = arith.andi %get3A_470, %and3A_478 : vector<16xi32>
    %add3A_480 = arith.addi %mul3A_476, %and3A_479 : vector<16xi32>
    %add3A_481 = arith.constant 0 : i32
    %add3A_482 = vector.broadcast %add3A_481 : i32 to vector<16xi32>
    %add3A_483 = arith.addi %add3A_480, %add3A_482 : vector<16xi32>
    %swap3A_484 = arith.constant 0 : i32
    %swap3A_485 = arith.index_cast %swap3A_484 : i32 to index
    %swap3A_486 = arith.constant 112 : index
    %swap3A_487 = tpu.vector_load %arg6[%swap3A_485, %swap3A_486] {strides = array<i32>} : memref<6x512xi32, #tpu.memory_space<vmem>>, vector<1x16xi32>,
    %swap3A_488 = vector.shape_cast %swap3A_487 : vector<1x16xi32> to vector<16xi32>
    %swap3A_489 = vector.shape_cast %add3A_483 : vector<16xi32> to vector<1x16xi32>
    tpu.vector_store %arg6[%swap3A_485, %swap3A_486], %swap3A_489 {strides = array<i32>} : memref<6x512xi32, #tpu.memory_space<vmem>>, vector<1x16xi32>,
    %add3A_490 = arith.constant 128 : i32
    %add3A_491 = vector.broadcast %add3A_490 : i32 to vector<16xi32>
    %add3A_492 = arith.addi %add3A_480, %add3A_491 : vector<16xi32>
    %swap3A_493 = arith.constant 1 : i32
    %swap3A_494 = arith.index_cast %swap3A_493 : i32 to index
    %swap3A_495 = arith.constant 112 : index
    %swap3A_496 = tpu.vector_load %arg6[%swap3A_494, %swap3A_495] {strides = array<i32>} : memref<6x512xi32, #tpu.memory_space<vmem>>, vector<1x16xi32>,
    %swap3A_497 = vector.shape_cast %swap3A_496 : vector<1x16xi32> to vector<16xi32>
    %swap3A_498 = vector.shape_cast %add3A_492 : vector<16xi32> to vector<1x16xi32>
    tpu.vector_store %arg6[%swap3A_494, %swap3A_495], %swap3A_498 {strides = array<i32>} : memref<6x512xi32, #tpu.memory_space<vmem>>, vector<1x16xi32>,
    %add3A_499 = arith.constant 256 : i32
    %add3A_500 = vector.broadcast %add3A_499 : i32 to vector<16xi32>
    %add3A_501 = arith.addi %add3A_480, %add3A_500 : vector<16xi32>
    %swap3A_502 = arith.constant 2 : i32
    %swap3A_503 = arith.index_cast %swap3A_502 : i32 to index
    %swap3A_504 = arith.constant 112 : index
    %swap3A_505 = tpu.vector_load %arg6[%swap3A_503, %swap3A_504] {strides = array<i32>} : memref<6x512xi32, #tpu.memory_space<vmem>>, vector<1x16xi32>,
    %swap3A_506 = vector.shape_cast %swap3A_505 : vector<1x16xi32> to vector<16xi32>
    %swap3A_507 = vector.shape_cast %add3A_501 : vector<16xi32> to vector<1x16xi32>
    tpu.vector_store %arg6[%swap3A_503, %swap3A_504], %swap3A_507 {strides = array<i32>} : memref<6x512xi32, #tpu.memory_space<vmem>>, vector<1x16xi32>,
    %add3A_508 = arith.constant 384 : i32
    %add3A_509 = vector.broadcast %add3A_508 : i32 to vector<16xi32>
    %add3A_510 = arith.addi %add3A_480, %add3A_509 : vector<16xi32>
    %swap3A_511 = arith.constant 3 : i32
    %swap3A_512 = arith.index_cast %swap3A_511 : i32 to index
    %swap3A_513 = arith.constant 112 : index
    %swap3A_514 = tpu.vector_load %arg6[%swap3A_512, %swap3A_513] {strides = array<i32>} : memref<6x512xi32, #tpu.memory_space<vmem>>, vector<1x16xi32>,
    %swap3A_515 = vector.shape_cast %swap3A_514 : vector<1x16xi32> to vector<16xi32>
    %swap3A_516 = vector.shape_cast %add3A_510 : vector<16xi32> to vector<1x16xi32>
    tpu.vector_store %arg6[%swap3A_512, %swap3A_513], %swap3A_516 {strides = array<i32>} : memref<6x512xi32, #tpu.memory_space<vmem>>, vector<1x16xi32>,
    %add3A_517 = arith.constant 512 : i32
    %add3A_518 = vector.broadcast %add3A_517 : i32 to vector<16xi32>
    %add3A_519 = arith.addi %add3A_480, %add3A_518 : vector<16xi32>
    %swap3A_520 = arith.constant 4 : i32
    %swap3A_521 = arith.index_cast %swap3A_520 : i32 to index
    %swap3A_522 = arith.constant 112 : index
    %swap3A_523 = tpu.vector_load %arg6[%swap3A_521, %swap3A_522] {strides = array<i32>} : memref<6x512xi32, #tpu.memory_space<vmem>>, vector<1x16xi32>,
    %swap3A_524 = vector.shape_cast %swap3A_523 : vector<1x16xi32> to vector<16xi32>
    %swap3A_525 = vector.shape_cast %add3A_519 : vector<16xi32> to vector<1x16xi32>
    tpu.vector_store %arg6[%swap3A_521, %swap3A_522], %swap3A_525 {strides = array<i32>} : memref<6x512xi32, #tpu.memory_space<vmem>>, vector<1x16xi32>,
    %add3A_526 = arith.constant 640 : i32
    %add3A_527 = vector.broadcast %add3A_526 : i32 to vector<16xi32>
    %add3A_528 = arith.addi %add3A_480, %add3A_527 : vector<16xi32>
    %swap3A_529 = arith.constant 5 : i32
    %swap3A_530 = arith.index_cast %swap3A_529 : i32 to index
    %swap3A_531 = arith.constant 112 : index
    %swap3A_532 = tpu.vector_load %arg6[%swap3A_530, %swap3A_531] {strides = array<i32>} : memref<6x512xi32, #tpu.memory_space<vmem>>, vector<1x16xi32>,
    %swap3A_533 = vector.shape_cast %swap3A_532 : vector<1x16xi32> to vector<16xi32>
    %swap3A_534 = vector.shape_cast %add3A_528 : vector<16xi32> to vector<1x16xi32>
    tpu.vector_store %arg6[%swap3A_530, %swap3A_531], %swap3A_534 {strides = array<i32>} : memref<6x512xi32, #tpu.memory_space<vmem>>, vector<1x16xi32>,
    %get3A_535 = arith.constant 128 : index
    %get3A_536 = tpu.vector_load %arg5[%get3A_535] {strides = array<i32>} : memref<512xi32, #tpu.memory_space<vmem>>, vector<16xi32>,
    %get3A_537 = vector.shape_cast %get3A_536 : vector<16xi32> to vector<16xi32>
    %shift_right_arithmetic3A_538 = arith.constant 7 : i32
    %shift_right_arithmetic3A_539 = vector.broadcast %shift_right_arithmetic3A_538 : i32 to vector<16xi32>
    %shift_right_arithmetic3A_540 = arith.shrsi %get3A_537, %shift_right_arithmetic3A_539 : vector<16xi32>
    %mul3A_541 = arith.constant 1024 : i32
    %mul3A_542 = vector.broadcast %mul3A_541 : i32 to vector<16xi32>
    %mul3A_543 = arith.muli %shift_right_arithmetic3A_540, %mul3A_542 : vector<16xi32>
    %and3A_544 = arith.constant 127 : i32
    %and3A_545 = vector.broadcast %and3A_544 : i32 to vector<16xi32>
    %and3A_546 = arith.andi %get3A_537, %and3A_545 : vector<16xi32>
    %add3A_547 = arith.addi %mul3A_543, %and3A_546 : vector<16xi32>
    %add3A_548 = arith.constant 0 : i32
    %add3A_549 = vector.broadcast %add3A_548 : i32 to vector<16xi32>
    %add3A_550 = arith.addi %add3A_547, %add3A_549 : vector<16xi32>
    %swap3A_551 = arith.constant 0 : i32
    %swap3A_552 = arith.index_cast %swap3A_551 : i32 to index
    %swap3A_553 = arith.constant 128 : index
    %swap3A_554 = tpu.vector_load %arg6[%swap3A_552, %swap3A_553] {strides = array<i32>} : memref<6x512xi32, #tpu.memory_space<vmem>>, vector<1x16xi32>,
    %swap3A_555 = vector.shape_cast %swap3A_554 : vector<1x16xi32> to vector<16xi32>
    %swap3A_556 = vector.shape_cast %add3A_550 : vector<16xi32> to vector<1x16xi32>
    tpu.vector_store %arg6[%swap3A_552, %swap3A_553], %swap3A_556 {strides = array<i32>} : memref<6x512xi32, #tpu.memory_space<vmem>>, vector<1x16xi32>,
    %add3A_557 = arith.constant 128 : i32
    %add3A_558 = vector.broadcast %add3A_557 : i32 to vector<16xi32>
    %add3A_559 = arith.addi %add3A_547, %add3A_558 : vector<16xi32>
    %swap3A_560 = arith.constant 1 : i32
    %swap3A_561 = arith.index_cast %swap3A_560 : i32 to index
    %swap3A_562 = arith.constant 128 : index
    %swap3A_563 = tpu.vector_load %arg6[%swap3A_561, %swap3A_562] {strides = array<i32>} : memref<6x512xi32, #tpu.memory_space<vmem>>, vector<1x16xi32>,
    %swap3A_564 = vector.shape_cast %swap3A_563 : vector<1x16xi32> to vector<16xi32>
    %swap3A_565 = vector.shape_cast %add3A_559 : vector<16xi32> to vector<1x16xi32>
    tpu.vector_store %arg6[%swap3A_561, %swap3A_562], %swap3A_565 {strides = array<i32>} : memref<6x512xi32, #tpu.memory_space<vmem>>, vector<1x16xi32>,
    %add3A_566 = arith.constant 256 : i32
    %add3A_567 = vector.broadcast %add3A_566 : i32 to vector<16xi32>
    %add3A_568 = arith.addi %add3A_547, %add3A_567 : vector<16xi32>
    %swap3A_569 = arith.constant 2 : i32
    %swap3A_570 = arith.index_cast %swap3A_569 : i32 to index
    %swap3A_571 = arith.constant 128 : index
    %swap3A_572 = tpu.vector_load %arg6[%swap3A_570, %swap3A_571] {strides = array<i32>} : memref<6x512xi32, #tpu.memory_space<vmem>>, vector<1x16xi32>,
    %swap3A_573 = vector.shape_cast %swap3A_572 : vector<1x16xi32> to vector<16xi32>
    %swap3A_574 = vector.shape_cast %add3A_568 : vector<16xi32> to vector<1x16xi32>
    tpu.vector_store %arg6[%swap3A_570, %swap3A_571], %swap3A_574 {strides = array<i32>} : memref<6x512xi32, #tpu.memory_space<vmem>>, vector<1x16xi32>,
    %add3A_575 = arith.constant 384 : i32
    %add3A_576 = vector.broadcast %add3A_575 : i32 to vector<16xi32>
    %add3A_577 = arith.addi %add3A_547, %add3A_576 : vector<16xi32>
    %swap3A_578 = arith.constant 3 : i32
    %swap3A_579 = arith.index_cast %swap3A_578 : i32 to index
    %swap3A_580 = arith.constant 128 : index
    %swap3A_581 = tpu.vector_load %arg6[%swap3A_579, %swap3A_580] {strides = array<i32>} : memref<6x512xi32, #tpu.memory_space<vmem>>, vector<1x16xi32>,
    %swap3A_582 = vector.shape_cast %swap3A_581 : vector<1x16xi32> to vector<16xi32>
    %swap3A_583 = vector.shape_cast %add3A_577 : vector<16xi32> to vector<1x16xi32>
    tpu.vector_store %arg6[%swap3A_579, %swap3A_580], %swap3A_583 {strides = array<i32>} : memref<6x512xi32, #tpu.memory_space<vmem>>, vector<1x16xi32>,
    %add3A_584 = arith.constant 512 : i32
    %add3A_585 = vector.broadcast %add3A_584 : i32 to vector<16xi32>
    %add3A_586 = arith.addi %add3A_547, %add3A_585 : vector<16xi32>
    %swap3A_587 = arith.constant 4 : i32
    %swap3A_588 = arith.index_cast %swap3A_587 : i32 to index
    %swap3A_589 = arith.constant 128 : index
    %swap3A_590 = tpu.vector_load %arg6[%swap3A_588, %swap3A_589] {strides = array<i32>} : memref<6x512xi32, #tpu.memory_space<vmem>>, vector<1x16xi32>,
    %swap3A_591 = vector.shape_cast %swap3A_590 : vector<1x16xi32> to vector<16xi32>
    %swap3A_592 = vector.shape_cast %add3A_586 : vector<16xi32> to vector<1x16xi32>
    tpu.vector_store %arg6[%swap3A_588, %swap3A_589], %swap3A_592 {strides = array<i32>} : memref<6x512xi32, #tpu.memory_space<vmem>>, vector<1x16xi32>,
    %add3A_593 = arith.constant 640 : i32
    %add3A_594 = vector.broadcast %add3A_593 : i32 to vector<16xi32>
    %add3A_595 = arith.addi %add3A_547, %add3A_594 : vector<16xi32>
    %swap3A_596 = arith.constant 5 : i32
    %swap3A_597 = arith.index_cast %swap3A_596 : i32 to index
    %swap3A_598 = arith.constant 128 : index
    %swap3A_599 = tpu.vector_load %arg6[%swap3A_597, %swap3A_598] {strides = array<i32>} : memref<6x512xi32, #tpu.memory_space<vmem>>, vector<1x16xi32>,
    %swap3A_600 = vector.shape_cast %swap3A_599 : vector<1x16xi32> to vector<16xi32>
    %swap3A_601 = vector.shape_cast %add3A_595 : vector<16xi32> to vector<1x16xi32>
    tpu.vector_store %arg6[%swap3A_597, %swap3A_598], %swap3A_601 {strides = array<i32>} : memref<6x512xi32, #tpu.memory_space<vmem>>, vector<1x16xi32>,
    %get3A_602 = arith.constant 144 : index
    %get3A_603 = tpu.vector_load %arg5[%get3A_602] {strides = array<i32>} : memref<512xi32, #tpu.memory_space<vmem>>, vector<16xi32>,
    %get3A_604 = vector.shape_cast %get3A_603 : vector<16xi32> to vector<16xi32>
    %shift_right_arithmetic3A_605 = arith.constant 7 : i32
    %shift_right_arithmetic3A_606 = vector.broadcast %shift_right_arithmetic3A_605 : i32 to vector<16xi32>
    %shift_right_arithmetic3A_607 = arith.shrsi %get3A_604, %shift_right_arithmetic3A_606 : vector<16xi32>
    %mul3A_608 = arith.constant 1024 : i32
    %mul3A_609 = vector.broadcast %mul3A_608 : i32 to vector<16xi32>
    %mul3A_610 = arith.muli %shift_right_arithmetic3A_607, %mul3A_609 : vector<16xi32>
    %and3A_611 = arith.constant 127 : i32
    %and3A_612 = vector.broadcast %and3A_611 : i32 to vector<16xi32>
    %and3A_613 = arith.andi %get3A_604, %and3A_612 : vector<16xi32>
    %add3A_614 = arith.addi %mul3A_610, %and3A_613 : vector<16xi32>
    %add3A_615 = arith.constant 0 : i32
    %add3A_616 = vector.broadcast %add3A_615 : i32 to vector<16xi32>
    %add3A_617 = arith.addi %add3A_614, %add3A_616 : vector<16xi32>
    %swap3A_618 = arith.constant 0 : i32
    %swap3A_619 = arith.index_cast %swap3A_618 : i32 to index
    %swap3A_620 = arith.constant 144 : index
    %swap3A_621 = tpu.vector_load %arg6[%swap3A_619, %swap3A_620] {strides = array<i32>} : memref<6x512xi32, #tpu.memory_space<vmem>>, vector<1x16xi32>,
    %swap3A_622 = vector.shape_cast %swap3A_621 : vector<1x16xi32> to vector<16xi32>
    %swap3A_623 = vector.shape_cast %add3A_617 : vector<16xi32> to vector<1x16xi32>
    tpu.vector_store %arg6[%swap3A_619, %swap3A_620], %swap3A_623 {strides = array<i32>} : memref<6x512xi32, #tpu.memory_space<vmem>>, vector<1x16xi32>,
    %add3A_624 = arith.constant 128 : i32
    %add3A_625 = vector.broadcast %add3A_624 : i32 to vector<16xi32>
    %add3A_626 = arith.addi %add3A_614, %add3A_625 : vector<16xi32>
    %swap3A_627 = arith.constant 1 : i32
    %swap3A_628 = arith.index_cast %swap3A_627 : i32 to index
    %swap3A_629 = arith.constant 144 : index
    %swap3A_630 = tpu.vector_load %arg6[%swap3A_628, %swap3A_629] {strides = array<i32>} : memref<6x512xi32, #tpu.memory_space<vmem>>, vector<1x16xi32>,
    %swap3A_631 = vector.shape_cast %swap3A_630 : vector<1x16xi32> to vector<16xi32>
    %swap3A_632 = vector.shape_cast %add3A_626 : vector<16xi32> to vector<1x16xi32>
    tpu.vector_store %arg6[%swap3A_628, %swap3A_629], %swap3A_632 {strides = array<i32>} : memref<6x512xi32, #tpu.memory_space<vmem>>, vector<1x16xi32>,
    %add3A_633 = arith.constant 256 : i32
    %add3A_634 = vector.broadcast %add3A_633 : i32 to vector<16xi32>
    %add3A_635 = arith.addi %add3A_614, %add3A_634 : vector<16xi32>
    %swap3A_636 = arith.constant 2 : i32
    %swap3A_637 = arith.index_cast %swap3A_636 : i32 to index
    %swap3A_638 = arith.constant 144 : index
    %swap3A_639 = tpu.vector_load %arg6[%swap3A_637, %swap3A_638] {strides = array<i32>} : memref<6x512xi32, #tpu.memory_space<vmem>>, vector<1x16xi32>,
    %swap3A_640 = vector.shape_cast %swap3A_639 : vector<1x16xi32> to vector<16xi32>
    %swap3A_641 = vector.shape_cast %add3A_635 : vector<16xi32> to vector<1x16xi32>
    tpu.vector_store %arg6[%swap3A_637, %swap3A_638], %swap3A_641 {strides = array<i32>} : memref<6x512xi32, #tpu.memory_space<vmem>>, vector<1x16xi32>,
    %add3A_642 = arith.constant 384 : i32
    %add3A_643 = vector.broadcast %add3A_642 : i32 to vector<16xi32>
    %add3A_644 = arith.addi %add3A_614, %add3A_643 : vector<16xi32>
    %swap3A_645 = arith.constant 3 : i32
    %swap3A_646 = arith.index_cast %swap3A_645 : i32 to index
    %swap3A_647 = arith.constant 144 : index
    %swap3A_648 = tpu.vector_load %arg6[%swap3A_646, %swap3A_647] {strides = array<i32>} : memref<6x512xi32, #tpu.memory_space<vmem>>, vector<1x16xi32>,
    %swap3A_649 = vector.shape_cast %swap3A_648 : vector<1x16xi32> to vector<16xi32>
    %swap3A_650 = vector.shape_cast %add3A_644 : vector<16xi32> to vector<1x16xi32>
    tpu.vector_store %arg6[%swap3A_646, %swap3A_647], %swap3A_650 {strides = array<i32>} : memref<6x512xi32, #tpu.memory_space<vmem>>, vector<1x16xi32>,
    %add3A_651 = arith.constant 512 : i32
    %add3A_652 = vector.broadcast %add3A_651 : i32 to vector<16xi32>
    %add3A_653 = arith.addi %add3A_614, %add3A_652 : vector<16xi32>
    %swap3A_654 = arith.constant 4 : i32
    %swap3A_655 = arith.index_cast %swap3A_654 : i32 to index
    %swap3A_656 = arith.constant 144 : index
    %swap3A_657 = tpu.vector_load %arg6[%swap3A_655, %swap3A_656] {strides = array<i32>} : memref<6x512xi32, #tpu.memory_space<vmem>>, vector<1x16xi32>,
    %swap3A_658 = vector.shape_cast %swap3A_657 : vector<1x16xi32> to vector<16xi32>
    %swap3A_659 = vector.shape_cast %add3A_653 : vector<16xi32> to vector<1x16xi32>
    tpu.vector_store %arg6[%swap3A_655, %swap3A_656], %swap3A_659 {strides = array<i32>} : memref<6x512xi32, #tpu.memory_space<vmem>>, vector<1x16xi32>,
    %add3A_660 = arith.constant 640 : i32
    %add3A_661 = vector.broadcast %add3A_660 : i32 to vector<16xi32>
    %add3A_662 = arith.addi %add3A_614, %add3A_661 : vector<16xi32>
    %swap3A_663 = arith.constant 5 : i32
    %swap3A_664 = arith.index_cast %swap3A_663 : i32 to index
    %swap3A_665 = arith.constant 144 : index
    %swap3A_666 = tpu.vector_load %arg6[%swap3A_664, %swap3A_665] {strides = array<i32>} : memref<6x512xi32, #tpu.memory_space<vmem>>, vector<1x16xi32>,
    %swap3A_667 = vector.shape_cast %swap3A_666 : vector<1x16xi32> to vector<16xi32>
    %swap3A_668 = vector.shape_cast %add3A_662 : vector<16xi32> to vector<1x16xi32>
    tpu.vector_store %arg6[%swap3A_664, %swap3A_665], %swap3A_668 {strides = array<i32>} : memref<6x512xi32, #tpu.memory_space<vmem>>, vector<1x16xi32>,
    %get3A_669 = arith.constant 160 : index
    %get3A_670 = tpu.vector_load %arg5[%get3A_669] {strides = array<i32>} : memref<512xi32, #tpu.memory_space<vmem>>, vector<16xi32>,
    %get3A_671 = vector.shape_cast %get3A_670 : vector<16xi32> to vector<16xi32>
    %shift_right_arithmetic3A_672 = arith.constant 7 : i32
    %shift_right_arithmetic3A_673 = vector.broadcast %shift_right_arithmetic3A_672 : i32 to vector<16xi32>
    %shift_right_arithmetic3A_674 = arith.shrsi %get3A_671, %shift_right_arithmetic3A_673 : vector<16xi32>
    %mul3A_675 = arith.constant 1024 : i32
    %mul3A_676 = vector.broadcast %mul3A_675 : i32 to vector<16xi32>
    %mul3A_677 = arith.muli %shift_right_arithmetic3A_674, %mul3A_676 : vector<16xi32>
    %and3A_678 = arith.constant 127 : i32
    %and3A_679 = vector.broadcast %and3A_678 : i32 to vector<16xi32>
    %and3A_680 = arith.andi %get3A_671, %and3A_679 : vector<16xi32>
    %add3A_681 = arith.addi %mul3A_677, %and3A_680 : vector<16xi32>
    %add3A_682 = arith.constant 0 : i32
    %add3A_683 = vector.broadcast %add3A_682 : i32 to vector<16xi32>
    %add3A_684 = arith.addi %add3A_681, %add3A_683 : vector<16xi32>
    %swap3A_685 = arith.constant 0 : i32
    %swap3A_686 = arith.index_cast %swap3A_685 : i32 to index
    %swap3A_687 = arith.constant 160 : index
    %swap3A_688 = tpu.vector_load %arg6[%swap3A_686, %swap3A_687] {strides = array<i32>} : memref<6x512xi32, #tpu.memory_space<vmem>>, vector<1x16xi32>,
    %swap3A_689 = vector.shape_cast %swap3A_688 : vector<1x16xi32> to vector<16xi32>
    %swap3A_690 = vector.shape_cast %add3A_684 : vector<16xi32> to vector<1x16xi32>
    tpu.vector_store %arg6[%swap3A_686, %swap3A_687], %swap3A_690 {strides = array<i32>} : memref<6x512xi32, #tpu.memory_space<vmem>>, vector<1x16xi32>,
    %add3A_691 = arith.constant 128 : i32
    %add3A_692 = vector.broadcast %add3A_691 : i32 to vector<16xi32>
    %add3A_693 = arith.addi %add3A_681, %add3A_692 : vector<16xi32>
    %swap3A_694 = arith.constant 1 : i32
    %swap3A_695 = arith.index_cast %swap3A_694 : i32 to index
    %swap3A_696 = arith.constant 160 : index
    %swap3A_697 = tpu.vector_load %arg6[%swap3A_695, %swap3A_696] {strides = array<i32>} : memref<6x512xi32, #tpu.memory_space<vmem>>, vector<1x16xi32>,
    %swap3A_698 = vector.shape_cast %swap3A_697 : vector<1x16xi32> to vector<16xi32>
    %swap3A_699 = vector.shape_cast %add3A_693 : vector<16xi32> to vector<1x16xi32>
    tpu.vector_store %arg6[%swap3A_695, %swap3A_696], %swap3A_699 {strides = array<i32>} : memref<6x512xi32, #tpu.memory_space<vmem>>, vector<1x16xi32>,
    %add3A_700 = arith.constant 256 : i32
    %add3A_701 = vector.broadcast %add3A_700 : i32 to vector<16xi32>
    %add3A_702 = arith.addi %add3A_681, %add3A_701 : vector<16xi32>
    %swap3A_703 = arith.constant 2 : i32
    %swap3A_704 = arith.index_cast %swap3A_703 : i32 to index
    %swap3A_705 = arith.constant 160 : index
    %swap3A_706 = tpu.vector_load %arg6[%swap3A_704, %swap3A_705] {strides = array<i32>} : memref<6x512xi32, #tpu.memory_space<vmem>>, vector<1x16xi32>,
    %swap3A_707 = vector.shape_cast %swap3A_706 : vector<1x16xi32> to vector<16xi32>
    %swap3A_708 = vector.shape_cast %add3A_702 : vector<16xi32> to vector<1x16xi32>
    tpu.vector_store %arg6[%swap3A_704, %swap3A_705], %swap3A_708 {strides = array<i32>} : memref<6x512xi32, #tpu.memory_space<vmem>>, vector<1x16xi32>,
    %add3A_709 = arith.constant 384 : i32
    %add3A_710 = vector.broadcast %add3A_709 : i32 to vector<16xi32>
    %add3A_711 = arith.addi %add3A_681, %add3A_710 : vector<16xi32>
    %swap3A_712 = arith.constant 3 : i32
    %swap3A_713 = arith.index_cast %swap3A_712 : i32 to index
    %swap3A_714 = arith.constant 160 : index
    %swap3A_715 = tpu.vector_load %arg6[%swap3A_713, %swap3A_714] {strides = array<i32>} : memref<6x512xi32, #tpu.memory_space<vmem>>, vector<1x16xi32>,
    %swap3A_716 = vector.shape_cast %swap3A_715 : vector<1x16xi32> to vector<16xi32>
    %swap3A_717 = vector.shape_cast %add3A_711 : vector<16xi32> to vector<1x16xi32>
    tpu.vector_store %arg6[%swap3A_713, %swap3A_714], %swap3A_717 {strides = array<i32>} : memref<6x512xi32, #tpu.memory_space<vmem>>, vector<1x16xi32>,
    %add3A_718 = arith.constant 512 : i32
    %add3A_719 = vector.broadcast %add3A_718 : i32 to vector<16xi32>
    %add3A_720 = arith.addi %add3A_681, %add3A_719 : vector<16xi32>
    %swap3A_721 = arith.constant 4 : i32
    %swap3A_722 = arith.index_cast %swap3A_721 : i32 to index
    %swap3A_723 = arith.constant 160 : index
    %swap3A_724 = tpu.vector_load %arg6[%swap3A_722, %swap3A_723] {strides = array<i32>} : memref<6x512xi32, #tpu.memory_space<vmem>>, vector<1x16xi32>,
    %swap3A_725 = vector.shape_cast %swap3A_724 : vector<1x16xi32> to vector<16xi32>
    %swap3A_726 = vector.shape_cast %add3A_720 : vector<16xi32> to vector<1x16xi32>
    tpu.vector_store %arg6[%swap3A_722, %swap3A_723], %swap3A_726 {strides = array<i32>} : memref<6x512xi32, #tpu.memory_space<vmem>>, vector<1x16xi32>,
    %add3A_727 = arith.constant 640 : i32
    %add3A_728 = vector.broadcast %add3A_727 : i32 to vector<16xi32>
    %add3A_729 = arith.addi %add3A_681, %add3A_728 : vector<16xi32>
    %swap3A_730 = arith.constant 5 : i32
    %swap3A_731 = arith.index_cast %swap3A_730 : i32 to index
    %swap3A_732 = arith.constant 160 : index
    %swap3A_733 = tpu.vector_load %arg6[%swap3A_731, %swap3A_732] {strides = array<i32>} : memref<6x512xi32, #tpu.memory_space<vmem>>, vector<1x16xi32>,
    %swap3A_734 = vector.shape_cast %swap3A_733 : vector<1x16xi32> to vector<16xi32>
    %swap3A_735 = vector.shape_cast %add3A_729 : vector<16xi32> to vector<1x16xi32>
    tpu.vector_store %arg6[%swap3A_731, %swap3A_732], %swap3A_735 {strides = array<i32>} : memref<6x512xi32, #tpu.memory_space<vmem>>, vector<1x16xi32>,
    %get3A_736 = arith.constant 176 : index
    %get3A_737 = tpu.vector_load %arg5[%get3A_736] {strides = array<i32>} : memref<512xi32, #tpu.memory_space<vmem>>, vector<16xi32>,
    %get3A_738 = vector.shape_cast %get3A_737 : vector<16xi32> to vector<16xi32>
    %shift_right_arithmetic3A_739 = arith.constant 7 : i32
    %shift_right_arithmetic3A_740 = vector.broadcast %shift_right_arithmetic3A_739 : i32 to vector<16xi32>
    %shift_right_arithmetic3A_741 = arith.shrsi %get3A_738, %shift_right_arithmetic3A_740 : vector<16xi32>
    %mul3A_742 = arith.constant 1024 : i32
    %mul3A_743 = vector.broadcast %mul3A_742 : i32 to vector<16xi32>
    %mul3A_744 = arith.muli %shift_right_arithmetic3A_741, %mul3A_743 : vector<16xi32>
    %and3A_745 = arith.constant 127 : i32
    %and3A_746 = vector.broadcast %and3A_745 : i32 to vector<16xi32>
    %and3A_747 = arith.andi %get3A_738, %and3A_746 : vector<16xi32>
    %add3A_748 = arith.addi %mul3A_744, %and3A_747 : vector<16xi32>
    %add3A_749 = arith.constant 0 : i32
    %add3A_750 = vector.broadcast %add3A_749 : i32 to vector<16xi32>
    %add3A_751 = arith.addi %add3A_748, %add3A_750 : vector<16xi32>
    %swap3A_752 = arith.constant 0 : i32
    %swap3A_753 = arith.index_cast %swap3A_752 : i32 to index
    %swap3A_754 = arith.constant 176 : index
    %swap3A_755 = tpu.vector_load %arg6[%swap3A_753, %swap3A_754] {strides = array<i32>} : memref<6x512xi32, #tpu.memory_space<vmem>>, vector<1x16xi32>,
    %swap3A_756 = vector.shape_cast %swap3A_755 : vector<1x16xi32> to vector<16xi32>
    %swap3A_757 = vector.shape_cast %add3A_751 : vector<16xi32> to vector<1x16xi32>
    tpu.vector_store %arg6[%swap3A_753, %swap3A_754], %swap3A_757 {strides = array<i32>} : memref<6x512xi32, #tpu.memory_space<vmem>>, vector<1x16xi32>,
    %add3A_758 = arith.constant 128 : i32
    %add3A_759 = vector.broadcast %add3A_758 : i32 to vector<16xi32>
    %add3A_760 = arith.addi %add3A_748, %add3A_759 : vector<16xi32>
    %swap3A_761 = arith.constant 1 : i32
    %swap3A_762 = arith.index_cast %swap3A_761 : i32 to index
    %swap3A_763 = arith.constant 176 : index
    %swap3A_764 = tpu.vector_load %arg6[%swap3A_762, %swap3A_763] {strides = array<i32>} : memref<6x512xi32, #tpu.memory_space<vmem>>, vector<1x16xi32>,
    %swap3A_765 = vector.shape_cast %swap3A_764 : vector<1x16xi32> to vector<16xi32>
    %swap3A_766 = vector.shape_cast %add3A_760 : vector<16xi32> to vector<1x16xi32>
    tpu.vector_store %arg6[%swap3A_762, %swap3A_763], %swap3A_766 {strides = array<i32>} : memref<6x512xi32, #tpu.memory_space<vmem>>, vector<1x16xi32>,
    %add3A_767 = arith.constant 256 : i32
    %add3A_768 = vector.broadcast %add3A_767 : i32 to vector<16xi32>
    %add3A_769 = arith.addi %add3A_748, %add3A_768 : vector<16xi32>
    %swap3A_770 = arith.constant 2 : i32
    %swap3A_771 = arith.index_cast %swap3A_770 : i32 to index
    %swap3A_772 = arith.constant 176 : index
    %swap3A_773 = tpu.vector_load %arg6[%swap3A_771, %swap3A_772] {strides = array<i32>} : memref<6x512xi32, #tpu.memory_space<vmem>>, vector<1x16xi32>,
    %swap3A_774 = vector.shape_cast %swap3A_773 : vector<1x16xi32> to vector<16xi32>
    %swap3A_775 = vector.shape_cast %add3A_769 : vector<16xi32> to vector<1x16xi32>
    tpu.vector_store %arg6[%swap3A_771, %swap3A_772], %swap3A_775 {strides = array<i32>} : memref<6x512xi32, #tpu.memory_space<vmem>>, vector<1x16xi32>,
    %add3A_776 = arith.constant 384 : i32
    %add3A_777 = vector.broadcast %add3A_776 : i32 to vector<16xi32>
    %add3A_778 = arith.addi %add3A_748, %add3A_777 : vector<16xi32>
    %swap3A_779 = arith.constant 3 : i32
    %swap3A_780 = arith.index_cast %swap3A_779 : i32 to index
    %swap3A_781 = arith.constant 176 : index
    %swap3A_782 = tpu.vector_load %arg6[%swap3A_780, %swap3A_781] {strides = array<i32>} : memref<6x512xi32, #tpu.memory_space<vmem>>, vector<1x16xi32>,
    %swap3A_783 = vector.shape_cast %swap3A_782 : vector<1x16xi32> to vector<16xi32>
    %swap3A_784 = vector.shape_cast %add3A_778 : vector<16xi32> to vector<1x16xi32>
    tpu.vector_store %arg6[%swap3A_780, %swap3A_781], %swap3A_784 {strides = array<i32>} : memref<6x512xi32, #tpu.memory_space<vmem>>, vector<1x16xi32>,
    %add3A_785 = arith.constant 512 : i32
    %add3A_786 = vector.broadcast %add3A_785 : i32 to vector<16xi32>
    %add3A_787 = arith.addi %add3A_748, %add3A_786 : vector<16xi32>
    %swap3A_788 = arith.constant 4 : i32
    %swap3A_789 = arith.index_cast %swap3A_788 : i32 to index
    %swap3A_790 = arith.constant 176 : index
    %swap3A_791 = tpu.vector_load %arg6[%swap3A_789, %swap3A_790] {strides = array<i32>} : memref<6x512xi32, #tpu.memory_space<vmem>>, vector<1x16xi32>,
    %swap3A_792 = vector.shape_cast %swap3A_791 : vector<1x16xi32> to vector<16xi32>
    %swap3A_793 = vector.shape_cast %add3A_787 : vector<16xi32> to vector<1x16xi32>
    tpu.vector_store %arg6[%swap3A_789, %swap3A_790], %swap3A_793 {strides = array<i32>} : memref<6x512xi32, #tpu.memory_space<vmem>>, vector<1x16xi32>,
    %add3A_794 = arith.constant 640 : i32
    %add3A_795 = vector.broadcast %add3A_794 : i32 to vector<16xi32>
    %add3A_796 = arith.addi %add3A_748, %add3A_795 : vector<16xi32>
    %swap3A_797 = arith.constant 5 : i32
    %swap3A_798 = arith.index_cast %swap3A_797 : i32 to index
    %swap3A_799 = arith.constant 176 : index
    %swap3A_800 = tpu.vector_load %arg6[%swap3A_798, %swap3A_799] {strides = array<i32>} : memref<6x512xi32, #tpu.memory_space<vmem>>, vector<1x16xi32>,
    %swap3A_801 = vector.shape_cast %swap3A_800 : vector<1x16xi32> to vector<16xi32>
    %swap3A_802 = vector.shape_cast %add3A_796 : vector<16xi32> to vector<1x16xi32>
    tpu.vector_store %arg6[%swap3A_798, %swap3A_799], %swap3A_802 {strides = array<i32>} : memref<6x512xi32, #tpu.memory_space<vmem>>, vector<1x16xi32>,
    %get3A_803 = arith.constant 192 : index
    %get3A_804 = tpu.vector_load %arg5[%get3A_803] {strides = array<i32>} : memref<512xi32, #tpu.memory_space<vmem>>, vector<16xi32>,
    %get3A_805 = vector.shape_cast %get3A_804 : vector<16xi32> to vector<16xi32>
    %shift_right_arithmetic3A_806 = arith.constant 7 : i32
    %shift_right_arithmetic3A_807 = vector.broadcast %shift_right_arithmetic3A_806 : i32 to vector<16xi32>
    %shift_right_arithmetic3A_808 = arith.shrsi %get3A_805, %shift_right_arithmetic3A_807 : vector<16xi32>
    %mul3A_809 = arith.constant 1024 : i32
    %mul3A_810 = vector.broadcast %mul3A_809 : i32 to vector<16xi32>
    %mul3A_811 = arith.muli %shift_right_arithmetic3A_808, %mul3A_810 : vector<16xi32>
    %and3A_812 = arith.constant 127 : i32
    %and3A_813 = vector.broadcast %and3A_812 : i32 to vector<16xi32>
    %and3A_814 = arith.andi %get3A_805, %and3A_813 : vector<16xi32>
    %add3A_815 = arith.addi %mul3A_811, %and3A_814 : vector<16xi32>
    %add3A_816 = arith.constant 0 : i32
    %add3A_817 = vector.broadcast %add3A_816 : i32 to vector<16xi32>
    %add3A_818 = arith.addi %add3A_815, %add3A_817 : vector<16xi32>
    %swap3A_819 = arith.constant 0 : i32
    %swap3A_820 = arith.index_cast %swap3A_819 : i32 to index
    %swap3A_821 = arith.constant 192 : index
    %swap3A_822 = tpu.vector_load %arg6[%swap3A_820, %swap3A_821] {strides = array<i32>} : memref<6x512xi32, #tpu.memory_space<vmem>>, vector<1x16xi32>,
    %swap3A_823 = vector.shape_cast %swap3A_822 : vector<1x16xi32> to vector<16xi32>
    %swap3A_824 = vector.shape_cast %add3A_818 : vector<16xi32> to vector<1x16xi32>
    tpu.vector_store %arg6[%swap3A_820, %swap3A_821], %swap3A_824 {strides = array<i32>} : memref<6x512xi32, #tpu.memory_space<vmem>>, vector<1x16xi32>,
    %add3A_825 = arith.constant 128 : i32
    %add3A_826 = vector.broadcast %add3A_825 : i32 to vector<16xi32>
    %add3A_827 = arith.addi %add3A_815, %add3A_826 : vector<16xi32>
    %swap3A_828 = arith.constant 1 : i32
    %swap3A_829 = arith.index_cast %swap3A_828 : i32 to index
    %swap3A_830 = arith.constant 192 : index
    %swap3A_831 = tpu.vector_load %arg6[%swap3A_829, %swap3A_830] {strides = array<i32>} : memref<6x512xi32, #tpu.memory_space<vmem>>, vector<1x16xi32>,
    %swap3A_832 = vector.shape_cast %swap3A_831 : vector<1x16xi32> to vector<16xi32>
    %swap3A_833 = vector.shape_cast %add3A_827 : vector<16xi32> to vector<1x16xi32>
    tpu.vector_store %arg6[%swap3A_829, %swap3A_830], %swap3A_833 {strides = array<i32>} : memref<6x512xi32, #tpu.memory_space<vmem>>, vector<1x16xi32>,
    %add3A_834 = arith.constant 256 : i32
    %add3A_835 = vector.broadcast %add3A_834 : i32 to vector<16xi32>
    %add3A_836 = arith.addi %add3A_815, %add3A_835 : vector<16xi32>
    %swap3A_837 = arith.constant 2 : i32
    %swap3A_838 = arith.index_cast %swap3A_837 : i32 to index
    %swap3A_839 = arith.constant 192 : index
    %swap3A_840 = tpu.vector_load %arg6[%swap3A_838, %swap3A_839] {strides = array<i32>} : memref<6x512xi32, #tpu.memory_space<vmem>>, vector<1x16xi32>,
    %swap3A_841 = vector.shape_cast %swap3A_840 : vector<1x16xi32> to vector<16xi32>
    %swap3A_842 = vector.shape_cast %add3A_836 : vector<16xi32> to vector<1x16xi32>
    tpu.vector_store %arg6[%swap3A_838, %swap3A_839], %swap3A_842 {strides = array<i32>} : memref<6x512xi32, #tpu.memory_space<vmem>>, vector<1x16xi32>,
    %add3A_843 = arith.constant 384 : i32
    %add3A_844 = vector.broadcast %add3A_843 : i32 to vector<16xi32>
    %add3A_845 = arith.addi %add3A_815, %add3A_844 : vector<16xi32>
    %swap3A_846 = arith.constant 3 : i32
    %swap3A_847 = arith.index_cast %swap3A_846 : i32 to index
    %swap3A_848 = arith.constant 192 : index
    %swap3A_849 = tpu.vector_load %arg6[%swap3A_847, %swap3A_848] {strides = array<i32>} : memref<6x512xi32, #tpu.memory_space<vmem>>, vector<1x16xi32>,
    %swap3A_850 = vector.shape_cast %swap3A_849 : vector<1x16xi32> to vector<16xi32>
    %swap3A_851 = vector.shape_cast %add3A_845 : vector<16xi32> to vector<1x16xi32>
    tpu.vector_store %arg6[%swap3A_847, %swap3A_848], %swap3A_851 {strides = array<i32>} : memref<6x512xi32, #tpu.memory_space<vmem>>, vector<1x16xi32>,
    %add3A_852 = arith.constant 512 : i32
    %add3A_853 = vector.broadcast %add3A_852 : i32 to vector<16xi32>
    %add3A_854 = arith.addi %add3A_815, %add3A_853 : vector<16xi32>
    %swap3A_855 = arith.constant 4 : i32
    %swap3A_856 = arith.index_cast %swap3A_855 : i32 to index
    %swap3A_857 = arith.constant 192 : index
    %swap3A_858 = tpu.vector_load %arg6[%swap3A_856, %swap3A_857] {strides = array<i32>} : memref<6x512xi32, #tpu.memory_space<vmem>>, vector<1x16xi32>,
    %swap3A_859 = vector.shape_cast %swap3A_858 : vector<1x16xi32> to vector<16xi32>
    %swap3A_860 = vector.shape_cast %add3A_854 : vector<16xi32> to vector<1x16xi32>
    tpu.vector_store %arg6[%swap3A_856, %swap3A_857], %swap3A_860 {strides = array<i32>} : memref<6x512xi32, #tpu.memory_space<vmem>>, vector<1x16xi32>,
    %add3A_861 = arith.constant 640 : i32
    %add3A_862 = vector.broadcast %add3A_861 : i32 to vector<16xi32>
    %add3A_863 = arith.addi %add3A_815, %add3A_862 : vector<16xi32>
    %swap3A_864 = arith.constant 5 : i32
    %swap3A_865 = arith.index_cast %swap3A_864 : i32 to index
    %swap3A_866 = arith.constant 192 : index
    %swap3A_867 = tpu.vector_load %arg6[%swap3A_865, %swap3A_866] {strides = array<i32>} : memref<6x512xi32, #tpu.memory_space<vmem>>, vector<1x16xi32>,
    %swap3A_868 = vector.shape_cast %swap3A_867 : vector<1x16xi32> to vector<16xi32>
    %swap3A_869 = vector.shape_cast %add3A_863 : vector<16xi32> to vector<1x16xi32>
    tpu.vector_store %arg6[%swap3A_865, %swap3A_866], %swap3A_869 {strides = array<i32>} : memref<6x512xi32, #tpu.memory_space<vmem>>, vector<1x16xi32>,
    %get3A_870 = arith.constant 208 : index
    %get3A_871 = tpu.vector_load %arg5[%get3A_870] {strides = array<i32>} : memref<512xi32, #tpu.memory_space<vmem>>, vector<16xi32>,
    %get3A_872 = vector.shape_cast %get3A_871 : vector<16xi32> to vector<16xi32>
    %shift_right_arithmetic3A_873 = arith.constant 7 : i32
    %shift_right_arithmetic3A_874 = vector.broadcast %shift_right_arithmetic3A_873 : i32 to vector<16xi32>
    %shift_right_arithmetic3A_875 = arith.shrsi %get3A_872, %shift_right_arithmetic3A_874 : vector<16xi32>
    %mul3A_876 = arith.constant 1024 : i32
    %mul3A_877 = vector.broadcast %mul3A_876 : i32 to vector<16xi32>
    %mul3A_878 = arith.muli %shift_right_arithmetic3A_875, %mul3A_877 : vector<16xi32>
    %and3A_879 = arith.constant 127 : i32
    %and3A_880 = vector.broadcast %and3A_879 : i32 to vector<16xi32>
    %and3A_881 = arith.andi %get3A_872, %and3A_880 : vector<16xi32>
    %add3A_882 = arith.addi %mul3A_878, %and3A_881 : vector<16xi32>
    %add3A_883 = arith.constant 0 : i32
    %add3A_884 = vector.broadcast %add3A_883 : i32 to vector<16xi32>
    %add3A_885 = arith.addi %add3A_882, %add3A_884 : vector<16xi32>
    %swap3A_886 = arith.constant 0 : i32
    %swap3A_887 = arith.index_cast %swap3A_886 : i32 to index
    %swap3A_888 = arith.constant 208 : index
    %swap3A_889 = tpu.vector_load %arg6[%swap3A_887, %swap3A_888] {strides = array<i32>} : memref<6x512xi32, #tpu.memory_space<vmem>>, vector<1x16xi32>,
    %swap3A_890 = vector.shape_cast %swap3A_889 : vector<1x16xi32> to vector<16xi32>
    %swap3A_891 = vector.shape_cast %add3A_885 : vector<16xi32> to vector<1x16xi32>
    tpu.vector_store %arg6[%swap3A_887, %swap3A_888], %swap3A_891 {strides = array<i32>} : memref<6x512xi32, #tpu.memory_space<vmem>>, vector<1x16xi32>,
    %add3A_892 = arith.constant 128 : i32
    %add3A_893 = vector.broadcast %add3A_892 : i32 to vector<16xi32>
    %add3A_894 = arith.addi %add3A_882, %add3A_893 : vector<16xi32>
    %swap3A_895 = arith.constant 1 : i32
    %swap3A_896 = arith.index_cast %swap3A_895 : i32 to index
    %swap3A_897 = arith.constant 208 : index
    %swap3A_898 = tpu.vector_load %arg6[%swap3A_896, %swap3A_897] {strides = array<i32>} : memref<6x512xi32, #tpu.memory_space<vmem>>, vector<1x16xi32>,
    %swap3A_899 = vector.shape_cast %swap3A_898 : vector<1x16xi32> to vector<16xi32>
    %swap3A_900 = vector.shape_cast %add3A_894 : vector<16xi32> to vector<1x16xi32>
    tpu.vector_store %arg6[%swap3A_896, %swap3A_897], %swap3A_900 {strides = array<i32>} : memref<6x512xi32, #tpu.memory_space<vmem>>, vector<1x16xi32>,
    %add3A_901 = arith.constant 256 : i32
    %add3A_902 = vector.broadcast %add3A_901 : i32 to vector<16xi32>
    %add3A_903 = arith.addi %add3A_882, %add3A_902 : vector<16xi32>
    %swap3A_904 = arith.constant 2 : i32
    %swap3A_905 = arith.index_cast %swap3A_904 : i32 to index
    %swap3A_906 = arith.constant 208 : index
    %swap3A_907 = tpu.vector_load %arg6[%swap3A_905, %swap3A_906] {strides = array<i32>} : memref<6x512xi32, #tpu.memory_space<vmem>>, vector<1x16xi32>,
    %swap3A_908 = vector.shape_cast %swap3A_907 : vector<1x16xi32> to vector<16xi32>
    %swap3A_909 = vector.shape_cast %add3A_903 : vector<16xi32> to vector<1x16xi32>
    tpu.vector_store %arg6[%swap3A_905, %swap3A_906], %swap3A_909 {strides = array<i32>} : memref<6x512xi32, #tpu.memory_space<vmem>>, vector<1x16xi32>,
    %add3A_910 = arith.constant 384 : i32
    %add3A_911 = vector.broadcast %add3A_910 : i32 to vector<16xi32>
    %add3A_912 = arith.addi %add3A_882, %add3A_911 : vector<16xi32>
    %swap3A_913 = arith.constant 3 : i32
    %swap3A_914 = arith.index_cast %swap3A_913 : i32 to index
    %swap3A_915 = arith.constant 208 : index
    %swap3A_916 = tpu.vector_load %arg6[%swap3A_914, %swap3A_915] {strides = array<i32>} : memref<6x512xi32, #tpu.memory_space<vmem>>, vector<1x16xi32>,
    %swap3A_917 = vector.shape_cast %swap3A_916 : vector<1x16xi32> to vector<16xi32>
    %swap3A_918 = vector.shape_cast %add3A_912 : vector<16xi32> to vector<1x16xi32>
    tpu.vector_store %arg6[%swap3A_914, %swap3A_915], %swap3A_918 {strides = array<i32>} : memref<6x512xi32, #tpu.memory_space<vmem>>, vector<1x16xi32>,
    %add3A_919 = arith.constant 512 : i32
    %add3A_920 = vector.broadcast %add3A_919 : i32 to vector<16xi32>
    %add3A_921 = arith.addi %add3A_882, %add3A_920 : vector<16xi32>
    %swap3A_922 = arith.constant 4 : i32
    %swap3A_923 = arith.index_cast %swap3A_922 : i32 to index
    %swap3A_924 = arith.constant 208 : index
    %swap3A_925 = tpu.vector_load %arg6[%swap3A_923, %swap3A_924] {strides = array<i32>} : memref<6x512xi32, #tpu.memory_space<vmem>>, vector<1x16xi32>,
    %swap3A_926 = vector.shape_cast %swap3A_925 : vector<1x16xi32> to vector<16xi32>
    %swap3A_927 = vector.shape_cast %add3A_921 : vector<16xi32> to vector<1x16xi32>
    tpu.vector_store %arg6[%swap3A_923, %swap3A_924], %swap3A_927 {strides = array<i32>} : memref<6x512xi32, #tpu.memory_space<vmem>>, vector<1x16xi32>,
    %add3A_928 = arith.constant 640 : i32
    %add3A_929 = vector.broadcast %add3A_928 : i32 to vector<16xi32>
    %add3A_930 = arith.addi %add3A_882, %add3A_929 : vector<16xi32>
    %swap3A_931 = arith.constant 5 : i32
    %swap3A_932 = arith.index_cast %swap3A_931 : i32 to index
    %swap3A_933 = arith.constant 208 : index
    %swap3A_934 = tpu.vector_load %arg6[%swap3A_932, %swap3A_933] {strides = array<i32>} : memref<6x512xi32, #tpu.memory_space<vmem>>, vector<1x16xi32>,
    %swap3A_935 = vector.shape_cast %swap3A_934 : vector<1x16xi32> to vector<16xi32>
    %swap3A_936 = vector.shape_cast %add3A_930 : vector<16xi32> to vector<1x16xi32>
    tpu.vector_store %arg6[%swap3A_932, %swap3A_933], %swap3A_936 {strides = array<i32>} : memref<6x512xi32, #tpu.memory_space<vmem>>, vector<1x16xi32>,
    %get3A_937 = arith.constant 224 : index
    %get3A_938 = tpu.vector_load %arg5[%get3A_937] {strides = array<i32>} : memref<512xi32, #tpu.memory_space<vmem>>, vector<16xi32>,
    %get3A_939 = vector.shape_cast %get3A_938 : vector<16xi32> to vector<16xi32>
    %shift_right_arithmetic3A_940 = arith.constant 7 : i32
    %shift_right_arithmetic3A_941 = vector.broadcast %shift_right_arithmetic3A_940 : i32 to vector<16xi32>
    %shift_right_arithmetic3A_942 = arith.shrsi %get3A_939, %shift_right_arithmetic3A_941 : vector<16xi32>
    %mul3A_943 = arith.constant 1024 : i32
    %mul3A_944 = vector.broadcast %mul3A_943 : i32 to vector<16xi32>
    %mul3A_945 = arith.muli %shift_right_arithmetic3A_942, %mul3A_944 : vector<16xi32>
    %and3A_946 = arith.constant 127 : i32
    %and3A_947 = vector.broadcast %and3A_946 : i32 to vector<16xi32>
    %and3A_948 = arith.andi %get3A_939, %and3A_947 : vector<16xi32>
    %add3A_949 = arith.addi %mul3A_945, %and3A_948 : vector<16xi32>
    %add3A_950 = arith.constant 0 : i32
    %add3A_951 = vector.broadcast %add3A_950 : i32 to vector<16xi32>
    %add3A_952 = arith.addi %add3A_949, %add3A_951 : vector<16xi32>
    %swap3A_953 = arith.constant 0 : i32
    %swap3A_954 = arith.index_cast %swap3A_953 : i32 to index
    %swap3A_955 = arith.constant 224 : index
    %swap3A_956 = tpu.vector_load %arg6[%swap3A_954, %swap3A_955] {strides = array<i32>} : memref<6x512xi32, #tpu.memory_space<vmem>>, vector<1x16xi32>,
    %swap3A_957 = vector.shape_cast %swap3A_956 : vector<1x16xi32> to vector<16xi32>
    %swap3A_958 = vector.shape_cast %add3A_952 : vector<16xi32> to vector<1x16xi32>
    tpu.vector_store %arg6[%swap3A_954, %swap3A_955], %swap3A_958 {strides = array<i32>} : memref<6x512xi32, #tpu.memory_space<vmem>>, vector<1x16xi32>,
    %add3A_959 = arith.constant 128 : i32
    %add3A_960 = vector.broadcast %add3A_959 : i32 to vector<16xi32>
    %add3A_961 = arith.addi %add3A_949, %add3A_960 : vector<16xi32>
    %swap3A_962 = arith.constant 1 : i32
    %swap3A_963 = arith.index_cast %swap3A_962 : i32 to index
    %swap3A_964 = arith.constant 224 : index
    %swap3A_965 = tpu.vector_load %arg6[%swap3A_963, %swap3A_964] {strides = array<i32>} : memref<6x512xi32, #tpu.memory_space<vmem>>, vector<1x16xi32>,
    %swap3A_966 = vector.shape_cast %swap3A_965 : vector<1x16xi32> to vector<16xi32>
    %swap3A_967 = vector.shape_cast %add3A_961 : vector<16xi32> to vector<1x16xi32>
    tpu.vector_store %arg6[%swap3A_963, %swap3A_964], %swap3A_967 {strides = array<i32>} : memref<6x512xi32, #tpu.memory_space<vmem>>, vector<1x16xi32>,
    %add3A_968 = arith.constant 256 : i32
    %add3A_969 = vector.broadcast %add3A_968 : i32 to vector<16xi32>
    %add3A_970 = arith.addi %add3A_949, %add3A_969 : vector<16xi32>
    %swap3A_971 = arith.constant 2 : i32
    %swap3A_972 = arith.index_cast %swap3A_971 : i32 to index
    %swap3A_973 = arith.constant 224 : index
    %swap3A_974 = tpu.vector_load %arg6[%swap3A_972, %swap3A_973] {strides = array<i32>} : memref<6x512xi32, #tpu.memory_space<vmem>>, vector<1x16xi32>,
    %swap3A_975 = vector.shape_cast %swap3A_974 : vector<1x16xi32> to vector<16xi32>
    %swap3A_976 = vector.shape_cast %add3A_970 : vector<16xi32> to vector<1x16xi32>
    tpu.vector_store %arg6[%swap3A_972, %swap3A_973], %swap3A_976 {strides = array<i32>} : memref<6x512xi32, #tpu.memory_space<vmem>>, vector<1x16xi32>,
    %add3A_977 = arith.constant 384 : i32
    %add3A_978 = vector.broadcast %add3A_977 : i32 to vector<16xi32>
    %add3A_979 = arith.addi %add3A_949, %add3A_978 : vector<16xi32>
    %swap3A_980 = arith.constant 3 : i32
    %swap3A_981 = arith.index_cast %swap3A_980 : i32 to index
    %swap3A_982 = arith.constant 224 : index
    %swap3A_983 = tpu.vector_load %arg6[%swap3A_981, %swap3A_982] {strides = array<i32>} : memref<6x512xi32, #tpu.memory_space<vmem>>, vector<1x16xi32>,
    %swap3A_984 = vector.shape_cast %swap3A_983 : vector<1x16xi32> to vector<16xi32>
    %swap3A_985 = vector.shape_cast %add3A_979 : vector<16xi32> to vector<1x16xi32>
    tpu.vector_store %arg6[%swap3A_981, %swap3A_982], %swap3A_985 {strides = array<i32>} : memref<6x512xi32, #tpu.memory_space<vmem>>, vector<1x16xi32>,
    %add3A_986 = arith.constant 512 : i32
    %add3A_987 = vector.broadcast %add3A_986 : i32 to vector<16xi32>
    %add3A_988 = arith.addi %add3A_949, %add3A_987 : vector<16xi32>
    %swap3A_989 = arith.constant 4 : i32
    %swap3A_990 = arith.index_cast %swap3A_989 : i32 to index
    %swap3A_991 = arith.constant 224 : index
    %swap3A_992 = tpu.vector_load %arg6[%swap3A_990, %swap3A_991] {strides = array<i32>} : memref<6x512xi32, #tpu.memory_space<vmem>>, vector<1x16xi32>,
    %swap3A_993 = vector.shape_cast %swap3A_992 : vector<1x16xi32> to vector<16xi32>
    %swap3A_994 = vector.shape_cast %add3A_988 : vector<16xi32> to vector<1x16xi32>
    tpu.vector_store %arg6[%swap3A_990, %swap3A_991], %swap3A_994 {strides = array<i32>} : memref<6x512xi32, #tpu.memory_space<vmem>>, vector<1x16xi32>,
    %add3A_995 = arith.constant 640 : i32
    %add3A_996 = vector.broadcast %add3A_995 : i32 to vector<16xi32>
    %add3A_997 = arith.addi %add3A_949, %add3A_996 : vector<16xi32>
    %swap3A_998 = arith.constant 5 : i32
    %swap3A_999 = arith.index_cast %swap3A_998 : i32 to index
    %swap3A_1000 = arith.constant 224 : index
    %swap3A_1001 = tpu.vector_load %arg6[%swap3A_999, %swap3A_1000] {strides = array<i32>} : memref<6x512xi32, #tpu.memory_space<vmem>>, vector<1x16xi32>,
    %swap3A_1002 = vector.shape_cast %swap3A_1001 : vector<1x16xi32> to vector<16xi32>
    %swap3A_1003 = vector.shape_cast %add3A_997 : vector<16xi32> to vector<1x16xi32>
    tpu.vector_store %arg6[%swap3A_999, %swap3A_1000], %swap3A_1003 {strides = array<i32>} : memref<6x512xi32, #tpu.memory_space<vmem>>, vector<1x16xi32>,
    %get3A_1004 = arith.constant 240 : index
    %get3A_1005 = tpu.vector_load %arg5[%get3A_1004] {strides = array<i32>} : memref<512xi32, #tpu.memory_space<vmem>>, vector<16xi32>,
    %get3A_1006 = vector.shape_cast %get3A_1005 : vector<16xi32> to vector<16xi32>
    %shift_right_arithmetic3A_1007 = arith.constant 7 : i32
    %shift_right_arithmetic3A_1008 = vector.broadcast %shift_right_arithmetic3A_1007 : i32 to vector<16xi32>
    %shift_right_arithmetic3A_1009 = arith.shrsi %get3A_1006, %shift_right_arithmetic3A_1008 : vector<16xi32>
    %mul3A_1010 = arith.constant 1024 : i32
    %mul3A_1011 = vector.broadcast %mul3A_1010 : i32 to vector<16xi32>
    %mul3A_1012 = arith.muli %shift_right_arithmetic3A_1009, %mul3A_1011 : vector<16xi32>
    %and3A_1013 = arith.constant 127 : i32
    %and3A_1014 = vector.broadcast %and3A_1013 : i32 to vector<16xi32>
    %and3A_1015 = arith.andi %get3A_1006, %and3A_1014 : vector<16xi32>
    %add3A_1016 = arith.addi %mul3A_1012, %and3A_1015 : vector<16xi32>
    %add3A_1017 = arith.constant 0 : i32
    %add3A_1018 = vector.broadcast %add3A_1017 : i32 to vector<16xi32>
    %add3A_1019 = arith.addi %add3A_1016, %add3A_1018 : vector<16xi32>
    %swap3A_1020 = arith.constant 0 : i32
    %swap3A_1021 = arith.index_cast %swap3A_1020 : i32 to index
    %swap3A_1022 = arith.constant 240 : index
    %swap3A_1023 = tpu.vector_load %arg6[%swap3A_1021, %swap3A_1022] {strides = array<i32>} : memref<6x512xi32, #tpu.memory_space<vmem>>, vector<1x16xi32>,
    %swap3A_1024 = vector.shape_cast %swap3A_1023 : vector<1x16xi32> to vector<16xi32>
    %swap3A_1025 = vector.shape_cast %add3A_1019 : vector<16xi32> to vector<1x16xi32>
    tpu.vector_store %arg6[%swap3A_1021, %swap3A_1022], %swap3A_1025 {strides = array<i32>} : memref<6x512xi32, #tpu.memory_space<vmem>>, vector<1x16xi32>,
    %add3A_1026 = arith.constant 128 : i32
    %add3A_1027 = vector.broadcast %add3A_1026 : i32 to vector<16xi32>
    %add3A_1028 = arith.addi %add3A_1016, %add3A_1027 : vector<16xi32>
    %swap3A_1029 = arith.constant 1 : i32
    %swap3A_1030 = arith.index_cast %swap3A_1029 : i32 to index
    %swap3A_1031 = arith.constant 240 : index
    %swap3A_1032 = tpu.vector_load %arg6[%swap3A_1030, %swap3A_1031] {strides = array<i32>} : memref<6x512xi32, #tpu.memory_space<vmem>>, vector<1x16xi32>,
    %swap3A_1033 = vector.shape_cast %swap3A_1032 : vector<1x16xi32> to vector<16xi32>
    %swap3A_1034 = vector.shape_cast %add3A_1028 : vector<16xi32> to vector<1x16xi32>
    tpu.vector_store %arg6[%swap3A_1030, %swap3A_1031], %swap3A_1034 {strides = array<i32>} : memref<6x512xi32, #tpu.memory_space<vmem>>, vector<1x16xi32>,
    %add3A_1035 = arith.constant 256 : i32
    %add3A_1036 = vector.broadcast %add3A_1035 : i32 to vector<16xi32>
    %add3A_1037 = arith.addi %add3A_1016, %add3A_1036 : vector<16xi32>
    %swap3A_1038 = arith.constant 2 : i32
    %swap3A_1039 = arith.index_cast %swap3A_1038 : i32 to index
    %swap3A_1040 = arith.constant 240 : index
    %swap3A_1041 = tpu.vector_load %arg6[%swap3A_1039, %swap3A_1040] {strides = array<i32>} : memref<6x512xi32, #tpu.memory_space<vmem>>, vector<1x16xi32>,
    %swap3A_1042 = vector.shape_cast %swap3A_1041 : vector<1x16xi32> to vector<16xi32>
    %swap3A_1043 = vector.shape_cast %add3A_1037 : vector<16xi32> to vector<1x16xi32>
    tpu.vector_store %arg6[%swap3A_1039, %swap3A_1040], %swap3A_1043 {strides = array<i32>} : memref<6x512xi32, #tpu.memory_space<vmem>>, vector<1x16xi32>,
    %add3A_1044 = arith.constant 384 : i32
    %add3A_1045 = vector.broadcast %add3A_1044 : i32 to vector<16xi32>
    %add3A_1046 = arith.addi %add3A_1016, %add3A_1045 : vector<16xi32>
    %swap3A_1047 = arith.constant 3 : i32
    %swap3A_1048 = arith.index_cast %swap3A_1047 : i32 to index
    %swap3A_1049 = arith.constant 240 : index
    %swap3A_1050 = tpu.vector_load %arg6[%swap3A_1048, %swap3A_1049] {strides = array<i32>} : memref<6x512xi32, #tpu.memory_space<vmem>>, vector<1x16xi32>,
    %swap3A_1051 = vector.shape_cast %swap3A_1050 : vector<1x16xi32> to vector<16xi32>
    %swap3A_1052 = vector.shape_cast %add3A_1046 : vector<16xi32> to vector<1x16xi32>
    tpu.vector_store %arg6[%swap3A_1048, %swap3A_1049], %swap3A_1052 {strides = array<i32>} : memref<6x512xi32, #tpu.memory_space<vmem>>, vector<1x16xi32>,
    %add3A_1053 = arith.constant 512 : i32
    %add3A_1054 = vector.broadcast %add3A_1053 : i32 to vector<16xi32>
    %add3A_1055 = arith.addi %add3A_1016, %add3A_1054 : vector<16xi32>
    %swap3A_1056 = arith.constant 4 : i32
    %swap3A_1057 = arith.index_cast %swap3A_1056 : i32 to index
    %swap3A_1058 = arith.constant 240 : index
    %swap3A_1059 = tpu.vector_load %arg6[%swap3A_1057, %swap3A_1058] {strides = array<i32>} : memref<6x512xi32, #tpu.memory_space<vmem>>, vector<1x16xi32>,
    %swap3A_1060 = vector.shape_cast %swap3A_1059 : vector<1x16xi32> to vector<16xi32>
    %swap3A_1061 = vector.shape_cast %add3A_1055 : vector<16xi32> to vector<1x16xi32>
    tpu.vector_store %arg6[%swap3A_1057, %swap3A_1058], %swap3A_1061 {strides = array<i32>} : memref<6x512xi32, #tpu.memory_space<vmem>>, vector<1x16xi32>,
    %add3A_1062 = arith.constant 640 : i32
    %add3A_1063 = vector.broadcast %add3A_1062 : i32 to vector<16xi32>
    %add3A_1064 = arith.addi %add3A_1016, %add3A_1063 : vector<16xi32>
    %swap3A_1065 = arith.constant 5 : i32
    %swap3A_1066 = arith.index_cast %swap3A_1065 : i32 to index
    %swap3A_1067 = arith.constant 240 : index
    %swap3A_1068 = tpu.vector_load %arg6[%swap3A_1066, %swap3A_1067] {strides = array<i32>} : memref<6x512xi32, #tpu.memory_space<vmem>>, vector<1x16xi32>,
    %swap3A_1069 = vector.shape_cast %swap3A_1068 : vector<1x16xi32> to vector<16xi32>
    %swap3A_1070 = vector.shape_cast %add3A_1064 : vector<16xi32> to vector<1x16xi32>
    tpu.vector_store %arg6[%swap3A_1066, %swap3A_1067], %swap3A_1070 {strides = array<i32>} : memref<6x512xi32, #tpu.memory_space<vmem>>, vector<1x16xi32>,
    %get3A_1071 = arith.constant 256 : index
    %get3A_1072 = tpu.vector_load %arg5[%get3A_1071] {strides = array<i32>} : memref<512xi32, #tpu.memory_space<vmem>>, vector<16xi32>,
    %get3A_1073 = vector.shape_cast %get3A_1072 : vector<16xi32> to vector<16xi32>
    %shift_right_arithmetic3A_1074 = arith.constant 7 : i32
    %shift_right_arithmetic3A_1075 = vector.broadcast %shift_right_arithmetic3A_1074 : i32 to vector<16xi32>
    %shift_right_arithmetic3A_1076 = arith.shrsi %get3A_1073, %shift_right_arithmetic3A_1075 : vector<16xi32>
    %mul3A_1077 = arith.constant 1024 : i32
    %mul3A_1078 = vector.broadcast %mul3A_1077 : i32 to vector<16xi32>
    %mul3A_1079 = arith.muli %shift_right_arithmetic3A_1076, %mul3A_1078 : vector<16xi32>
    %and3A_1080 = arith.constant 127 : i32
    %and3A_1081 = vector.broadcast %and3A_1080 : i32 to vector<16xi32>
    %and3A_1082 = arith.andi %get3A_1073, %and3A_1081 : vector<16xi32>
    %add3A_1083 = arith.addi %mul3A_1079, %and3A_1082 : vector<16xi32>
    %add3A_1084 = arith.constant 0 : i32
    %add3A_1085 = vector.broadcast %add3A_1084 : i32 to vector<16xi32>
    %add3A_1086 = arith.addi %add3A_1083, %add3A_1085 : vector<16xi32>
    %swap3A_1087 = arith.constant 0 : i32
    %swap3A_1088 = arith.index_cast %swap3A_1087 : i32 to index
    %swap3A_1089 = arith.constant 256 : index
    %swap3A_1090 = tpu.vector_load %arg6[%swap3A_1088, %swap3A_1089] {strides = array<i32>} : memref<6x512xi32, #tpu.memory_space<vmem>>, vector<1x16xi32>,
    %swap3A_1091 = vector.shape_cast %swap3A_1090 : vector<1x16xi32> to vector<16xi32>
    %swap3A_1092 = vector.shape_cast %add3A_1086 : vector<16xi32> to vector<1x16xi32>
    tpu.vector_store %arg6[%swap3A_1088, %swap3A_1089], %swap3A_1092 {strides = array<i32>} : memref<6x512xi32, #tpu.memory_space<vmem>>, vector<1x16xi32>,
    %add3A_1093 = arith.constant 128 : i32
    %add3A_1094 = vector.broadcast %add3A_1093 : i32 to vector<16xi32>
    %add3A_1095 = arith.addi %add3A_1083, %add3A_1094 : vector<16xi32>
    %swap3A_1096 = arith.constant 1 : i32
    %swap3A_1097 = arith.index_cast %swap3A_1096 : i32 to index
    %swap3A_1098 = arith.constant 256 : index
    %swap3A_1099 = tpu.vector_load %arg6[%swap3A_1097, %swap3A_1098] {strides = array<i32>} : memref<6x512xi32, #tpu.memory_space<vmem>>, vector<1x16xi32>,
    %swap3A_1100 = vector.shape_cast %swap3A_1099 : vector<1x16xi32> to vector<16xi32>
    %swap3A_1101 = vector.shape_cast %add3A_1095 : vector<16xi32> to vector<1x16xi32>
    tpu.vector_store %arg6[%swap3A_1097, %swap3A_1098], %swap3A_1101 {strides = array<i32>} : memref<6x512xi32, #tpu.memory_space<vmem>>, vector<1x16xi32>,
    %add3A_1102 = arith.constant 256 : i32
    %add3A_1103 = vector.broadcast %add3A_1102 : i32 to vector<16xi32>
    %add3A_1104 = arith.addi %add3A_1083, %add3A_1103 : vector<16xi32>
    %swap3A_1105 = arith.constant 2 : i32
    %swap3A_1106 = arith.index_cast %swap3A_1105 : i32 to index
    %swap3A_1107 = arith.constant 256 : index
    %swap3A_1108 = tpu.vector_load %arg6[%swap3A_1106, %swap3A_1107] {strides = array<i32>} : memref<6x512xi32, #tpu.memory_space<vmem>>, vector<1x16xi32>,
    %swap3A_1109 = vector.shape_cast %swap3A_1108 : vector<1x16xi32> to vector<16xi32>
    %swap3A_1110 = vector.shape_cast %add3A_1104 : vector<16xi32> to vector<1x16xi32>
    tpu.vector_store %arg6[%swap3A_1106, %swap3A_1107], %swap3A_1110 {strides = array<i32>} : memref<6x512xi32, #tpu.memory_space<vmem>>, vector<1x16xi32>,
    %add3A_1111 = arith.constant 384 : i32
    %add3A_1112 = vector.broadcast %add3A_1111 : i32 to vector<16xi32>
    %add3A_1113 = arith.addi %add3A_1083, %add3A_1112 : vector<16xi32>
    %swap3A_1114 = arith.constant 3 : i32
    %swap3A_1115 = arith.index_cast %swap3A_1114 : i32 to index
    %swap3A_1116 = arith.constant 256 : index
    %swap3A_1117 = tpu.vector_load %arg6[%swap3A_1115, %swap3A_1116] {strides = array<i32>} : memref<6x512xi32, #tpu.memory_space<vmem>>, vector<1x16xi32>,
    %swap3A_1118 = vector.shape_cast %swap3A_1117 : vector<1x16xi32> to vector<16xi32>
    %swap3A_1119 = vector.shape_cast %add3A_1113 : vector<16xi32> to vector<1x16xi32>
    tpu.vector_store %arg6[%swap3A_1115, %swap3A_1116], %swap3A_1119 {strides = array<i32>} : memref<6x512xi32, #tpu.memory_space<vmem>>, vector<1x16xi32>,
    %add3A_1120 = arith.constant 512 : i32
    %add3A_1121 = vector.broadcast %add3A_1120 : i32 to vector<16xi32>
    %add3A_1122 = arith.addi %add3A_1083, %add3A_1121 : vector<16xi32>
    %swap3A_1123 = arith.constant 4 : i32
    %swap3A_1124 = arith.index_cast %swap3A_1123 : i32 to index
    %swap3A_1125 = arith.constant 256 : index
    %swap3A_1126 = tpu.vector_load %arg6[%swap3A_1124, %swap3A_1125] {strides = array<i32>} : memref<6x512xi32, #tpu.memory_space<vmem>>, vector<1x16xi32>,
    %swap3A_1127 = vector.shape_cast %swap3A_1126 : vector<1x16xi32> to vector<16xi32>
    %swap3A_1128 = vector.shape_cast %add3A_1122 : vector<16xi32> to vector<1x16xi32>
    tpu.vector_store %arg6[%swap3A_1124, %swap3A_1125], %swap3A_1128 {strides = array<i32>} : memref<6x512xi32, #tpu.memory_space<vmem>>, vector<1x16xi32>,
    %add3A_1129 = arith.constant 640 : i32
    %add3A_1130 = vector.broadcast %add3A_1129 : i32 to vector<16xi32>
    %add3A_1131 = arith.addi %add3A_1083, %add3A_1130 : vector<16xi32>
    %swap3A_1132 = arith.constant 5 : i32
    %swap3A_1133 = arith.index_cast %swap3A_1132 : i32 to index
    %swap3A_1134 = arith.constant 256 : index
    %swap3A_1135 = tpu.vector_load %arg6[%swap3A_1133, %swap3A_1134] {strides = array<i32>} : memref<6x512xi32, #tpu.memory_space<vmem>>, vector<1x16xi32>,
    %swap3A_1136 = vector.shape_cast %swap3A_1135 : vector<1x16xi32> to vector<16xi32>
    %swap3A_1137 = vector.shape_cast %add3A_1131 : vector<16xi32> to vector<1x16xi32>
    tpu.vector_store %arg6[%swap3A_1133, %swap3A_1134], %swap3A_1137 {strides = array<i32>} : memref<6x512xi32, #tpu.memory_space<vmem>>, vector<1x16xi32>,
    %get3A_1138 = arith.constant 272 : index
    %get3A_1139 = tpu.vector_load %arg5[%get3A_1138] {strides = array<i32>} : memref<512xi32, #tpu.memory_space<vmem>>, vector<16xi32>,
    %get3A_1140 = vector.shape_cast %get3A_1139 : vector<16xi32> to vector<16xi32>
    %shift_right_arithmetic3A_1141 = arith.constant 7 : i32
    %shift_right_arithmetic3A_1142 = vector.broadcast %shift_right_arithmetic3A_1141 : i32 to vector<16xi32>
    %shift_right_arithmetic3A_1143 = arith.shrsi %get3A_1140, %shift_right_arithmetic3A_1142 : vector<16xi32>
    %mul3A_1144 = arith.constant 1024 : i32
    %mul3A_1145 = vector.broadcast %mul3A_1144 : i32 to vector<16xi32>
    %mul3A_1146 = arith.muli %shift_right_arithmetic3A_1143, %mul3A_1145 : vector<16xi32>
    %and3A_1147 = arith.constant 127 : i32
    %and3A_1148 = vector.broadcast %and3A_1147 : i32 to vector<16xi32>
    %and3A_1149 = arith.andi %get3A_1140, %and3A_1148 : vector<16xi32>
    %add3A_1150 = arith.addi %mul3A_1146, %and3A_1149 : vector<16xi32>
    %add3A_1151 = arith.constant 0 : i32
    %add3A_1152 = vector.broadcast %add3A_1151 : i32 to vector<16xi32>
    %add3A_1153 = arith.addi %add3A_1150, %add3A_1152 : vector<16xi32>
    %swap3A_1154 = arith.constant 0 : i32
    %swap3A_1155 = arith.index_cast %swap3A_1154 : i32 to index
    %swap3A_1156 = arith.constant 272 : index
    %swap3A_1157 = tpu.vector_load %arg6[%swap3A_1155, %swap3A_1156] {strides = array<i32>} : memref<6x512xi32, #tpu.memory_space<vmem>>, vector<1x16xi32>,
    %swap3A_1158 = vector.shape_cast %swap3A_1157 : vector<1x16xi32> to vector<16xi32>
    %swap3A_1159 = vector.shape_cast %add3A_1153 : vector<16xi32> to vector<1x16xi32>
    tpu.vector_store %arg6[%swap3A_1155, %swap3A_1156], %swap3A_1159 {strides = array<i32>} : memref<6x512xi32, #tpu.memory_space<vmem>>, vector<1x16xi32>,
    %add3A_1160 = arith.constant 128 : i32
    %add3A_1161 = vector.broadcast %add3A_1160 : i32 to vector<16xi32>
    %add3A_1162 = arith.addi %add3A_1150, %add3A_1161 : vector<16xi32>
    %swap3A_1163 = arith.constant 1 : i32
    %swap3A_1164 = arith.index_cast %swap3A_1163 : i32 to index
    %swap3A_1165 = arith.constant 272 : index
    %swap3A_1166 = tpu.vector_load %arg6[%swap3A_1164, %swap3A_1165] {strides = array<i32>} : memref<6x512xi32, #tpu.memory_space<vmem>>, vector<1x16xi32>,
    %swap3A_1167 = vector.shape_cast %swap3A_1166 : vector<1x16xi32> to vector<16xi32>
    %swap3A_1168 = vector.shape_cast %add3A_1162 : vector<16xi32> to vector<1x16xi32>
    tpu.vector_store %arg6[%swap3A_1164, %swap3A_1165], %swap3A_1168 {strides = array<i32>} : memref<6x512xi32, #tpu.memory_space<vmem>>, vector<1x16xi32>,
    %add3A_1169 = arith.constant 256 : i32
    %add3A_1170 = vector.broadcast %add3A_1169 : i32 to vector<16xi32>
    %add3A_1171 = arith.addi %add3A_1150, %add3A_1170 : vector<16xi32>
    %swap3A_1172 = arith.constant 2 : i32
    %swap3A_1173 = arith.index_cast %swap3A_1172 : i32 to index
    %swap3A_1174 = arith.constant 272 : index
    %swap3A_1175 = tpu.vector_load %arg6[%swap3A_1173, %swap3A_1174] {strides = array<i32>} : memref<6x512xi32, #tpu.memory_space<vmem>>, vector<1x16xi32>,
    %swap3A_1176 = vector.shape_cast %swap3A_1175 : vector<1x16xi32> to vector<16xi32>
    %swap3A_1177 = vector.shape_cast %add3A_1171 : vector<16xi32> to vector<1x16xi32>
    tpu.vector_store %arg6[%swap3A_1173, %swap3A_1174], %swap3A_1177 {strides = array<i32>} : memref<6x512xi32, #tpu.memory_space<vmem>>, vector<1x16xi32>,
    %add3A_1178 = arith.constant 384 : i32
    %add3A_1179 = vector.broadcast %add3A_1178 : i32 to vector<16xi32>
    %add3A_1180 = arith.addi %add3A_1150, %add3A_1179 : vector<16xi32>
    %swap3A_1181 = arith.constant 3 : i32
    %swap3A_1182 = arith.index_cast %swap3A_1181 : i32 to index
    %swap3A_1183 = arith.constant 272 : index
    %swap3A_1184 = tpu.vector_load %arg6[%swap3A_1182, %swap3A_1183] {strides = array<i32>} : memref<6x512xi32, #tpu.memory_space<vmem>>, vector<1x16xi32>,
    %swap3A_1185 = vector.shape_cast %swap3A_1184 : vector<1x16xi32> to vector<16xi32>
    %swap3A_1186 = vector.shape_cast %add3A_1180 : vector<16xi32> to vector<1x16xi32>
    tpu.vector_store %arg6[%swap3A_1182, %swap3A_1183], %swap3A_1186 {strides = array<i32>} : memref<6x512xi32, #tpu.memory_space<vmem>>, vector<1x16xi32>,
    %add3A_1187 = arith.constant 512 : i32
    %add3A_1188 = vector.broadcast %add3A_1187 : i32 to vector<16xi32>
    %add3A_1189 = arith.addi %add3A_1150, %add3A_1188 : vector<16xi32>
    %swap3A_1190 = arith.constant 4 : i32
    %swap3A_1191 = arith.index_cast %swap3A_1190 : i32 to index
    %swap3A_1192 = arith.constant 272 : index
    %swap3A_1193 = tpu.vector_load %arg6[%swap3A_1191, %swap3A_1192] {strides = array<i32>} : memref<6x512xi32, #tpu.memory_space<vmem>>, vector<1x16xi32>,
    %swap3A_1194 = vector.shape_cast %swap3A_1193 : vector<1x16xi32> to vector<16xi32>
    %swap3A_1195 = vector.shape_cast %add3A_1189 : vector<16xi32> to vector<1x16xi32>
    tpu.vector_store %arg6[%swap3A_1191, %swap3A_1192], %swap3A_1195 {strides = array<i32>} : memref<6x512xi32, #tpu.memory_space<vmem>>, vector<1x16xi32>,
    %add3A_1196 = arith.constant 640 : i32
    %add3A_1197 = vector.broadcast %add3A_1196 : i32 to vector<16xi32>
    %add3A_1198 = arith.addi %add3A_1150, %add3A_1197 : vector<16xi32>
    %swap3A_1199 = arith.constant 5 : i32
    %swap3A_1200 = arith.index_cast %swap3A_1199 : i32 to index
    %swap3A_1201 = arith.constant 272 : index
    %swap3A_1202 = tpu.vector_load %arg6[%swap3A_1200, %swap3A_1201] {strides = array<i32>} : memref<6x512xi32, #tpu.memory_space<vmem>>, vector<1x16xi32>,
    %swap3A_1203 = vector.shape_cast %swap3A_1202 : vector<1x16xi32> to vector<16xi32>
    %swap3A_1204 = vector.shape_cast %add3A_1198 : vector<16xi32> to vector<1x16xi32>
    tpu.vector_store %arg6[%swap3A_1200, %swap3A_1201], %swap3A_1204 {strides = array<i32>} : memref<6x512xi32, #tpu.memory_space<vmem>>, vector<1x16xi32>,
    %get3A_1205 = arith.constant 288 : index
    %get3A_1206 = tpu.vector_load %arg5[%get3A_1205] {strides = array<i32>} : memref<512xi32, #tpu.memory_space<vmem>>, vector<16xi32>,
    %get3A_1207 = vector.shape_cast %get3A_1206 : vector<16xi32> to vector<16xi32>
    %shift_right_arithmetic3A_1208 = arith.constant 7 : i32
    %shift_right_arithmetic3A_1209 = vector.broadcast %shift_right_arithmetic3A_1208 : i32 to vector<16xi32>
    %shift_right_arithmetic3A_1210 = arith.shrsi %get3A_1207, %shift_right_arithmetic3A_1209 : vector<16xi32>
    %mul3A_1211 = arith.constant 1024 : i32
    %mul3A_1212 = vector.broadcast %mul3A_1211 : i32 to vector<16xi32>
    %mul3A_1213 = arith.muli %shift_right_arithmetic3A_1210, %mul3A_1212 : vector<16xi32>
    %and3A_1214 = arith.constant 127 : i32
    %and3A_1215 = vector.broadcast %and3A_1214 : i32 to vector<16xi32>
    %and3A_1216 = arith.andi %get3A_1207, %and3A_1215 : vector<16xi32>
    %add3A_1217 = arith.addi %mul3A_1213, %and3A_1216 : vector<16xi32>
    %add3A_1218 = arith.constant 0 : i32
    %add3A_1219 = vector.broadcast %add3A_1218 : i32 to vector<16xi32>
    %add3A_1220 = arith.addi %add3A_1217, %add3A_1219 : vector<16xi32>
    %swap3A_1221 = arith.constant 0 : i32
    %swap3A_1222 = arith.index_cast %swap3A_1221 : i32 to index
    %swap3A_1223 = arith.constant 288 : index
    %swap3A_1224 = tpu.vector_load %arg6[%swap3A_1222, %swap3A_1223] {strides = array<i32>} : memref<6x512xi32, #tpu.memory_space<vmem>>, vector<1x16xi32>,
    %swap3A_1225 = vector.shape_cast %swap3A_1224 : vector<1x16xi32> to vector<16xi32>
    %swap3A_1226 = vector.shape_cast %add3A_1220 : vector<16xi32> to vector<1x16xi32>
    tpu.vector_store %arg6[%swap3A_1222, %swap3A_1223], %swap3A_1226 {strides = array<i32>} : memref<6x512xi32, #tpu.memory_space<vmem>>, vector<1x16xi32>,
    %add3A_1227 = arith.constant 128 : i32
    %add3A_1228 = vector.broadcast %add3A_1227 : i32 to vector<16xi32>
    %add3A_1229 = arith.addi %add3A_1217, %add3A_1228 : vector<16xi32>
    %swap3A_1230 = arith.constant 1 : i32
    %swap3A_1231 = arith.index_cast %swap3A_1230 : i32 to index
    %swap3A_1232 = arith.constant 288 : index
    %swap3A_1233 = tpu.vector_load %arg6[%swap3A_1231, %swap3A_1232] {strides = array<i32>} : memref<6x512xi32, #tpu.memory_space<vmem>>, vector<1x16xi32>,
    %swap3A_1234 = vector.shape_cast %swap3A_1233 : vector<1x16xi32> to vector<16xi32>
    %swap3A_1235 = vector.shape_cast %add3A_1229 : vector<16xi32> to vector<1x16xi32>
    tpu.vector_store %arg6[%swap3A_1231, %swap3A_1232], %swap3A_1235 {strides = array<i32>} : memref<6x512xi32, #tpu.memory_space<vmem>>, vector<1x16xi32>,
    %add3A_1236 = arith.constant 256 : i32
    %add3A_1237 = vector.broadcast %add3A_1236 : i32 to vector<16xi32>
    %add3A_1238 = arith.addi %add3A_1217, %add3A_1237 : vector<16xi32>
    %swap3A_1239 = arith.constant 2 : i32
    %swap3A_1240 = arith.index_cast %swap3A_1239 : i32 to index
    %swap3A_1241 = arith.constant 288 : index
    %swap3A_1242 = tpu.vector_load %arg6[%swap3A_1240, %swap3A_1241] {strides = array<i32>} : memref<6x512xi32, #tpu.memory_space<vmem>>, vector<1x16xi32>,
    %swap3A_1243 = vector.shape_cast %swap3A_1242 : vector<1x16xi32> to vector<16xi32>
    %swap3A_1244 = vector.shape_cast %add3A_1238 : vector<16xi32> to vector<1x16xi32>
    tpu.vector_store %arg6[%swap3A_1240, %swap3A_1241], %swap3A_1244 {strides = array<i32>} : memref<6x512xi32, #tpu.memory_space<vmem>>, vector<1x16xi32>,
    %add3A_1245 = arith.constant 384 : i32
    %add3A_1246 = vector.broadcast %add3A_1245 : i32 to vector<16xi32>
    %add3A_1247 = arith.addi %add3A_1217, %add3A_1246 : vector<16xi32>
    %swap3A_1248 = arith.constant 3 : i32
    %swap3A_1249 = arith.index_cast %swap3A_1248 : i32 to index
    %swap3A_1250 = arith.constant 288 : index
    %swap3A_1251 = tpu.vector_load %arg6[%swap3A_1249, %swap3A_1250] {strides = array<i32>} : memref<6x512xi32, #tpu.memory_space<vmem>>, vector<1x16xi32>,
    %swap3A_1252 = vector.shape_cast %swap3A_1251 : vector<1x16xi32> to vector<16xi32>
    %swap3A_1253 = vector.shape_cast %add3A_1247 : vector<16xi32> to vector<1x16xi32>
    tpu.vector_store %arg6[%swap3A_1249, %swap3A_1250], %swap3A_1253 {strides = array<i32>} : memref<6x512xi32, #tpu.memory_space<vmem>>, vector<1x16xi32>,
    %add3A_1254 = arith.constant 512 : i32
    %add3A_1255 = vector.broadcast %add3A_1254 : i32 to vector<16xi32>
    %add3A_1256 = arith.addi %add3A_1217, %add3A_1255 : vector<16xi32>
    %swap3A_1257 = arith.constant 4 : i32
    %swap3A_1258 = arith.index_cast %swap3A_1257 : i32 to index
    %swap3A_1259 = arith.constant 288 : index
    %swap3A_1260 = tpu.vector_load %arg6[%swap3A_1258, %swap3A_1259] {strides = array<i32>} : memref<6x512xi32, #tpu.memory_space<vmem>>, vector<1x16xi32>,
    %swap3A_1261 = vector.shape_cast %swap3A_1260 : vector<1x16xi32> to vector<16xi32>
    %swap3A_1262 = vector.shape_cast %add3A_1256 : vector<16xi32> to vector<1x16xi32>
    tpu.vector_store %arg6[%swap3A_1258, %swap3A_1259], %swap3A_1262 {strides = array<i32>} : memref<6x512xi32, #tpu.memory_space<vmem>>, vector<1x16xi32>,
    %add3A_1263 = arith.constant 640 : i32
    %add3A_1264 = vector.broadcast %add3A_1263 : i32 to vector<16xi32>
    %add3A_1265 = arith.addi %add3A_1217, %add3A_1264 : vector<16xi32>
    %swap3A_1266 = arith.constant 5 : i32
    %swap3A_1267 = arith.index_cast %swap3A_1266 : i32 to index
    %swap3A_1268 = arith.constant 288 : index
    %swap3A_1269 = tpu.vector_load %arg6[%swap3A_1267, %swap3A_1268] {strides = array<i32>} : memref<6x512xi32, #tpu.memory_space<vmem>>, vector<1x16xi32>,
    %swap3A_1270 = vector.shape_cast %swap3A_1269 : vector<1x16xi32> to vector<16xi32>
    %swap3A_1271 = vector.shape_cast %add3A_1265 : vector<16xi32> to vector<1x16xi32>
    tpu.vector_store %arg6[%swap3A_1267, %swap3A_1268], %swap3A_1271 {strides = array<i32>} : memref<6x512xi32, #tpu.memory_space<vmem>>, vector<1x16xi32>,
    %get3A_1272 = arith.constant 304 : index
    %get3A_1273 = tpu.vector_load %arg5[%get3A_1272] {strides = array<i32>} : memref<512xi32, #tpu.memory_space<vmem>>, vector<16xi32>,
    %get3A_1274 = vector.shape_cast %get3A_1273 : vector<16xi32> to vector<16xi32>
    %shift_right_arithmetic3A_1275 = arith.constant 7 : i32
    %shift_right_arithmetic3A_1276 = vector.broadcast %shift_right_arithmetic3A_1275 : i32 to vector<16xi32>
    %shift_right_arithmetic3A_1277 = arith.shrsi %get3A_1274, %shift_right_arithmetic3A_1276 : vector<16xi32>
    %mul3A_1278 = arith.constant 1024 : i32
    %mul3A_1279 = vector.broadcast %mul3A_1278 : i32 to vector<16xi32>
    %mul3A_1280 = arith.muli %shift_right_arithmetic3A_1277, %mul3A_1279 : vector<16xi32>
    %and3A_1281 = arith.constant 127 : i32
    %and3A_1282 = vector.broadcast %and3A_1281 : i32 to vector<16xi32>
    %and3A_1283 = arith.andi %get3A_1274, %and3A_1282 : vector<16xi32>
    %add3A_1284 = arith.addi %mul3A_1280, %and3A_1283 : vector<16xi32>
    %add3A_1285 = arith.constant 0 : i32
    %add3A_1286 = vector.broadcast %add3A_1285 : i32 to vector<16xi32>
    %add3A_1287 = arith.addi %add3A_1284, %add3A_1286 : vector<16xi32>
    %swap3A_1288 = arith.constant 0 : i32
    %swap3A_1289 = arith.index_cast %swap3A_1288 : i32 to index
    %swap3A_1290 = arith.constant 304 : index
    %swap3A_1291 = tpu.vector_load %arg6[%swap3A_1289, %swap3A_1290] {strides = array<i32>} : memref<6x512xi32, #tpu.memory_space<vmem>>, vector<1x16xi32>,
    %swap3A_1292 = vector.shape_cast %swap3A_1291 : vector<1x16xi32> to vector<16xi32>
    %swap3A_1293 = vector.shape_cast %add3A_1287 : vector<16xi32> to vector<1x16xi32>
    tpu.vector_store %arg6[%swap3A_1289, %swap3A_1290], %swap3A_1293 {strides = array<i32>} : memref<6x512xi32, #tpu.memory_space<vmem>>, vector<1x16xi32>,
    %add3A_1294 = arith.constant 128 : i32
    %add3A_1295 = vector.broadcast %add3A_1294 : i32 to vector<16xi32>
    %add3A_1296 = arith.addi %add3A_1284, %add3A_1295 : vector<16xi32>
    %swap3A_1297 = arith.constant 1 : i32
    %swap3A_1298 = arith.index_cast %swap3A_1297 : i32 to index
    %swap3A_1299 = arith.constant 304 : index
    %swap3A_1300 = tpu.vector_load %arg6[%swap3A_1298, %swap3A_1299] {strides = array<i32>} : memref<6x512xi32, #tpu.memory_space<vmem>>, vector<1x16xi32>,
    %swap3A_1301 = vector.shape_cast %swap3A_1300 : vector<1x16xi32> to vector<16xi32>
    %swap3A_1302 = vector.shape_cast %add3A_1296 : vector<16xi32> to vector<1x16xi32>
    tpu.vector_store %arg6[%swap3A_1298, %swap3A_1299], %swap3A_1302 {strides = array<i32>} : memref<6x512xi32, #tpu.memory_space<vmem>>, vector<1x16xi32>,
    %add3A_1303 = arith.constant 256 : i32
    %add3A_1304 = vector.broadcast %add3A_1303 : i32 to vector<16xi32>
    %add3A_1305 = arith.addi %add3A_1284, %add3A_1304 : vector<16xi32>
    %swap3A_1306 = arith.constant 2 : i32
    %swap3A_1307 = arith.index_cast %swap3A_1306 : i32 to index
    %swap3A_1308 = arith.constant 304 : index
    %swap3A_1309 = tpu.vector_load %arg6[%swap3A_1307, %swap3A_1308] {strides = array<i32>} : memref<6x512xi32, #tpu.memory_space<vmem>>, vector<1x16xi32>,
    %swap3A_1310 = vector.shape_cast %swap3A_1309 : vector<1x16xi32> to vector<16xi32>
    %swap3A_1311 = vector.shape_cast %add3A_1305 : vector<16xi32> to vector<1x16xi32>
    tpu.vector_store %arg6[%swap3A_1307, %swap3A_1308], %swap3A_1311 {strides = array<i32>} : memref<6x512xi32, #tpu.memory_space<vmem>>, vector<1x16xi32>,
    %add3A_1312 = arith.constant 384 : i32
    %add3A_1313 = vector.broadcast %add3A_1312 : i32 to vector<16xi32>
    %add3A_1314 = arith.addi %add3A_1284, %add3A_1313 : vector<16xi32>
    %swap3A_1315 = arith.constant 3 : i32
    %swap3A_1316 = arith.index_cast %swap3A_1315 : i32 to index
    %swap3A_1317 = arith.constant 304 : index
    %swap3A_1318 = tpu.vector_load %arg6[%swap3A_1316, %swap3A_1317] {strides = array<i32>} : memref<6x512xi32, #tpu.memory_space<vmem>>, vector<1x16xi32>,
    %swap3A_1319 = vector.shape_cast %swap3A_1318 : vector<1x16xi32> to vector<16xi32>
    %swap3A_1320 = vector.shape_cast %add3A_1314 : vector<16xi32> to vector<1x16xi32>
    tpu.vector_store %arg6[%swap3A_1316, %swap3A_1317], %swap3A_1320 {strides = array<i32>} : memref<6x512xi32, #tpu.memory_space<vmem>>, vector<1x16xi32>,
    %add3A_1321 = arith.constant 512 : i32
    %add3A_1322 = vector.broadcast %add3A_1321 : i32 to vector<16xi32>
    %add3A_1323 = arith.addi %add3A_1284, %add3A_1322 : vector<16xi32>
    %swap3A_1324 = arith.constant 4 : i32
    %swap3A_1325 = arith.index_cast %swap3A_1324 : i32 to index
    %swap3A_1326 = arith.constant 304 : index
    %swap3A_1327 = tpu.vector_load %arg6[%swap3A_1325, %swap3A_1326] {strides = array<i32>} : memref<6x512xi32, #tpu.memory_space<vmem>>, vector<1x16xi32>,
    %swap3A_1328 = vector.shape_cast %swap3A_1327 : vector<1x16xi32> to vector<16xi32>
    %swap3A_1329 = vector.shape_cast %add3A_1323 : vector<16xi32> to vector<1x16xi32>
    tpu.vector_store %arg6[%swap3A_1325, %swap3A_1326], %swap3A_1329 {strides = array<i32>} : memref<6x512xi32, #tpu.memory_space<vmem>>, vector<1x16xi32>,
    %add3A_1330 = arith.constant 640 : i32
    %add3A_1331 = vector.broadcast %add3A_1330 : i32 to vector<16xi32>
    %add3A_1332 = arith.addi %add3A_1284, %add3A_1331 : vector<16xi32>
    %swap3A_1333 = arith.constant 5 : i32
    %swap3A_1334 = arith.index_cast %swap3A_1333 : i32 to index
    %swap3A_1335 = arith.constant 304 : index
    %swap3A_1336 = tpu.vector_load %arg6[%swap3A_1334, %swap3A_1335] {strides = array<i32>} : memref<6x512xi32, #tpu.memory_space<vmem>>, vector<1x16xi32>,
    %swap3A_1337 = vector.shape_cast %swap3A_1336 : vector<1x16xi32> to vector<16xi32>
    %swap3A_1338 = vector.shape_cast %add3A_1332 : vector<16xi32> to vector<1x16xi32>
    tpu.vector_store %arg6[%swap3A_1334, %swap3A_1335], %swap3A_1338 {strides = array<i32>} : memref<6x512xi32, #tpu.memory_space<vmem>>, vector<1x16xi32>,
    %get3A_1339 = arith.constant 320 : index
    %get3A_1340 = tpu.vector_load %arg5[%get3A_1339] {strides = array<i32>} : memref<512xi32, #tpu.memory_space<vmem>>, vector<16xi32>,
    %get3A_1341 = vector.shape_cast %get3A_1340 : vector<16xi32> to vector<16xi32>
    %shift_right_arithmetic3A_1342 = arith.constant 7 : i32
    %shift_right_arithmetic3A_1343 = vector.broadcast %shift_right_arithmetic3A_1342 : i32 to vector<16xi32>
    %shift_right_arithmetic3A_1344 = arith.shrsi %get3A_1341, %shift_right_arithmetic3A_1343 : vector<16xi32>
    %mul3A_1345 = arith.constant 1024 : i32
    %mul3A_1346 = vector.broadcast %mul3A_1345 : i32 to vector<16xi32>
    %mul3A_1347 = arith.muli %shift_right_arithmetic3A_1344, %mul3A_1346 : vector<16xi32>
    %and3A_1348 = arith.constant 127 : i32
    %and3A_1349 = vector.broadcast %and3A_1348 : i32 to vector<16xi32>
    %and3A_1350 = arith.andi %get3A_1341, %and3A_1349 : vector<16xi32>
    %add3A_1351 = arith.addi %mul3A_1347, %and3A_1350 : vector<16xi32>
    %add3A_1352 = arith.constant 0 : i32
    %add3A_1353 = vector.broadcast %add3A_1352 : i32 to vector<16xi32>
    %add3A_1354 = arith.addi %add3A_1351, %add3A_1353 : vector<16xi32>
    %swap3A_1355 = arith.constant 0 : i32
    %swap3A_1356 = arith.index_cast %swap3A_1355 : i32 to index
    %swap3A_1357 = arith.constant 320 : index
    %swap3A_1358 = tpu.vector_load %arg6[%swap3A_1356, %swap3A_1357] {strides = array<i32>} : memref<6x512xi32, #tpu.memory_space<vmem>>, vector<1x16xi32>,
    %swap3A_1359 = vector.shape_cast %swap3A_1358 : vector<1x16xi32> to vector<16xi32>
    %swap3A_1360 = vector.shape_cast %add3A_1354 : vector<16xi32> to vector<1x16xi32>
    tpu.vector_store %arg6[%swap3A_1356, %swap3A_1357], %swap3A_1360 {strides = array<i32>} : memref<6x512xi32, #tpu.memory_space<vmem>>, vector<1x16xi32>,
    %add3A_1361 = arith.constant 128 : i32
    %add3A_1362 = vector.broadcast %add3A_1361 : i32 to vector<16xi32>
    %add3A_1363 = arith.addi %add3A_1351, %add3A_1362 : vector<16xi32>
    %swap3A_1364 = arith.constant 1 : i32
    %swap3A_1365 = arith.index_cast %swap3A_1364 : i32 to index
    %swap3A_1366 = arith.constant 320 : index
    %swap3A_1367 = tpu.vector_load %arg6[%swap3A_1365, %swap3A_1366] {strides = array<i32>} : memref<6x512xi32, #tpu.memory_space<vmem>>, vector<1x16xi32>,
    %swap3A_1368 = vector.shape_cast %swap3A_1367 : vector<1x16xi32> to vector<16xi32>
    %swap3A_1369 = vector.shape_cast %add3A_1363 : vector<16xi32> to vector<1x16xi32>
    tpu.vector_store %arg6[%swap3A_1365, %swap3A_1366], %swap3A_1369 {strides = array<i32>} : memref<6x512xi32, #tpu.memory_space<vmem>>, vector<1x16xi32>,
    %add3A_1370 = arith.constant 256 : i32
    %add3A_1371 = vector.broadcast %add3A_1370 : i32 to vector<16xi32>
    %add3A_1372 = arith.addi %add3A_1351, %add3A_1371 : vector<16xi32>
    %swap3A_1373 = arith.constant 2 : i32
    %swap3A_1374 = arith.index_cast %swap3A_1373 : i32 to index
    %swap3A_1375 = arith.constant 320 : index
    %swap3A_1376 = tpu.vector_load %arg6[%swap3A_1374, %swap3A_1375] {strides = array<i32>} : memref<6x512xi32, #tpu.memory_space<vmem>>, vector<1x16xi32>,
    %swap3A_1377 = vector.shape_cast %swap3A_1376 : vector<1x16xi32> to vector<16xi32>
    %swap3A_1378 = vector.shape_cast %add3A_1372 : vector<16xi32> to vector<1x16xi32>
    tpu.vector_store %arg6[%swap3A_1374, %swap3A_1375], %swap3A_1378 {strides = array<i32>} : memref<6x512xi32, #tpu.memory_space<vmem>>, vector<1x16xi32>,
    %add3A_1379 = arith.constant 384 : i32
    %add3A_1380 = vector.broadcast %add3A_1379 : i32 to vector<16xi32>
    %add3A_1381 = arith.addi %add3A_1351, %add3A_1380 : vector<16xi32>
    %swap3A_1382 = arith.constant 3 : i32
    %swap3A_1383 = arith.index_cast %swap3A_1382 : i32 to index
    %swap3A_1384 = arith.constant 320 : index
    %swap3A_1385 = tpu.vector_load %arg6[%swap3A_1383, %swap3A_1384] {strides = array<i32>} : memref<6x512xi32, #tpu.memory_space<vmem>>, vector<1x16xi32>,
    %swap3A_1386 = vector.shape_cast %swap3A_1385 : vector<1x16xi32> to vector<16xi32>
    %swap3A_1387 = vector.shape_cast %add3A_1381 : vector<16xi32> to vector<1x16xi32>
    tpu.vector_store %arg6[%swap3A_1383, %swap3A_1384], %swap3A_1387 {strides = array<i32>} : memref<6x512xi32, #tpu.memory_space<vmem>>, vector<1x16xi32>,
    %add3A_1388 = arith.constant 512 : i32
    %add3A_1389 = vector.broadcast %add3A_1388 : i32 to vector<16xi32>
    %add3A_1390 = arith.addi %add3A_1351, %add3A_1389 : vector<16xi32>
    %swap3A_1391 = arith.constant 4 : i32
    %swap3A_1392 = arith.index_cast %swap3A_1391 : i32 to index
    %swap3A_1393 = arith.constant 320 : index
    %swap3A_1394 = tpu.vector_load %arg6[%swap3A_1392, %swap3A_1393] {strides = array<i32>} : memref<6x512xi32, #tpu.memory_space<vmem>>, vector<1x16xi32>,
    %swap3A_1395 = vector.shape_cast %swap3A_1394 : vector<1x16xi32> to vector<16xi32>
    %swap3A_1396 = vector.shape_cast %add3A_1390 : vector<16xi32> to vector<1x16xi32>
    tpu.vector_store %arg6[%swap3A_1392, %swap3A_1393], %swap3A_1396 {strides = array<i32>} : memref<6x512xi32, #tpu.memory_space<vmem>>, vector<1x16xi32>,
    %add3A_1397 = arith.constant 640 : i32
    %add3A_1398 = vector.broadcast %add3A_1397 : i32 to vector<16xi32>
    %add3A_1399 = arith.addi %add3A_1351, %add3A_1398 : vector<16xi32>
    %swap3A_1400 = arith.constant 5 : i32
    %swap3A_1401 = arith.index_cast %swap3A_1400 : i32 to index
    %swap3A_1402 = arith.constant 320 : index
    %swap3A_1403 = tpu.vector_load %arg6[%swap3A_1401, %swap3A_1402] {strides = array<i32>} : memref<6x512xi32, #tpu.memory_space<vmem>>, vector<1x16xi32>,
    %swap3A_1404 = vector.shape_cast %swap3A_1403 : vector<1x16xi32> to vector<16xi32>
    %swap3A_1405 = vector.shape_cast %add3A_1399 : vector<16xi32> to vector<1x16xi32>
    tpu.vector_store %arg6[%swap3A_1401, %swap3A_1402], %swap3A_1405 {strides = array<i32>} : memref<6x512xi32, #tpu.memory_space<vmem>>, vector<1x16xi32>,
    %get3A_1406 = arith.constant 336 : index
    %get3A_1407 = tpu.vector_load %arg5[%get3A_1406] {strides = array<i32>} : memref<512xi32, #tpu.memory_space<vmem>>, vector<16xi32>,
    %get3A_1408 = vector.shape_cast %get3A_1407 : vector<16xi32> to vector<16xi32>
    %shift_right_arithmetic3A_1409 = arith.constant 7 : i32
    %shift_right_arithmetic3A_1410 = vector.broadcast %shift_right_arithmetic3A_1409 : i32 to vector<16xi32>
    %shift_right_arithmetic3A_1411 = arith.shrsi %get3A_1408, %shift_right_arithmetic3A_1410 : vector<16xi32>
    %mul3A_1412 = arith.constant 1024 : i32
    %mul3A_1413 = vector.broadcast %mul3A_1412 : i32 to vector<16xi32>
    %mul3A_1414 = arith.muli %shift_right_arithmetic3A_1411, %mul3A_1413 : vector<16xi32>
    %and3A_1415 = arith.constant 127 : i32
    %and3A_1416 = vector.broadcast %and3A_1415 : i32 to vector<16xi32>
    %and3A_1417 = arith.andi %get3A_1408, %and3A_1416 : vector<16xi32>
    %add3A_1418 = arith.addi %mul3A_1414, %and3A_1417 : vector<16xi32>
    %add3A_1419 = arith.constant 0 : i32
    %add3A_1420 = vector.broadcast %add3A_1419 : i32 to vector<16xi32>
    %add3A_1421 = arith.addi %add3A_1418, %add3A_1420 : vector<16xi32>
    %swap3A_1422 = arith.constant 0 : i32
    %swap3A_1423 = arith.index_cast %swap3A_1422 : i32 to index
    %swap3A_1424 = arith.constant 336 : index
    %swap3A_1425 = tpu.vector_load %arg6[%swap3A_1423, %swap3A_1424] {strides = array<i32>} : memref<6x512xi32, #tpu.memory_space<vmem>>, vector<1x16xi32>,
    %swap3A_1426 = vector.shape_cast %swap3A_1425 : vector<1x16xi32> to vector<16xi32>
    %swap3A_1427 = vector.shape_cast %add3A_1421 : vector<16xi32> to vector<1x16xi32>
    tpu.vector_store %arg6[%swap3A_1423, %swap3A_1424], %swap3A_1427 {strides = array<i32>} : memref<6x512xi32, #tpu.memory_space<vmem>>, vector<1x16xi32>,
    %add3A_1428 = arith.constant 128 : i32
    %add3A_1429 = vector.broadcast %add3A_1428 : i32 to vector<16xi32>
    %add3A_1430 = arith.addi %add3A_1418, %add3A_1429 : vector<16xi32>
    %swap3A_1431 = arith.constant 1 : i32
    %swap3A_1432 = arith.index_cast %swap3A_1431 : i32 to index
    %swap3A_1433 = arith.constant 336 : index
    %swap3A_1434 = tpu.vector_load %arg6[%swap3A_1432, %swap3A_1433] {strides = array<i32>} : memref<6x512xi32, #tpu.memory_space<vmem>>, vector<1x16xi32>,
    %swap3A_1435 = vector.shape_cast %swap3A_1434 : vector<1x16xi32> to vector<16xi32>
    %swap3A_1436 = vector.shape_cast %add3A_1430 : vector<16xi32> to vector<1x16xi32>
    tpu.vector_store %arg6[%swap3A_1432, %swap3A_1433], %swap3A_1436 {strides = array<i32>} : memref<6x512xi32, #tpu.memory_space<vmem>>, vector<1x16xi32>,
    %add3A_1437 = arith.constant 256 : i32
    %add3A_1438 = vector.broadcast %add3A_1437 : i32 to vector<16xi32>
    %add3A_1439 = arith.addi %add3A_1418, %add3A_1438 : vector<16xi32>
    %swap3A_1440 = arith.constant 2 : i32
    %swap3A_1441 = arith.index_cast %swap3A_1440 : i32 to index
    %swap3A_1442 = arith.constant 336 : index
    %swap3A_1443 = tpu.vector_load %arg6[%swap3A_1441, %swap3A_1442] {strides = array<i32>} : memref<6x512xi32, #tpu.memory_space<vmem>>, vector<1x16xi32>,
    %swap3A_1444 = vector.shape_cast %swap3A_1443 : vector<1x16xi32> to vector<16xi32>
    %swap3A_1445 = vector.shape_cast %add3A_1439 : vector<16xi32> to vector<1x16xi32>
    tpu.vector_store %arg6[%swap3A_1441, %swap3A_1442], %swap3A_1445 {strides = array<i32>} : memref<6x512xi32, #tpu.memory_space<vmem>>, vector<1x16xi32>,
    %add3A_1446 = arith.constant 384 : i32
    %add3A_1447 = vector.broadcast %add3A_1446 : i32 to vector<16xi32>
    %add3A_1448 = arith.addi %add3A_1418, %add3A_1447 : vector<16xi32>
    %swap3A_1449 = arith.constant 3 : i32
    %swap3A_1450 = arith.index_cast %swap3A_1449 : i32 to index
    %swap3A_1451 = arith.constant 336 : index
    %swap3A_1452 = tpu.vector_load %arg6[%swap3A_1450, %swap3A_1451] {strides = array<i32>} : memref<6x512xi32, #tpu.memory_space<vmem>>, vector<1x16xi32>,
    %swap3A_1453 = vector.shape_cast %swap3A_1452 : vector<1x16xi32> to vector<16xi32>
    %swap3A_1454 = vector.shape_cast %add3A_1448 : vector<16xi32> to vector<1x16xi32>
    tpu.vector_store %arg6[%swap3A_1450, %swap3A_1451], %swap3A_1454 {strides = array<i32>} : memref<6x512xi32, #tpu.memory_space<vmem>>, vector<1x16xi32>,
    %add3A_1455 = arith.constant 512 : i32
    %add3A_1456 = vector.broadcast %add3A_1455 : i32 to vector<16xi32>
    %add3A_1457 = arith.addi %add3A_1418, %add3A_1456 : vector<16xi32>
    %swap3A_1458 = arith.constant 4 : i32
    %swap3A_1459 = arith.index_cast %swap3A_1458 : i32 to index
    %swap3A_1460 = arith.constant 336 : index
    %swap3A_1461 = tpu.vector_load %arg6[%swap3A_1459, %swap3A_1460] {strides = array<i32>} : memref<6x512xi32, #tpu.memory_space<vmem>>, vector<1x16xi32>,
    %swap3A_1462 = vector.shape_cast %swap3A_1461 : vector<1x16xi32> to vector<16xi32>
    %swap3A_1463 = vector.shape_cast %add3A_1457 : vector<16xi32> to vector<1x16xi32>
    tpu.vector_store %arg6[%swap3A_1459, %swap3A_1460], %swap3A_1463 {strides = array<i32>} : memref<6x512xi32, #tpu.memory_space<vmem>>, vector<1x16xi32>,
    %add3A_1464 = arith.constant 640 : i32
    %add3A_1465 = vector.broadcast %add3A_1464 : i32 to vector<16xi32>
    %add3A_1466 = arith.addi %add3A_1418, %add3A_1465 : vector<16xi32>
    %swap3A_1467 = arith.constant 5 : i32
    %swap3A_1468 = arith.index_cast %swap3A_1467 : i32 to index
    %swap3A_1469 = arith.constant 336 : index
    %swap3A_1470 = tpu.vector_load %arg6[%swap3A_1468, %swap3A_1469] {strides = array<i32>} : memref<6x512xi32, #tpu.memory_space<vmem>>, vector<1x16xi32>,
    %swap3A_1471 = vector.shape_cast %swap3A_1470 : vector<1x16xi32> to vector<16xi32>
    %swap3A_1472 = vector.shape_cast %add3A_1466 : vector<16xi32> to vector<1x16xi32>
    tpu.vector_store %arg6[%swap3A_1468, %swap3A_1469], %swap3A_1472 {strides = array<i32>} : memref<6x512xi32, #tpu.memory_space<vmem>>, vector<1x16xi32>,
    %get3A_1473 = arith.constant 352 : index
    %get3A_1474 = tpu.vector_load %arg5[%get3A_1473] {strides = array<i32>} : memref<512xi32, #tpu.memory_space<vmem>>, vector<16xi32>,
    %get3A_1475 = vector.shape_cast %get3A_1474 : vector<16xi32> to vector<16xi32>
    %shift_right_arithmetic3A_1476 = arith.constant 7 : i32
    %shift_right_arithmetic3A_1477 = vector.broadcast %shift_right_arithmetic3A_1476 : i32 to vector<16xi32>
    %shift_right_arithmetic3A_1478 = arith.shrsi %get3A_1475, %shift_right_arithmetic3A_1477 : vector<16xi32>
    %mul3A_1479 = arith.constant 1024 : i32
    %mul3A_1480 = vector.broadcast %mul3A_1479 : i32 to vector<16xi32>
    %mul3A_1481 = arith.muli %shift_right_arithmetic3A_1478, %mul3A_1480 : vector<16xi32>
    %and3A_1482 = arith.constant 127 : i32
    %and3A_1483 = vector.broadcast %and3A_1482 : i32 to vector<16xi32>
    %and3A_1484 = arith.andi %get3A_1475, %and3A_1483 : vector<16xi32>
    %add3A_1485 = arith.addi %mul3A_1481, %and3A_1484 : vector<16xi32>
    %add3A_1486 = arith.constant 0 : i32
    %add3A_1487 = vector.broadcast %add3A_1486 : i32 to vector<16xi32>
    %add3A_1488 = arith.addi %add3A_1485, %add3A_1487 : vector<16xi32>
    %swap3A_1489 = arith.constant 0 : i32
    %swap3A_1490 = arith.index_cast %swap3A_1489 : i32 to index
    %swap3A_1491 = arith.constant 352 : index
    %swap3A_1492 = tpu.vector_load %arg6[%swap3A_1490, %swap3A_1491] {strides = array<i32>} : memref<6x512xi32, #tpu.memory_space<vmem>>, vector<1x16xi32>,
    %swap3A_1493 = vector.shape_cast %swap3A_1492 : vector<1x16xi32> to vector<16xi32>
    %swap3A_1494 = vector.shape_cast %add3A_1488 : vector<16xi32> to vector<1x16xi32>
    tpu.vector_store %arg6[%swap3A_1490, %swap3A_1491], %swap3A_1494 {strides = array<i32>} : memref<6x512xi32, #tpu.memory_space<vmem>>, vector<1x16xi32>,
    %add3A_1495 = arith.constant 128 : i32
    %add3A_1496 = vector.broadcast %add3A_1495 : i32 to vector<16xi32>
    %add3A_1497 = arith.addi %add3A_1485, %add3A_1496 : vector<16xi32>
    %swap3A_1498 = arith.constant 1 : i32
    %swap3A_1499 = arith.index_cast %swap3A_1498 : i32 to index
    %swap3A_1500 = arith.constant 352 : index
    %swap3A_1501 = tpu.vector_load %arg6[%swap3A_1499, %swap3A_1500] {strides = array<i32>} : memref<6x512xi32, #tpu.memory_space<vmem>>, vector<1x16xi32>,
    %swap3A_1502 = vector.shape_cast %swap3A_1501 : vector<1x16xi32> to vector<16xi32>
    %swap3A_1503 = vector.shape_cast %add3A_1497 : vector<16xi32> to vector<1x16xi32>
    tpu.vector_store %arg6[%swap3A_1499, %swap3A_1500], %swap3A_1503 {strides = array<i32>} : memref<6x512xi32, #tpu.memory_space<vmem>>, vector<1x16xi32>,
    %add3A_1504 = arith.constant 256 : i32
    %add3A_1505 = vector.broadcast %add3A_1504 : i32 to vector<16xi32>
    %add3A_1506 = arith.addi %add3A_1485, %add3A_1505 : vector<16xi32>
    %swap3A_1507 = arith.constant 2 : i32
    %swap3A_1508 = arith.index_cast %swap3A_1507 : i32 to index
    %swap3A_1509 = arith.constant 352 : index
    %swap3A_1510 = tpu.vector_load %arg6[%swap3A_1508, %swap3A_1509] {strides = array<i32>} : memref<6x512xi32, #tpu.memory_space<vmem>>, vector<1x16xi32>,
    %swap3A_1511 = vector.shape_cast %swap3A_1510 : vector<1x16xi32> to vector<16xi32>
    %swap3A_1512 = vector.shape_cast %add3A_1506 : vector<16xi32> to vector<1x16xi32>
    tpu.vector_store %arg6[%swap3A_1508, %swap3A_1509], %swap3A_1512 {strides = array<i32>} : memref<6x512xi32, #tpu.memory_space<vmem>>, vector<1x16xi32>,
    %add3A_1513 = arith.constant 384 : i32
    %add3A_1514 = vector.broadcast %add3A_1513 : i32 to vector<16xi32>
    %add3A_1515 = arith.addi %add3A_1485, %add3A_1514 : vector<16xi32>
    %swap3A_1516 = arith.constant 3 : i32
    %swap3A_1517 = arith.index_cast %swap3A_1516 : i32 to index
    %swap3A_1518 = arith.constant 352 : index
    %swap3A_1519 = tpu.vector_load %arg6[%swap3A_1517, %swap3A_1518] {strides = array<i32>} : memref<6x512xi32, #tpu.memory_space<vmem>>, vector<1x16xi32>,
    %swap3A_1520 = vector.shape_cast %swap3A_1519 : vector<1x16xi32> to vector<16xi32>
    %swap3A_1521 = vector.shape_cast %add3A_1515 : vector<16xi32> to vector<1x16xi32>
    tpu.vector_store %arg6[%swap3A_1517, %swap3A_1518], %swap3A_1521 {strides = array<i32>} : memref<6x512xi32, #tpu.memory_space<vmem>>, vector<1x16xi32>,
    %add3A_1522 = arith.constant 512 : i32
    %add3A_1523 = vector.broadcast %add3A_1522 : i32 to vector<16xi32>
    %add3A_1524 = arith.addi %add3A_1485, %add3A_1523 : vector<16xi32>
    %swap3A_1525 = arith.constant 4 : i32
    %swap3A_1526 = arith.index_cast %swap3A_1525 : i32 to index
    %swap3A_1527 = arith.constant 352 : index
    %swap3A_1528 = tpu.vector_load %arg6[%swap3A_1526, %swap3A_1527] {strides = array<i32>} : memref<6x512xi32, #tpu.memory_space<vmem>>, vector<1x16xi32>,
    %swap3A_1529 = vector.shape_cast %swap3A_1528 : vector<1x16xi32> to vector<16xi32>
    %swap3A_1530 = vector.shape_cast %add3A_1524 : vector<16xi32> to vector<1x16xi32>
    tpu.vector_store %arg6[%swap3A_1526, %swap3A_1527], %swap3A_1530 {strides = array<i32>} : memref<6x512xi32, #tpu.memory_space<vmem>>, vector<1x16xi32>,
    %add3A_1531 = arith.constant 640 : i32
    %add3A_1532 = vector.broadcast %add3A_1531 : i32 to vector<16xi32>
    %add3A_1533 = arith.addi %add3A_1485, %add3A_1532 : vector<16xi32>
    %swap3A_1534 = arith.constant 5 : i32
    %swap3A_1535 = arith.index_cast %swap3A_1534 : i32 to index
    %swap3A_1536 = arith.constant 352 : index
    %swap3A_1537 = tpu.vector_load %arg6[%swap3A_1535, %swap3A_1536] {strides = array<i32>} : memref<6x512xi32, #tpu.memory_space<vmem>>, vector<1x16xi32>,
    %swap3A_1538 = vector.shape_cast %swap3A_1537 : vector<1x16xi32> to vector<16xi32>
    %swap3A_1539 = vector.shape_cast %add3A_1533 : vector<16xi32> to vector<1x16xi32>
    tpu.vector_store %arg6[%swap3A_1535, %swap3A_1536], %swap3A_1539 {strides = array<i32>} : memref<6x512xi32, #tpu.memory_space<vmem>>, vector<1x16xi32>,
    %get3A_1540 = arith.constant 368 : index
    %get3A_1541 = tpu.vector_load %arg5[%get3A_1540] {strides = array<i32>} : memref<512xi32, #tpu.memory_space<vmem>>, vector<16xi32>,
    %get3A_1542 = vector.shape_cast %get3A_1541 : vector<16xi32> to vector<16xi32>
    %shift_right_arithmetic3A_1543 = arith.constant 7 : i32
    %shift_right_arithmetic3A_1544 = vector.broadcast %shift_right_arithmetic3A_1543 : i32 to vector<16xi32>
    %shift_right_arithmetic3A_1545 = arith.shrsi %get3A_1542, %shift_right_arithmetic3A_1544 : vector<16xi32>
    %mul3A_1546 = arith.constant 1024 : i32
    %mul3A_1547 = vector.broadcast %mul3A_1546 : i32 to vector<16xi32>
    %mul3A_1548 = arith.muli %shift_right_arithmetic3A_1545, %mul3A_1547 : vector<16xi32>
    %and3A_1549 = arith.constant 127 : i32
    %and3A_1550 = vector.broadcast %and3A_1549 : i32 to vector<16xi32>
    %and3A_1551 = arith.andi %get3A_1542, %and3A_1550 : vector<16xi32>
    %add3A_1552 = arith.addi %mul3A_1548, %and3A_1551 : vector<16xi32>
    %add3A_1553 = arith.constant 0 : i32
    %add3A_1554 = vector.broadcast %add3A_1553 : i32 to vector<16xi32>
    %add3A_1555 = arith.addi %add3A_1552, %add3A_1554 : vector<16xi32>
    %swap3A_1556 = arith.constant 0 : i32
    %swap3A_1557 = arith.index_cast %swap3A_1556 : i32 to index
    %swap3A_1558 = arith.constant 368 : index
    %swap3A_1559 = tpu.vector_load %arg6[%swap3A_1557, %swap3A_1558] {strides = array<i32>} : memref<6x512xi32, #tpu.memory_space<vmem>>, vector<1x16xi32>,
    %swap3A_1560 = vector.shape_cast %swap3A_1559 : vector<1x16xi32> to vector<16xi32>
    %swap3A_1561 = vector.shape_cast %add3A_1555 : vector<16xi32> to vector<1x16xi32>
    tpu.vector_store %arg6[%swap3A_1557, %swap3A_1558], %swap3A_1561 {strides = array<i32>} : memref<6x512xi32, #tpu.memory_space<vmem>>, vector<1x16xi32>,
    %add3A_1562 = arith.constant 128 : i32
    %add3A_1563 = vector.broadcast %add3A_1562 : i32 to vector<16xi32>
    %add3A_1564 = arith.addi %add3A_1552, %add3A_1563 : vector<16xi32>
    %swap3A_1565 = arith.constant 1 : i32
    %swap3A_1566 = arith.index_cast %swap3A_1565 : i32 to index
    %swap3A_1567 = arith.constant 368 : index
    %swap3A_1568 = tpu.vector_load %arg6[%swap3A_1566, %swap3A_1567] {strides = array<i32>} : memref<6x512xi32, #tpu.memory_space<vmem>>, vector<1x16xi32>,
    %swap3A_1569 = vector.shape_cast %swap3A_1568 : vector<1x16xi32> to vector<16xi32>
    %swap3A_1570 = vector.shape_cast %add3A_1564 : vector<16xi32> to vector<1x16xi32>
    tpu.vector_store %arg6[%swap3A_1566, %swap3A_1567], %swap3A_1570 {strides = array<i32>} : memref<6x512xi32, #tpu.memory_space<vmem>>, vector<1x16xi32>,
    %add3A_1571 = arith.constant 256 : i32
    %add3A_1572 = vector.broadcast %add3A_1571 : i32 to vector<16xi32>
    %add3A_1573 = arith.addi %add3A_1552, %add3A_1572 : vector<16xi32>
    %swap3A_1574 = arith.constant 2 : i32
    %swap3A_1575 = arith.index_cast %swap3A_1574 : i32 to index
    %swap3A_1576 = arith.constant 368 : index
    %swap3A_1577 = tpu.vector_load %arg6[%swap3A_1575, %swap3A_1576] {strides = array<i32>} : memref<6x512xi32, #tpu.memory_space<vmem>>, vector<1x16xi32>,
    %swap3A_1578 = vector.shape_cast %swap3A_1577 : vector<1x16xi32> to vector<16xi32>
    %swap3A_1579 = vector.shape_cast %add3A_1573 : vector<16xi32> to vector<1x16xi32>
    tpu.vector_store %arg6[%swap3A_1575, %swap3A_1576], %swap3A_1579 {strides = array<i32>} : memref<6x512xi32, #tpu.memory_space<vmem>>, vector<1x16xi32>,
    %add3A_1580 = arith.constant 384 : i32
    %add3A_1581 = vector.broadcast %add3A_1580 : i32 to vector<16xi32>
    %add3A_1582 = arith.addi %add3A_1552, %add3A_1581 : vector<16xi32>
    %swap3A_1583 = arith.constant 3 : i32
    %swap3A_1584 = arith.index_cast %swap3A_1583 : i32 to index
    %swap3A_1585 = arith.constant 368 : index
    %swap3A_1586 = tpu.vector_load %arg6[%swap3A_1584, %swap3A_1585] {strides = array<i32>} : memref<6x512xi32, #tpu.memory_space<vmem>>, vector<1x16xi32>,
    %swap3A_1587 = vector.shape_cast %swap3A_1586 : vector<1x16xi32> to vector<16xi32>
    %swap3A_1588 = vector.shape_cast %add3A_1582 : vector<16xi32> to vector<1x16xi32>
    tpu.vector_store %arg6[%swap3A_1584, %swap3A_1585], %swap3A_1588 {strides = array<i32>} : memref<6x512xi32, #tpu.memory_space<vmem>>, vector<1x16xi32>,
    %add3A_1589 = arith.constant 512 : i32
    %add3A_1590 = vector.broadcast %add3A_1589 : i32 to vector<16xi32>
    %add3A_1591 = arith.addi %add3A_1552, %add3A_1590 : vector<16xi32>
    %swap3A_1592 = arith.constant 4 : i32
    %swap3A_1593 = arith.index_cast %swap3A_1592 : i32 to index
    %swap3A_1594 = arith.constant 368 : index
    %swap3A_1595 = tpu.vector_load %arg6[%swap3A_1593, %swap3A_1594] {strides = array<i32>} : memref<6x512xi32, #tpu.memory_space<vmem>>, vector<1x16xi32>,
    %swap3A_1596 = vector.shape_cast %swap3A_1595 : vector<1x16xi32> to vector<16xi32>
    %swap3A_1597 = vector.shape_cast %add3A_1591 : vector<16xi32> to vector<1x16xi32>
    tpu.vector_store %arg6[%swap3A_1593, %swap3A_1594], %swap3A_1597 {strides = array<i32>} : memref<6x512xi32, #tpu.memory_space<vmem>>, vector<1x16xi32>,
    %add3A_1598 = arith.constant 640 : i32
    %add3A_1599 = vector.broadcast %add3A_1598 : i32 to vector<16xi32>
    %add3A_1600 = arith.addi %add3A_1552, %add3A_1599 : vector<16xi32>
    %swap3A_1601 = arith.constant 5 : i32
    %swap3A_1602 = arith.index_cast %swap3A_1601 : i32 to index
    %swap3A_1603 = arith.constant 368 : index
    %swap3A_1604 = tpu.vector_load %arg6[%swap3A_1602, %swap3A_1603] {strides = array<i32>} : memref<6x512xi32, #tpu.memory_space<vmem>>, vector<1x16xi32>,
    %swap3A_1605 = vector.shape_cast %swap3A_1604 : vector<1x16xi32> to vector<16xi32>
    %swap3A_1606 = vector.shape_cast %add3A_1600 : vector<16xi32> to vector<1x16xi32>
    tpu.vector_store %arg6[%swap3A_1602, %swap3A_1603], %swap3A_1606 {strides = array<i32>} : memref<6x512xi32, #tpu.memory_space<vmem>>, vector<1x16xi32>,
    %get3A_1607 = arith.constant 384 : index
    %get3A_1608 = tpu.vector_load %arg5[%get3A_1607] {strides = array<i32>} : memref<512xi32, #tpu.memory_space<vmem>>, vector<16xi32>,
    %get3A_1609 = vector.shape_cast %get3A_1608 : vector<16xi32> to vector<16xi32>
    %shift_right_arithmetic3A_1610 = arith.constant 7 : i32
    %shift_right_arithmetic3A_1611 = vector.broadcast %shift_right_arithmetic3A_1610 : i32 to vector<16xi32>
    %shift_right_arithmetic3A_1612 = arith.shrsi %get3A_1609, %shift_right_arithmetic3A_1611 : vector<16xi32>
    %mul3A_1613 = arith.constant 1024 : i32
    %mul3A_1614 = vector.broadcast %mul3A_1613 : i32 to vector<16xi32>
    %mul3A_1615 = arith.muli %shift_right_arithmetic3A_1612, %mul3A_1614 : vector<16xi32>
    %and3A_1616 = arith.constant 127 : i32
    %and3A_1617 = vector.broadcast %and3A_1616 : i32 to vector<16xi32>
    %and3A_1618 = arith.andi %get3A_1609, %and3A_1617 : vector<16xi32>
    %add3A_1619 = arith.addi %mul3A_1615, %and3A_1618 : vector<16xi32>
    %add3A_1620 = arith.constant 0 : i32
    %add3A_1621 = vector.broadcast %add3A_1620 : i32 to vector<16xi32>
    %add3A_1622 = arith.addi %add3A_1619, %add3A_1621 : vector<16xi32>
    %swap3A_1623 = arith.constant 0 : i32
    %swap3A_1624 = arith.index_cast %swap3A_1623 : i32 to index
    %swap3A_1625 = arith.constant 384 : index
    %swap3A_1626 = tpu.vector_load %arg6[%swap3A_1624, %swap3A_1625] {strides = array<i32>} : memref<6x512xi32, #tpu.memory_space<vmem>>, vector<1x16xi32>,
    %swap3A_1627 = vector.shape_cast %swap3A_1626 : vector<1x16xi32> to vector<16xi32>
    %swap3A_1628 = vector.shape_cast %add3A_1622 : vector<16xi32> to vector<1x16xi32>
    tpu.vector_store %arg6[%swap3A_1624, %swap3A_1625], %swap3A_1628 {strides = array<i32>} : memref<6x512xi32, #tpu.memory_space<vmem>>, vector<1x16xi32>,
    %add3A_1629 = arith.constant 128 : i32
    %add3A_1630 = vector.broadcast %add3A_1629 : i32 to vector<16xi32>
    %add3A_1631 = arith.addi %add3A_1619, %add3A_1630 : vector<16xi32>
    %swap3A_1632 = arith.constant 1 : i32
    %swap3A_1633 = arith.index_cast %swap3A_1632 : i32 to index
    %swap3A_1634 = arith.constant 384 : index
    %swap3A_1635 = tpu.vector_load %arg6[%swap3A_1633, %swap3A_1634] {strides = array<i32>} : memref<6x512xi32, #tpu.memory_space<vmem>>, vector<1x16xi32>,
    %swap3A_1636 = vector.shape_cast %swap3A_1635 : vector<1x16xi32> to vector<16xi32>
    %swap3A_1637 = vector.shape_cast %add3A_1631 : vector<16xi32> to vector<1x16xi32>
    tpu.vector_store %arg6[%swap3A_1633, %swap3A_1634], %swap3A_1637 {strides = array<i32>} : memref<6x512xi32, #tpu.memory_space<vmem>>, vector<1x16xi32>,
    %add3A_1638 = arith.constant 256 : i32
    %add3A_1639 = vector.broadcast %add3A_1638 : i32 to vector<16xi32>
    %add3A_1640 = arith.addi %add3A_1619, %add3A_1639 : vector<16xi32>
    %swap3A_1641 = arith.constant 2 : i32
    %swap3A_1642 = arith.index_cast %swap3A_1641 : i32 to index
    %swap3A_1643 = arith.constant 384 : index
    %swap3A_1644 = tpu.vector_load %arg6[%swap3A_1642, %swap3A_1643] {strides = array<i32>} : memref<6x512xi32, #tpu.memory_space<vmem>>, vector<1x16xi32>,
    %swap3A_1645 = vector.shape_cast %swap3A_1644 : vector<1x16xi32> to vector<16xi32>
    %swap3A_1646 = vector.shape_cast %add3A_1640 : vector<16xi32> to vector<1x16xi32>
    tpu.vector_store %arg6[%swap3A_1642, %swap3A_1643], %swap3A_1646 {strides = array<i32>} : memref<6x512xi32, #tpu.memory_space<vmem>>, vector<1x16xi32>,
    %add3A_1647 = arith.constant 384 : i32
    %add3A_1648 = vector.broadcast %add3A_1647 : i32 to vector<16xi32>
    %add3A_1649 = arith.addi %add3A_1619, %add3A_1648 : vector<16xi32>
    %swap3A_1650 = arith.constant 3 : i32
    %swap3A_1651 = arith.index_cast %swap3A_1650 : i32 to index
    %swap3A_1652 = arith.constant 384 : index
    %swap3A_1653 = tpu.vector_load %arg6[%swap3A_1651, %swap3A_1652] {strides = array<i32>} : memref<6x512xi32, #tpu.memory_space<vmem>>, vector<1x16xi32>,
    %swap3A_1654 = vector.shape_cast %swap3A_1653 : vector<1x16xi32> to vector<16xi32>
    %swap3A_1655 = vector.shape_cast %add3A_1649 : vector<16xi32> to vector<1x16xi32>
    tpu.vector_store %arg6[%swap3A_1651, %swap3A_1652], %swap3A_1655 {strides = array<i32>} : memref<6x512xi32, #tpu.memory_space<vmem>>, vector<1x16xi32>,
    %add3A_1656 = arith.constant 512 : i32
    %add3A_1657 = vector.broadcast %add3A_1656 : i32 to vector<16xi32>
    %add3A_1658 = arith.addi %add3A_1619, %add3A_1657 : vector<16xi32>
    %swap3A_1659 = arith.constant 4 : i32
    %swap3A_1660 = arith.index_cast %swap3A_1659 : i32 to index
    %swap3A_1661 = arith.constant 384 : index
    %swap3A_1662 = tpu.vector_load %arg6[%swap3A_1660, %swap3A_1661] {strides = array<i32>} : memref<6x512xi32, #tpu.memory_space<vmem>>, vector<1x16xi32>,
    %swap3A_1663 = vector.shape_cast %swap3A_1662 : vector<1x16xi32> to vector<16xi32>
    %swap3A_1664 = vector.shape_cast %add3A_1658 : vector<16xi32> to vector<1x16xi32>
    tpu.vector_store %arg6[%swap3A_1660, %swap3A_1661], %swap3A_1664 {strides = array<i32>} : memref<6x512xi32, #tpu.memory_space<vmem>>, vector<1x16xi32>,
    %add3A_1665 = arith.constant 640 : i32
    %add3A_1666 = vector.broadcast %add3A_1665 : i32 to vector<16xi32>
    %add3A_1667 = arith.addi %add3A_1619, %add3A_1666 : vector<16xi32>
    %swap3A_1668 = arith.constant 5 : i32
    %swap3A_1669 = arith.index_cast %swap3A_1668 : i32 to index
    %swap3A_1670 = arith.constant 384 : index
    %swap3A_1671 = tpu.vector_load %arg6[%swap3A_1669, %swap3A_1670] {strides = array<i32>} : memref<6x512xi32, #tpu.memory_space<vmem>>, vector<1x16xi32>,
    %swap3A_1672 = vector.shape_cast %swap3A_1671 : vector<1x16xi32> to vector<16xi32>
    %swap3A_1673 = vector.shape_cast %add3A_1667 : vector<16xi32> to vector<1x16xi32>
    tpu.vector_store %arg6[%swap3A_1669, %swap3A_1670], %swap3A_1673 {strides = array<i32>} : memref<6x512xi32, #tpu.memory_space<vmem>>, vector<1x16xi32>,
    %get3A_1674 = arith.constant 400 : index
    %get3A_1675 = tpu.vector_load %arg5[%get3A_1674] {strides = array<i32>} : memref<512xi32, #tpu.memory_space<vmem>>, vector<16xi32>,
    %get3A_1676 = vector.shape_cast %get3A_1675 : vector<16xi32> to vector<16xi32>
    %shift_right_arithmetic3A_1677 = arith.constant 7 : i32
    %shift_right_arithmetic3A_1678 = vector.broadcast %shift_right_arithmetic3A_1677 : i32 to vector<16xi32>
    %shift_right_arithmetic3A_1679 = arith.shrsi %get3A_1676, %shift_right_arithmetic3A_1678 : vector<16xi32>
    %mul3A_1680 = arith.constant 1024 : i32
    %mul3A_1681 = vector.broadcast %mul3A_1680 : i32 to vector<16xi32>
    %mul3A_1682 = arith.muli %shift_right_arithmetic3A_1679, %mul3A_1681 : vector<16xi32>
    %and3A_1683 = arith.constant 127 : i32
    %and3A_1684 = vector.broadcast %and3A_1683 : i32 to vector<16xi32>
    %and3A_1685 = arith.andi %get3A_1676, %and3A_1684 : vector<16xi32>
    %add3A_1686 = arith.addi %mul3A_1682, %and3A_1685 : vector<16xi32>
    %add3A_1687 = arith.constant 0 : i32
    %add3A_1688 = vector.broadcast %add3A_1687 : i32 to vector<16xi32>
    %add3A_1689 = arith.addi %add3A_1686, %add3A_1688 : vector<16xi32>
    %swap3A_1690 = arith.constant 0 : i32
    %swap3A_1691 = arith.index_cast %swap3A_1690 : i32 to index
    %swap3A_1692 = arith.constant 400 : index
    %swap3A_1693 = tpu.vector_load %arg6[%swap3A_1691, %swap3A_1692] {strides = array<i32>} : memref<6x512xi32, #tpu.memory_space<vmem>>, vector<1x16xi32>,
    %swap3A_1694 = vector.shape_cast %swap3A_1693 : vector<1x16xi32> to vector<16xi32>
    %swap3A_1695 = vector.shape_cast %add3A_1689 : vector<16xi32> to vector<1x16xi32>
    tpu.vector_store %arg6[%swap3A_1691, %swap3A_1692], %swap3A_1695 {strides = array<i32>} : memref<6x512xi32, #tpu.memory_space<vmem>>, vector<1x16xi32>,
    %add3A_1696 = arith.constant 128 : i32
    %add3A_1697 = vector.broadcast %add3A_1696 : i32 to vector<16xi32>
    %add3A_1698 = arith.addi %add3A_1686, %add3A_1697 : vector<16xi32>
    %swap3A_1699 = arith.constant 1 : i32
    %swap3A_1700 = arith.index_cast %swap3A_1699 : i32 to index
    %swap3A_1701 = arith.constant 400 : index
    %swap3A_1702 = tpu.vector_load %arg6[%swap3A_1700, %swap3A_1701] {strides = array<i32>} : memref<6x512xi32, #tpu.memory_space<vmem>>, vector<1x16xi32>,
    %swap3A_1703 = vector.shape_cast %swap3A_1702 : vector<1x16xi32> to vector<16xi32>
    %swap3A_1704 = vector.shape_cast %add3A_1698 : vector<16xi32> to vector<1x16xi32>
    tpu.vector_store %arg6[%swap3A_1700, %swap3A_1701], %swap3A_1704 {strides = array<i32>} : memref<6x512xi32, #tpu.memory_space<vmem>>, vector<1x16xi32>,
    %add3A_1705 = arith.constant 256 : i32
    %add3A_1706 = vector.broadcast %add3A_1705 : i32 to vector<16xi32>
    %add3A_1707 = arith.addi %add3A_1686, %add3A_1706 : vector<16xi32>
    %swap3A_1708 = arith.constant 2 : i32
    %swap3A_1709 = arith.index_cast %swap3A_1708 : i32 to index
    %swap3A_1710 = arith.constant 400 : index
    %swap3A_1711 = tpu.vector_load %arg6[%swap3A_1709, %swap3A_1710] {strides = array<i32>} : memref<6x512xi32, #tpu.memory_space<vmem>>, vector<1x16xi32>,
    %swap3A_1712 = vector.shape_cast %swap3A_1711 : vector<1x16xi32> to vector<16xi32>
    %swap3A_1713 = vector.shape_cast %add3A_1707 : vector<16xi32> to vector<1x16xi32>
    tpu.vector_store %arg6[%swap3A_1709, %swap3A_1710], %swap3A_1713 {strides = array<i32>} : memref<6x512xi32, #tpu.memory_space<vmem>>, vector<1x16xi32>,
    %add3A_1714 = arith.constant 384 : i32
    %add3A_1715 = vector.broadcast %add3A_1714 : i32 to vector<16xi32>
    %add3A_1716 = arith.addi %add3A_1686, %add3A_1715 : vector<16xi32>
    %swap3A_1717 = arith.constant 3 : i32
    %swap3A_1718 = arith.index_cast %swap3A_1717 : i32 to index
    %swap3A_1719 = arith.constant 400 : index
    %swap3A_1720 = tpu.vector_load %arg6[%swap3A_1718, %swap3A_1719] {strides = array<i32>} : memref<6x512xi32, #tpu.memory_space<vmem>>, vector<1x16xi32>,
    %swap3A_1721 = vector.shape_cast %swap3A_1720 : vector<1x16xi32> to vector<16xi32>
    %swap3A_1722 = vector.shape_cast %add3A_1716 : vector<16xi32> to vector<1x16xi32>
    tpu.vector_store %arg6[%swap3A_1718, %swap3A_1719], %swap3A_1722 {strides = array<i32>} : memref<6x512xi32, #tpu.memory_space<vmem>>, vector<1x16xi32>,
    %add3A_1723 = arith.constant 512 : i32
    %add3A_1724 = vector.broadcast %add3A_1723 : i32 to vector<16xi32>
    %add3A_1725 = arith.addi %add3A_1686, %add3A_1724 : vector<16xi32>
    %swap3A_1726 = arith.constant 4 : i32
    %swap3A_1727 = arith.index_cast %swap3A_1726 : i32 to index
    %swap3A_1728 = arith.constant 400 : index
    %swap3A_1729 = tpu.vector_load %arg6[%swap3A_1727, %swap3A_1728] {strides = array<i32>} : memref<6x512xi32, #tpu.memory_space<vmem>>, vector<1x16xi32>,
    %swap3A_1730 = vector.shape_cast %swap3A_1729 : vector<1x16xi32> to vector<16xi32>
    %swap3A_1731 = vector.shape_cast %add3A_1725 : vector<16xi32> to vector<1x16xi32>
    tpu.vector_store %arg6[%swap3A_1727, %swap3A_1728], %swap3A_1731 {strides = array<i32>} : memref<6x512xi32, #tpu.memory_space<vmem>>, vector<1x16xi32>,
    %add3A_1732 = arith.constant 640 : i32
    %add3A_1733 = vector.broadcast %add3A_1732 : i32 to vector<16xi32>
    %add3A_1734 = arith.addi %add3A_1686, %add3A_1733 : vector<16xi32>
    %swap3A_1735 = arith.constant 5 : i32
    %swap3A_1736 = arith.index_cast %swap3A_1735 : i32 to index
    %swap3A_1737 = arith.constant 400 : index
    %swap3A_1738 = tpu.vector_load %arg6[%swap3A_1736, %swap3A_1737] {strides = array<i32>} : memref<6x512xi32, #tpu.memory_space<vmem>>, vector<1x16xi32>,
    %swap3A_1739 = vector.shape_cast %swap3A_1738 : vector<1x16xi32> to vector<16xi32>
    %swap3A_1740 = vector.shape_cast %add3A_1734 : vector<16xi32> to vector<1x16xi32>
    tpu.vector_store %arg6[%swap3A_1736, %swap3A_1737], %swap3A_1740 {strides = array<i32>} : memref<6x512xi32, #tpu.memory_space<vmem>>, vector<1x16xi32>,
    %get3A_1741 = arith.constant 416 : index
    %get3A_1742 = tpu.vector_load %arg5[%get3A_1741] {strides = array<i32>} : memref<512xi32, #tpu.memory_space<vmem>>, vector<16xi32>,
    %get3A_1743 = vector.shape_cast %get3A_1742 : vector<16xi32> to vector<16xi32>
    %shift_right_arithmetic3A_1744 = arith.constant 7 : i32
    %shift_right_arithmetic3A_1745 = vector.broadcast %shift_right_arithmetic3A_1744 : i32 to vector<16xi32>
    %shift_right_arithmetic3A_1746 = arith.shrsi %get3A_1743, %shift_right_arithmetic3A_1745 : vector<16xi32>
    %mul3A_1747 = arith.constant 1024 : i32
    %mul3A_1748 = vector.broadcast %mul3A_1747 : i32 to vector<16xi32>
    %mul3A_1749 = arith.muli %shift_right_arithmetic3A_1746, %mul3A_1748 : vector<16xi32>
    %and3A_1750 = arith.constant 127 : i32
    %and3A_1751 = vector.broadcast %and3A_1750 : i32 to vector<16xi32>
    %and3A_1752 = arith.andi %get3A_1743, %and3A_1751 : vector<16xi32>
    %add3A_1753 = arith.addi %mul3A_1749, %and3A_1752 : vector<16xi32>
    %add3A_1754 = arith.constant 0 : i32
    %add3A_1755 = vector.broadcast %add3A_1754 : i32 to vector<16xi32>
    %add3A_1756 = arith.addi %add3A_1753, %add3A_1755 : vector<16xi32>
    %swap3A_1757 = arith.constant 0 : i32
    %swap3A_1758 = arith.index_cast %swap3A_1757 : i32 to index
    %swap3A_1759 = arith.constant 416 : index
    %swap3A_1760 = tpu.vector_load %arg6[%swap3A_1758, %swap3A_1759] {strides = array<i32>} : memref<6x512xi32, #tpu.memory_space<vmem>>, vector<1x16xi32>,
    %swap3A_1761 = vector.shape_cast %swap3A_1760 : vector<1x16xi32> to vector<16xi32>
    %swap3A_1762 = vector.shape_cast %add3A_1756 : vector<16xi32> to vector<1x16xi32>
    tpu.vector_store %arg6[%swap3A_1758, %swap3A_1759], %swap3A_1762 {strides = array<i32>} : memref<6x512xi32, #tpu.memory_space<vmem>>, vector<1x16xi32>,
    %add3A_1763 = arith.constant 128 : i32
    %add3A_1764 = vector.broadcast %add3A_1763 : i32 to vector<16xi32>
    %add3A_1765 = arith.addi %add3A_1753, %add3A_1764 : vector<16xi32>
    %swap3A_1766 = arith.constant 1 : i32
    %swap3A_1767 = arith.index_cast %swap3A_1766 : i32 to index
    %swap3A_1768 = arith.constant 416 : index
    %swap3A_1769 = tpu.vector_load %arg6[%swap3A_1767, %swap3A_1768] {strides = array<i32>} : memref<6x512xi32, #tpu.memory_space<vmem>>, vector<1x16xi32>,
    %swap3A_1770 = vector.shape_cast %swap3A_1769 : vector<1x16xi32> to vector<16xi32>
    %swap3A_1771 = vector.shape_cast %add3A_1765 : vector<16xi32> to vector<1x16xi32>
    tpu.vector_store %arg6[%swap3A_1767, %swap3A_1768], %swap3A_1771 {strides = array<i32>} : memref<6x512xi32, #tpu.memory_space<vmem>>, vector<1x16xi32>,
    %add3A_1772 = arith.constant 256 : i32
    %add3A_1773 = vector.broadcast %add3A_1772 : i32 to vector<16xi32>
    %add3A_1774 = arith.addi %add3A_1753, %add3A_1773 : vector<16xi32>
    %swap3A_1775 = arith.constant 2 : i32
    %swap3A_1776 = arith.index_cast %swap3A_1775 : i32 to index
    %swap3A_1777 = arith.constant 416 : index
    %swap3A_1778 = tpu.vector_load %arg6[%swap3A_1776, %swap3A_1777] {strides = array<i32>} : memref<6x512xi32, #tpu.memory_space<vmem>>, vector<1x16xi32>,
    %swap3A_1779 = vector.shape_cast %swap3A_1778 : vector<1x16xi32> to vector<16xi32>
    %swap3A_1780 = vector.shape_cast %add3A_1774 : vector<16xi32> to vector<1x16xi32>
    tpu.vector_store %arg6[%swap3A_1776, %swap3A_1777], %swap3A_1780 {strides = array<i32>} : memref<6x512xi32, #tpu.memory_space<vmem>>, vector<1x16xi32>,
    %add3A_1781 = arith.constant 384 : i32
    %add3A_1782 = vector.broadcast %add3A_1781 : i32 to vector<16xi32>
    %add3A_1783 = arith.addi %add3A_1753, %add3A_1782 : vector<16xi32>
    %swap3A_1784 = arith.constant 3 : i32
    %swap3A_1785 = arith.index_cast %swap3A_1784 : i32 to index
    %swap3A_1786 = arith.constant 416 : index
    %swap3A_1787 = tpu.vector_load %arg6[%swap3A_1785, %swap3A_1786] {strides = array<i32>} : memref<6x512xi32, #tpu.memory_space<vmem>>, vector<1x16xi32>,
    %swap3A_1788 = vector.shape_cast %swap3A_1787 : vector<1x16xi32> to vector<16xi32>
    %swap3A_1789 = vector.shape_cast %add3A_1783 : vector<16xi32> to vector<1x16xi32>
    tpu.vector_store %arg6[%swap3A_1785, %swap3A_1786], %swap3A_1789 {strides = array<i32>} : memref<6x512xi32, #tpu.memory_space<vmem>>, vector<1x16xi32>,
    %add3A_1790 = arith.constant 512 : i32
    %add3A_1791 = vector.broadcast %add3A_1790 : i32 to vector<16xi32>
    %add3A_1792 = arith.addi %add3A_1753, %add3A_1791 : vector<16xi32>
    %swap3A_1793 = arith.constant 4 : i32
    %swap3A_1794 = arith.index_cast %swap3A_1793 : i32 to index
    %swap3A_1795 = arith.constant 416 : index
    %swap3A_1796 = tpu.vector_load %arg6[%swap3A_1794, %swap3A_1795] {strides = array<i32>} : memref<6x512xi32, #tpu.memory_space<vmem>>, vector<1x16xi32>,
    %swap3A_1797 = vector.shape_cast %swap3A_1796 : vector<1x16xi32> to vector<16xi32>
    %swap3A_1798 = vector.shape_cast %add3A_1792 : vector<16xi32> to vector<1x16xi32>
    tpu.vector_store %arg6[%swap3A_1794, %swap3A_1795], %swap3A_1798 {strides = array<i32>} : memref<6x512xi32, #tpu.memory_space<vmem>>, vector<1x16xi32>,
    %add3A_1799 = arith.constant 640 : i32
    %add3A_1800 = vector.broadcast %add3A_1799 : i32 to vector<16xi32>
    %add3A_1801 = arith.addi %add3A_1753, %add3A_1800 : vector<16xi32>
    %swap3A_1802 = arith.constant 5 : i32
    %swap3A_1803 = arith.index_cast %swap3A_1802 : i32 to index
    %swap3A_1804 = arith.constant 416 : index
    %swap3A_1805 = tpu.vector_load %arg6[%swap3A_1803, %swap3A_1804] {strides = array<i32>} : memref<6x512xi32, #tpu.memory_space<vmem>>, vector<1x16xi32>,
    %swap3A_1806 = vector.shape_cast %swap3A_1805 : vector<1x16xi32> to vector<16xi32>
    %swap3A_1807 = vector.shape_cast %add3A_1801 : vector<16xi32> to vector<1x16xi32>
    tpu.vector_store %arg6[%swap3A_1803, %swap3A_1804], %swap3A_1807 {strides = array<i32>} : memref<6x512xi32, #tpu.memory_space<vmem>>, vector<1x16xi32>,
    %get3A_1808 = arith.constant 432 : index
    %get3A_1809 = tpu.vector_load %arg5[%get3A_1808] {strides = array<i32>} : memref<512xi32, #tpu.memory_space<vmem>>, vector<16xi32>,
    %get3A_1810 = vector.shape_cast %get3A_1809 : vector<16xi32> to vector<16xi32>
    %shift_right_arithmetic3A_1811 = arith.constant 7 : i32
    %shift_right_arithmetic3A_1812 = vector.broadcast %shift_right_arithmetic3A_1811 : i32 to vector<16xi32>
    %shift_right_arithmetic3A_1813 = arith.shrsi %get3A_1810, %shift_right_arithmetic3A_1812 : vector<16xi32>
    %mul3A_1814 = arith.constant 1024 : i32
    %mul3A_1815 = vector.broadcast %mul3A_1814 : i32 to vector<16xi32>
    %mul3A_1816 = arith.muli %shift_right_arithmetic3A_1813, %mul3A_1815 : vector<16xi32>
    %and3A_1817 = arith.constant 127 : i32
    %and3A_1818 = vector.broadcast %and3A_1817 : i32 to vector<16xi32>
    %and3A_1819 = arith.andi %get3A_1810, %and3A_1818 : vector<16xi32>
    %add3A_1820 = arith.addi %mul3A_1816, %and3A_1819 : vector<16xi32>
    %add3A_1821 = arith.constant 0 : i32
    %add3A_1822 = vector.broadcast %add3A_1821 : i32 to vector<16xi32>
    %add3A_1823 = arith.addi %add3A_1820, %add3A_1822 : vector<16xi32>
    %swap3A_1824 = arith.constant 0 : i32
    %swap3A_1825 = arith.index_cast %swap3A_1824 : i32 to index
    %swap3A_1826 = arith.constant 432 : index
    %swap3A_1827 = tpu.vector_load %arg6[%swap3A_1825, %swap3A_1826] {strides = array<i32>} : memref<6x512xi32, #tpu.memory_space<vmem>>, vector<1x16xi32>,
    %swap3A_1828 = vector.shape_cast %swap3A_1827 : vector<1x16xi32> to vector<16xi32>
    %swap3A_1829 = vector.shape_cast %add3A_1823 : vector<16xi32> to vector<1x16xi32>
    tpu.vector_store %arg6[%swap3A_1825, %swap3A_1826], %swap3A_1829 {strides = array<i32>} : memref<6x512xi32, #tpu.memory_space<vmem>>, vector<1x16xi32>,
    %add3A_1830 = arith.constant 128 : i32
    %add3A_1831 = vector.broadcast %add3A_1830 : i32 to vector<16xi32>
    %add3A_1832 = arith.addi %add3A_1820, %add3A_1831 : vector<16xi32>
    %swap3A_1833 = arith.constant 1 : i32
    %swap3A_1834 = arith.index_cast %swap3A_1833 : i32 to index
    %swap3A_1835 = arith.constant 432 : index
    %swap3A_1836 = tpu.vector_load %arg6[%swap3A_1834, %swap3A_1835] {strides = array<i32>} : memref<6x512xi32, #tpu.memory_space<vmem>>, vector<1x16xi32>,
    %swap3A_1837 = vector.shape_cast %swap3A_1836 : vector<1x16xi32> to vector<16xi32>
    %swap3A_1838 = vector.shape_cast %add3A_1832 : vector<16xi32> to vector<1x16xi32>
    tpu.vector_store %arg6[%swap3A_1834, %swap3A_1835], %swap3A_1838 {strides = array<i32>} : memref<6x512xi32, #tpu.memory_space<vmem>>, vector<1x16xi32>,
    %add3A_1839 = arith.constant 256 : i32
    %add3A_1840 = vector.broadcast %add3A_1839 : i32 to vector<16xi32>
    %add3A_1841 = arith.addi %add3A_1820, %add3A_1840 : vector<16xi32>
    %swap3A_1842 = arith.constant 2 : i32
    %swap3A_1843 = arith.index_cast %swap3A_1842 : i32 to index
    %swap3A_1844 = arith.constant 432 : index
    %swap3A_1845 = tpu.vector_load %arg6[%swap3A_1843, %swap3A_1844] {strides = array<i32>} : memref<6x512xi32, #tpu.memory_space<vmem>>, vector<1x16xi32>,
    %swap3A_1846 = vector.shape_cast %swap3A_1845 : vector<1x16xi32> to vector<16xi32>
    %swap3A_1847 = vector.shape_cast %add3A_1841 : vector<16xi32> to vector<1x16xi32>
    tpu.vector_store %arg6[%swap3A_1843, %swap3A_1844], %swap3A_1847 {strides = array<i32>} : memref<6x512xi32, #tpu.memory_space<vmem>>, vector<1x16xi32>,
    %add3A_1848 = arith.constant 384 : i32
    %add3A_1849 = vector.broadcast %add3A_1848 : i32 to vector<16xi32>
    %add3A_1850 = arith.addi %add3A_1820, %add3A_1849 : vector<16xi32>
    %swap3A_1851 = arith.constant 3 : i32
    %swap3A_1852 = arith.index_cast %swap3A_1851 : i32 to index
    %swap3A_1853 = arith.constant 432 : index
    %swap3A_1854 = tpu.vector_load %arg6[%swap3A_1852, %swap3A_1853] {strides = array<i32>} : memref<6x512xi32, #tpu.memory_space<vmem>>, vector<1x16xi32>,
    %swap3A_1855 = vector.shape_cast %swap3A_1854 : vector<1x16xi32> to vector<16xi32>
    %swap3A_1856 = vector.shape_cast %add3A_1850 : vector<16xi32> to vector<1x16xi32>
    tpu.vector_store %arg6[%swap3A_1852, %swap3A_1853], %swap3A_1856 {strides = array<i32>} : memref<6x512xi32, #tpu.memory_space<vmem>>, vector<1x16xi32>,
    %add3A_1857 = arith.constant 512 : i32
    %add3A_1858 = vector.broadcast %add3A_1857 : i32 to vector<16xi32>
    %add3A_1859 = arith.addi %add3A_1820, %add3A_1858 : vector<16xi32>
    %swap3A_1860 = arith.constant 4 : i32
    %swap3A_1861 = arith.index_cast %swap3A_1860 : i32 to index
    %swap3A_1862 = arith.constant 432 : index
    %swap3A_1863 = tpu.vector_load %arg6[%swap3A_1861, %swap3A_1862] {strides = array<i32>} : memref<6x512xi32, #tpu.memory_space<vmem>>, vector<1x16xi32>,
    %swap3A_1864 = vector.shape_cast %swap3A_1863 : vector<1x16xi32> to vector<16xi32>
    %swap3A_1865 = vector.shape_cast %add3A_1859 : vector<16xi32> to vector<1x16xi32>
    tpu.vector_store %arg6[%swap3A_1861, %swap3A_1862], %swap3A_1865 {strides = array<i32>} : memref<6x512xi32, #tpu.memory_space<vmem>>, vector<1x16xi32>,
    %add3A_1866 = arith.constant 640 : i32
    %add3A_1867 = vector.broadcast %add3A_1866 : i32 to vector<16xi32>
    %add3A_1868 = arith.addi %add3A_1820, %add3A_1867 : vector<16xi32>
    %swap3A_1869 = arith.constant 5 : i32
    %swap3A_1870 = arith.index_cast %swap3A_1869 : i32 to index
    %swap3A_1871 = arith.constant 432 : index
    %swap3A_1872 = tpu.vector_load %arg6[%swap3A_1870, %swap3A_1871] {strides = array<i32>} : memref<6x512xi32, #tpu.memory_space<vmem>>, vector<1x16xi32>,
    %swap3A_1873 = vector.shape_cast %swap3A_1872 : vector<1x16xi32> to vector<16xi32>
    %swap3A_1874 = vector.shape_cast %add3A_1868 : vector<16xi32> to vector<1x16xi32>
    tpu.vector_store %arg6[%swap3A_1870, %swap3A_1871], %swap3A_1874 {strides = array<i32>} : memref<6x512xi32, #tpu.memory_space<vmem>>, vector<1x16xi32>,
    %get3A_1875 = arith.constant 448 : index
    %get3A_1876 = tpu.vector_load %arg5[%get3A_1875] {strides = array<i32>} : memref<512xi32, #tpu.memory_space<vmem>>, vector<16xi32>,
    %get3A_1877 = vector.shape_cast %get3A_1876 : vector<16xi32> to vector<16xi32>
    %shift_right_arithmetic3A_1878 = arith.constant 7 : i32
    %shift_right_arithmetic3A_1879 = vector.broadcast %shift_right_arithmetic3A_1878 : i32 to vector<16xi32>
    %shift_right_arithmetic3A_1880 = arith.shrsi %get3A_1877, %shift_right_arithmetic3A_1879 : vector<16xi32>
    %mul3A_1881 = arith.constant 1024 : i32
    %mul3A_1882 = vector.broadcast %mul3A_1881 : i32 to vector<16xi32>
    %mul3A_1883 = arith.muli %shift_right_arithmetic3A_1880, %mul3A_1882 : vector<16xi32>
    %and3A_1884 = arith.constant 127 : i32
    %and3A_1885 = vector.broadcast %and3A_1884 : i32 to vector<16xi32>
    %and3A_1886 = arith.andi %get3A_1877, %and3A_1885 : vector<16xi32>
    %add3A_1887 = arith.addi %mul3A_1883, %and3A_1886 : vector<16xi32>
    %add3A_1888 = arith.constant 0 : i32
    %add3A_1889 = vector.broadcast %add3A_1888 : i32 to vector<16xi32>
    %add3A_1890 = arith.addi %add3A_1887, %add3A_1889 : vector<16xi32>
    %swap3A_1891 = arith.constant 0 : i32
    %swap3A_1892 = arith.index_cast %swap3A_1891 : i32 to index
    %swap3A_1893 = arith.constant 448 : index
    %swap3A_1894 = tpu.vector_load %arg6[%swap3A_1892, %swap3A_1893] {strides = array<i32>} : memref<6x512xi32, #tpu.memory_space<vmem>>, vector<1x16xi32>,
    %swap3A_1895 = vector.shape_cast %swap3A_1894 : vector<1x16xi32> to vector<16xi32>
    %swap3A_1896 = vector.shape_cast %add3A_1890 : vector<16xi32> to vector<1x16xi32>
    tpu.vector_store %arg6[%swap3A_1892, %swap3A_1893], %swap3A_1896 {strides = array<i32>} : memref<6x512xi32, #tpu.memory_space<vmem>>, vector<1x16xi32>,
    %add3A_1897 = arith.constant 128 : i32
    %add3A_1898 = vector.broadcast %add3A_1897 : i32 to vector<16xi32>
    %add3A_1899 = arith.addi %add3A_1887, %add3A_1898 : vector<16xi32>
    %swap3A_1900 = arith.constant 1 : i32
    %swap3A_1901 = arith.index_cast %swap3A_1900 : i32 to index
    %swap3A_1902 = arith.constant 448 : index
    %swap3A_1903 = tpu.vector_load %arg6[%swap3A_1901, %swap3A_1902] {strides = array<i32>} : memref<6x512xi32, #tpu.memory_space<vmem>>, vector<1x16xi32>,
    %swap3A_1904 = vector.shape_cast %swap3A_1903 : vector<1x16xi32> to vector<16xi32>
    %swap3A_1905 = vector.shape_cast %add3A_1899 : vector<16xi32> to vector<1x16xi32>
    tpu.vector_store %arg6[%swap3A_1901, %swap3A_1902], %swap3A_1905 {strides = array<i32>} : memref<6x512xi32, #tpu.memory_space<vmem>>, vector<1x16xi32>,
    %add3A_1906 = arith.constant 256 : i32
    %add3A_1907 = vector.broadcast %add3A_1906 : i32 to vector<16xi32>
    %add3A_1908 = arith.addi %add3A_1887, %add3A_1907 : vector<16xi32>
    %swap3A_1909 = arith.constant 2 : i32
    %swap3A_1910 = arith.index_cast %swap3A_1909 : i32 to index
    %swap3A_1911 = arith.constant 448 : index
    %swap3A_1912 = tpu.vector_load %arg6[%swap3A_1910, %swap3A_1911] {strides = array<i32>} : memref<6x512xi32, #tpu.memory_space<vmem>>, vector<1x16xi32>,
    %swap3A_1913 = vector.shape_cast %swap3A_1912 : vector<1x16xi32> to vector<16xi32>
    %swap3A_1914 = vector.shape_cast %add3A_1908 : vector<16xi32> to vector<1x16xi32>
    tpu.vector_store %arg6[%swap3A_1910, %swap3A_1911], %swap3A_1914 {strides = array<i32>} : memref<6x512xi32, #tpu.memory_space<vmem>>, vector<1x16xi32>,
    %add3A_1915 = arith.constant 384 : i32
    %add3A_1916 = vector.broadcast %add3A_1915 : i32 to vector<16xi32>
    %add3A_1917 = arith.addi %add3A_1887, %add3A_1916 : vector<16xi32>
    %swap3A_1918 = arith.constant 3 : i32
    %swap3A_1919 = arith.index_cast %swap3A_1918 : i32 to index
    %swap3A_1920 = arith.constant 448 : index
    %swap3A_1921 = tpu.vector_load %arg6[%swap3A_1919, %swap3A_1920] {strides = array<i32>} : memref<6x512xi32, #tpu.memory_space<vmem>>, vector<1x16xi32>,
    %swap3A_1922 = vector.shape_cast %swap3A_1921 : vector<1x16xi32> to vector<16xi32>
    %swap3A_1923 = vector.shape_cast %add3A_1917 : vector<16xi32> to vector<1x16xi32>
    tpu.vector_store %arg6[%swap3A_1919, %swap3A_1920], %swap3A_1923 {strides = array<i32>} : memref<6x512xi32, #tpu.memory_space<vmem>>, vector<1x16xi32>,
    %add3A_1924 = arith.constant 512 : i32
    %add3A_1925 = vector.broadcast %add3A_1924 : i32 to vector<16xi32>
    %add3A_1926 = arith.addi %add3A_1887, %add3A_1925 : vector<16xi32>
    %swap3A_1927 = arith.constant 4 : i32
    %swap3A_1928 = arith.index_cast %swap3A_1927 : i32 to index
    %swap3A_1929 = arith.constant 448 : index
    %swap3A_1930 = tpu.vector_load %arg6[%swap3A_1928, %swap3A_1929] {strides = array<i32>} : memref<6x512xi32, #tpu.memory_space<vmem>>, vector<1x16xi32>,
    %swap3A_1931 = vector.shape_cast %swap3A_1930 : vector<1x16xi32> to vector<16xi32>
    %swap3A_1932 = vector.shape_cast %add3A_1926 : vector<16xi32> to vector<1x16xi32>
    tpu.vector_store %arg6[%swap3A_1928, %swap3A_1929], %swap3A_1932 {strides = array<i32>} : memref<6x512xi32, #tpu.memory_space<vmem>>, vector<1x16xi32>,
    %add3A_1933 = arith.constant 640 : i32
    %add3A_1934 = vector.broadcast %add3A_1933 : i32 to vector<16xi32>
    %add3A_1935 = arith.addi %add3A_1887, %add3A_1934 : vector<16xi32>
    %swap3A_1936 = arith.constant 5 : i32
    %swap3A_1937 = arith.index_cast %swap3A_1936 : i32 to index
    %swap3A_1938 = arith.constant 448 : index
    %swap3A_1939 = tpu.vector_load %arg6[%swap3A_1937, %swap3A_1938] {strides = array<i32>} : memref<6x512xi32, #tpu.memory_space<vmem>>, vector<1x16xi32>,
    %swap3A_1940 = vector.shape_cast %swap3A_1939 : vector<1x16xi32> to vector<16xi32>
    %swap3A_1941 = vector.shape_cast %add3A_1935 : vector<16xi32> to vector<1x16xi32>
    tpu.vector_store %arg6[%swap3A_1937, %swap3A_1938], %swap3A_1941 {strides = array<i32>} : memref<6x512xi32, #tpu.memory_space<vmem>>, vector<1x16xi32>,
    %get3A_1942 = arith.constant 464 : index
    %get3A_1943 = tpu.vector_load %arg5[%get3A_1942] {strides = array<i32>} : memref<512xi32, #tpu.memory_space<vmem>>, vector<16xi32>,
    %get3A_1944 = vector.shape_cast %get3A_1943 : vector<16xi32> to vector<16xi32>
    %shift_right_arithmetic3A_1945 = arith.constant 7 : i32
    %shift_right_arithmetic3A_1946 = vector.broadcast %shift_right_arithmetic3A_1945 : i32 to vector<16xi32>
    %shift_right_arithmetic3A_1947 = arith.shrsi %get3A_1944, %shift_right_arithmetic3A_1946 : vector<16xi32>
    %mul3A_1948 = arith.constant 1024 : i32
    %mul3A_1949 = vector.broadcast %mul3A_1948 : i32 to vector<16xi32>
    %mul3A_1950 = arith.muli %shift_right_arithmetic3A_1947, %mul3A_1949 : vector<16xi32>
    %and3A_1951 = arith.constant 127 : i32
    %and3A_1952 = vector.broadcast %and3A_1951 : i32 to vector<16xi32>
    %and3A_1953 = arith.andi %get3A_1944, %and3A_1952 : vector<16xi32>
    %add3A_1954 = arith.addi %mul3A_1950, %and3A_1953 : vector<16xi32>
    %add3A_1955 = arith.constant 0 : i32
    %add3A_1956 = vector.broadcast %add3A_1955 : i32 to vector<16xi32>
    %add3A_1957 = arith.addi %add3A_1954, %add3A_1956 : vector<16xi32>
    %swap3A_1958 = arith.constant 0 : i32
    %swap3A_1959 = arith.index_cast %swap3A_1958 : i32 to index
    %swap3A_1960 = arith.constant 464 : index
    %swap3A_1961 = tpu.vector_load %arg6[%swap3A_1959, %swap3A_1960] {strides = array<i32>} : memref<6x512xi32, #tpu.memory_space<vmem>>, vector<1x16xi32>,
    %swap3A_1962 = vector.shape_cast %swap3A_1961 : vector<1x16xi32> to vector<16xi32>
    %swap3A_1963 = vector.shape_cast %add3A_1957 : vector<16xi32> to vector<1x16xi32>
    tpu.vector_store %arg6[%swap3A_1959, %swap3A_1960], %swap3A_1963 {strides = array<i32>} : memref<6x512xi32, #tpu.memory_space<vmem>>, vector<1x16xi32>,
    %add3A_1964 = arith.constant 128 : i32
    %add3A_1965 = vector.broadcast %add3A_1964 : i32 to vector<16xi32>
    %add3A_1966 = arith.addi %add3A_1954, %add3A_1965 : vector<16xi32>
    %swap3A_1967 = arith.constant 1 : i32
    %swap3A_1968 = arith.index_cast %swap3A_1967 : i32 to index
    %swap3A_1969 = arith.constant 464 : index
    %swap3A_1970 = tpu.vector_load %arg6[%swap3A_1968, %swap3A_1969] {strides = array<i32>} : memref<6x512xi32, #tpu.memory_space<vmem>>, vector<1x16xi32>,
    %swap3A_1971 = vector.shape_cast %swap3A_1970 : vector<1x16xi32> to vector<16xi32>
    %swap3A_1972 = vector.shape_cast %add3A_1966 : vector<16xi32> to vector<1x16xi32>
    tpu.vector_store %arg6[%swap3A_1968, %swap3A_1969], %swap3A_1972 {strides = array<i32>} : memref<6x512xi32, #tpu.memory_space<vmem>>, vector<1x16xi32>,
    %add3A_1973 = arith.constant 256 : i32
    %add3A_1974 = vector.broadcast %add3A_1973 : i32 to vector<16xi32>
    %add3A_1975 = arith.addi %add3A_1954, %add3A_1974 : vector<16xi32>
    %swap3A_1976 = arith.constant 2 : i32
    %swap3A_1977 = arith.index_cast %swap3A_1976 : i32 to index
    %swap3A_1978 = arith.constant 464 : index
    %swap3A_1979 = tpu.vector_load %arg6[%swap3A_1977, %swap3A_1978] {strides = array<i32>} : memref<6x512xi32, #tpu.memory_space<vmem>>, vector<1x16xi32>,
    %swap3A_1980 = vector.shape_cast %swap3A_1979 : vector<1x16xi32> to vector<16xi32>
    %swap3A_1981 = vector.shape_cast %add3A_1975 : vector<16xi32> to vector<1x16xi32>
    tpu.vector_store %arg6[%swap3A_1977, %swap3A_1978], %swap3A_1981 {strides = array<i32>} : memref<6x512xi32, #tpu.memory_space<vmem>>, vector<1x16xi32>,
    %add3A_1982 = arith.constant 384 : i32
    %add3A_1983 = vector.broadcast %add3A_1982 : i32 to vector<16xi32>
    %add3A_1984 = arith.addi %add3A_1954, %add3A_1983 : vector<16xi32>
    %swap3A_1985 = arith.constant 3 : i32
    %swap3A_1986 = arith.index_cast %swap3A_1985 : i32 to index
    %swap3A_1987 = arith.constant 464 : index
    %swap3A_1988 = tpu.vector_load %arg6[%swap3A_1986, %swap3A_1987] {strides = array<i32>} : memref<6x512xi32, #tpu.memory_space<vmem>>, vector<1x16xi32>,
    %swap3A_1989 = vector.shape_cast %swap3A_1988 : vector<1x16xi32> to vector<16xi32>
    %swap3A_1990 = vector.shape_cast %add3A_1984 : vector<16xi32> to vector<1x16xi32>
    tpu.vector_store %arg6[%swap3A_1986, %swap3A_1987], %swap3A_1990 {strides = array<i32>} : memref<6x512xi32, #tpu.memory_space<vmem>>, vector<1x16xi32>,
    %add3A_1991 = arith.constant 512 : i32
    %add3A_1992 = vector.broadcast %add3A_1991 : i32 to vector<16xi32>
    %add3A_1993 = arith.addi %add3A_1954, %add3A_1992 : vector<16xi32>
    %swap3A_1994 = arith.constant 4 : i32
    %swap3A_1995 = arith.index_cast %swap3A_1994 : i32 to index
    %swap3A_1996 = arith.constant 464 : index
    %swap3A_1997 = tpu.vector_load %arg6[%swap3A_1995, %swap3A_1996] {strides = array<i32>} : memref<6x512xi32, #tpu.memory_space<vmem>>, vector<1x16xi32>,
    %swap3A_1998 = vector.shape_cast %swap3A_1997 : vector<1x16xi32> to vector<16xi32>
    %swap3A_1999 = vector.shape_cast %add3A_1993 : vector<16xi32> to vector<1x16xi32>
    tpu.vector_store %arg6[%swap3A_1995, %swap3A_1996], %swap3A_1999 {strides = array<i32>} : memref<6x512xi32, #tpu.memory_space<vmem>>, vector<1x16xi32>,
    %add3A_2000 = arith.constant 640 : i32
    %add3A_2001 = vector.broadcast %add3A_2000 : i32 to vector<16xi32>
    %add3A_2002 = arith.addi %add3A_1954, %add3A_2001 : vector<16xi32>
    %swap3A_2003 = arith.constant 5 : i32
    %swap3A_2004 = arith.index_cast %swap3A_2003 : i32 to index
    %swap3A_2005 = arith.constant 464 : index
    %swap3A_2006 = tpu.vector_load %arg6[%swap3A_2004, %swap3A_2005] {strides = array<i32>} : memref<6x512xi32, #tpu.memory_space<vmem>>, vector<1x16xi32>,
    %swap3A_2007 = vector.shape_cast %swap3A_2006 : vector<1x16xi32> to vector<16xi32>
    %swap3A_2008 = vector.shape_cast %add3A_2002 : vector<16xi32> to vector<1x16xi32>
    tpu.vector_store %arg6[%swap3A_2004, %swap3A_2005], %swap3A_2008 {strides = array<i32>} : memref<6x512xi32, #tpu.memory_space<vmem>>, vector<1x16xi32>,
    %get3A_2009 = arith.constant 480 : index
    %get3A_2010 = tpu.vector_load %arg5[%get3A_2009] {strides = array<i32>} : memref<512xi32, #tpu.memory_space<vmem>>, vector<16xi32>,
    %get3A_2011 = vector.shape_cast %get3A_2010 : vector<16xi32> to vector<16xi32>
    %shift_right_arithmetic3A_2012 = arith.constant 7 : i32
    %shift_right_arithmetic3A_2013 = vector.broadcast %shift_right_arithmetic3A_2012 : i32 to vector<16xi32>
    %shift_right_arithmetic3A_2014 = arith.shrsi %get3A_2011, %shift_right_arithmetic3A_2013 : vector<16xi32>
    %mul3A_2015 = arith.constant 1024 : i32
    %mul3A_2016 = vector.broadcast %mul3A_2015 : i32 to vector<16xi32>
    %mul3A_2017 = arith.muli %shift_right_arithmetic3A_2014, %mul3A_2016 : vector<16xi32>
    %and3A_2018 = arith.constant 127 : i32
    %and3A_2019 = vector.broadcast %and3A_2018 : i32 to vector<16xi32>
    %and3A_2020 = arith.andi %get3A_2011, %and3A_2019 : vector<16xi32>
    %add3A_2021 = arith.addi %mul3A_2017, %and3A_2020 : vector<16xi32>
    %add3A_2022 = arith.constant 0 : i32
    %add3A_2023 = vector.broadcast %add3A_2022 : i32 to vector<16xi32>
    %add3A_2024 = arith.addi %add3A_2021, %add3A_2023 : vector<16xi32>
    %swap3A_2025 = arith.constant 0 : i32
    %swap3A_2026 = arith.index_cast %swap3A_2025 : i32 to index
    %swap3A_2027 = arith.constant 480 : index
    %swap3A_2028 = tpu.vector_load %arg6[%swap3A_2026, %swap3A_2027] {strides = array<i32>} : memref<6x512xi32, #tpu.memory_space<vmem>>, vector<1x16xi32>,
    %swap3A_2029 = vector.shape_cast %swap3A_2028 : vector<1x16xi32> to vector<16xi32>
    %swap3A_2030 = vector.shape_cast %add3A_2024 : vector<16xi32> to vector<1x16xi32>
    tpu.vector_store %arg6[%swap3A_2026, %swap3A_2027], %swap3A_2030 {strides = array<i32>} : memref<6x512xi32, #tpu.memory_space<vmem>>, vector<1x16xi32>,
    %add3A_2031 = arith.constant 128 : i32
    %add3A_2032 = vector.broadcast %add3A_2031 : i32 to vector<16xi32>
    %add3A_2033 = arith.addi %add3A_2021, %add3A_2032 : vector<16xi32>
    %swap3A_2034 = arith.constant 1 : i32
    %swap3A_2035 = arith.index_cast %swap3A_2034 : i32 to index
    %swap3A_2036 = arith.constant 480 : index
    %swap3A_2037 = tpu.vector_load %arg6[%swap3A_2035, %swap3A_2036] {strides = array<i32>} : memref<6x512xi32, #tpu.memory_space<vmem>>, vector<1x16xi32>,
    %swap3A_2038 = vector.shape_cast %swap3A_2037 : vector<1x16xi32> to vector<16xi32>
    %swap3A_2039 = vector.shape_cast %add3A_2033 : vector<16xi32> to vector<1x16xi32>
    tpu.vector_store %arg6[%swap3A_2035, %swap3A_2036], %swap3A_2039 {strides = array<i32>} : memref<6x512xi32, #tpu.memory_space<vmem>>, vector<1x16xi32>,
    %add3A_2040 = arith.constant 256 : i32
    %add3A_2041 = vector.broadcast %add3A_2040 : i32 to vector<16xi32>
    %add3A_2042 = arith.addi %add3A_2021, %add3A_2041 : vector<16xi32>
    %swap3A_2043 = arith.constant 2 : i32
    %swap3A_2044 = arith.index_cast %swap3A_2043 : i32 to index
    %swap3A_2045 = arith.constant 480 : index
    %swap3A_2046 = tpu.vector_load %arg6[%swap3A_2044, %swap3A_2045] {strides = array<i32>} : memref<6x512xi32, #tpu.memory_space<vmem>>, vector<1x16xi32>,
    %swap3A_2047 = vector.shape_cast %swap3A_2046 : vector<1x16xi32> to vector<16xi32>
    %swap3A_2048 = vector.shape_cast %add3A_2042 : vector<16xi32> to vector<1x16xi32>
    tpu.vector_store %arg6[%swap3A_2044, %swap3A_2045], %swap3A_2048 {strides = array<i32>} : memref<6x512xi32, #tpu.memory_space<vmem>>, vector<1x16xi32>,
    %add3A_2049 = arith.constant 384 : i32
    %add3A_2050 = vector.broadcast %add3A_2049 : i32 to vector<16xi32>
    %add3A_2051 = arith.addi %add3A_2021, %add3A_2050 : vector<16xi32>
    %swap3A_2052 = arith.constant 3 : i32
    %swap3A_2053 = arith.index_cast %swap3A_2052 : i32 to index
    %swap3A_2054 = arith.constant 480 : index
    %swap3A_2055 = tpu.vector_load %arg6[%swap3A_2053, %swap3A_2054] {strides = array<i32>} : memref<6x512xi32, #tpu.memory_space<vmem>>, vector<1x16xi32>,
    %swap3A_2056 = vector.shape_cast %swap3A_2055 : vector<1x16xi32> to vector<16xi32>
    %swap3A_2057 = vector.shape_cast %add3A_2051 : vector<16xi32> to vector<1x16xi32>
    tpu.vector_store %arg6[%swap3A_2053, %swap3A_2054], %swap3A_2057 {strides = array<i32>} : memref<6x512xi32, #tpu.memory_space<vmem>>, vector<1x16xi32>,
    %add3A_2058 = arith.constant 512 : i32
    %add3A_2059 = vector.broadcast %add3A_2058 : i32 to vector<16xi32>
    %add3A_2060 = arith.addi %add3A_2021, %add3A_2059 : vector<16xi32>
    %swap3A_2061 = arith.constant 4 : i32
    %swap3A_2062 = arith.index_cast %swap3A_2061 : i32 to index
    %swap3A_2063 = arith.constant 480 : index
    %swap3A_2064 = tpu.vector_load %arg6[%swap3A_2062, %swap3A_2063] {strides = array<i32>} : memref<6x512xi32, #tpu.memory_space<vmem>>, vector<1x16xi32>,
    %swap3A_2065 = vector.shape_cast %swap3A_2064 : vector<1x16xi32> to vector<16xi32>
    %swap3A_2066 = vector.shape_cast %add3A_2060 : vector<16xi32> to vector<1x16xi32>
    tpu.vector_store %arg6[%swap3A_2062, %swap3A_2063], %swap3A_2066 {strides = array<i32>} : memref<6x512xi32, #tpu.memory_space<vmem>>, vector<1x16xi32>,
    %add3A_2067 = arith.constant 640 : i32
    %add3A_2068 = vector.broadcast %add3A_2067 : i32 to vector<16xi32>
    %add3A_2069 = arith.addi %add3A_2021, %add3A_2068 : vector<16xi32>
    %swap3A_2070 = arith.constant 5 : i32
    %swap3A_2071 = arith.index_cast %swap3A_2070 : i32 to index
    %swap3A_2072 = arith.constant 480 : index
    %swap3A_2073 = tpu.vector_load %arg6[%swap3A_2071, %swap3A_2072] {strides = array<i32>} : memref<6x512xi32, #tpu.memory_space<vmem>>, vector<1x16xi32>,
    %swap3A_2074 = vector.shape_cast %swap3A_2073 : vector<1x16xi32> to vector<16xi32>
    %swap3A_2075 = vector.shape_cast %add3A_2069 : vector<16xi32> to vector<1x16xi32>
    tpu.vector_store %arg6[%swap3A_2071, %swap3A_2072], %swap3A_2075 {strides = array<i32>} : memref<6x512xi32, #tpu.memory_space<vmem>>, vector<1x16xi32>,
    %get3A_2076 = arith.constant 496 : index
    %get3A_2077 = tpu.vector_load %arg5[%get3A_2076] {strides = array<i32>} : memref<512xi32, #tpu.memory_space<vmem>>, vector<16xi32>,
    %get3A_2078 = vector.shape_cast %get3A_2077 : vector<16xi32> to vector<16xi32>
    %shift_right_arithmetic3A_2079 = arith.constant 7 : i32
    %shift_right_arithmetic3A_2080 = vector.broadcast %shift_right_arithmetic3A_2079 : i32 to vector<16xi32>
    %shift_right_arithmetic3A_2081 = arith.shrsi %get3A_2078, %shift_right_arithmetic3A_2080 : vector<16xi32>
    %mul3A_2082 = arith.constant 1024 : i32
    %mul3A_2083 = vector.broadcast %mul3A_2082 : i32 to vector<16xi32>
    %mul3A_2084 = arith.muli %shift_right_arithmetic3A_2081, %mul3A_2083 : vector<16xi32>
    %and3A_2085 = arith.constant 127 : i32
    %and3A_2086 = vector.broadcast %and3A_2085 : i32 to vector<16xi32>
    %and3A_2087 = arith.andi %get3A_2078, %and3A_2086 : vector<16xi32>
    %add3A_2088 = arith.addi %mul3A_2084, %and3A_2087 : vector<16xi32>
    %add3A_2089 = arith.constant 0 : i32
    %add3A_2090 = vector.broadcast %add3A_2089 : i32 to vector<16xi32>
    %add3A_2091 = arith.addi %add3A_2088, %add3A_2090 : vector<16xi32>
    %swap3A_2092 = arith.constant 0 : i32
    %swap3A_2093 = arith.index_cast %swap3A_2092 : i32 to index
    %swap3A_2094 = arith.constant 496 : index
    %swap3A_2095 = tpu.vector_load %arg6[%swap3A_2093, %swap3A_2094] {strides = array<i32>} : memref<6x512xi32, #tpu.memory_space<vmem>>, vector<1x16xi32>,
    %swap3A_2096 = vector.shape_cast %swap3A_2095 : vector<1x16xi32> to vector<16xi32>
    %swap3A_2097 = vector.shape_cast %add3A_2091 : vector<16xi32> to vector<1x16xi32>
    tpu.vector_store %arg6[%swap3A_2093, %swap3A_2094], %swap3A_2097 {strides = array<i32>} : memref<6x512xi32, #tpu.memory_space<vmem>>, vector<1x16xi32>,
    %add3A_2098 = arith.constant 128 : i32
    %add3A_2099 = vector.broadcast %add3A_2098 : i32 to vector<16xi32>
    %add3A_2100 = arith.addi %add3A_2088, %add3A_2099 : vector<16xi32>
    %swap3A_2101 = arith.constant 1 : i32
    %swap3A_2102 = arith.index_cast %swap3A_2101 : i32 to index
    %swap3A_2103 = arith.constant 496 : index
    %swap3A_2104 = tpu.vector_load %arg6[%swap3A_2102, %swap3A_2103] {strides = array<i32>} : memref<6x512xi32, #tpu.memory_space<vmem>>, vector<1x16xi32>,
    %swap3A_2105 = vector.shape_cast %swap3A_2104 : vector<1x16xi32> to vector<16xi32>
    %swap3A_2106 = vector.shape_cast %add3A_2100 : vector<16xi32> to vector<1x16xi32>
    tpu.vector_store %arg6[%swap3A_2102, %swap3A_2103], %swap3A_2106 {strides = array<i32>} : memref<6x512xi32, #tpu.memory_space<vmem>>, vector<1x16xi32>,
    %add3A_2107 = arith.constant 256 : i32
    %add3A_2108 = vector.broadcast %add3A_2107 : i32 to vector<16xi32>
    %add3A_2109 = arith.addi %add3A_2088, %add3A_2108 : vector<16xi32>
    %swap3A_2110 = arith.constant 2 : i32
    %swap3A_2111 = arith.index_cast %swap3A_2110 : i32 to index
    %swap3A_2112 = arith.constant 496 : index
    %swap3A_2113 = tpu.vector_load %arg6[%swap3A_2111, %swap3A_2112] {strides = array<i32>} : memref<6x512xi32, #tpu.memory_space<vmem>>, vector<1x16xi32>,
    %swap3A_2114 = vector.shape_cast %swap3A_2113 : vector<1x16xi32> to vector<16xi32>
    %swap3A_2115 = vector.shape_cast %add3A_2109 : vector<16xi32> to vector<1x16xi32>
    tpu.vector_store %arg6[%swap3A_2111, %swap3A_2112], %swap3A_2115 {strides = array<i32>} : memref<6x512xi32, #tpu.memory_space<vmem>>, vector<1x16xi32>,
    %add3A_2116 = arith.constant 384 : i32
    %add3A_2117 = vector.broadcast %add3A_2116 : i32 to vector<16xi32>
    %add3A_2118 = arith.addi %add3A_2088, %add3A_2117 : vector<16xi32>
    %swap3A_2119 = arith.constant 3 : i32
    %swap3A_2120 = arith.index_cast %swap3A_2119 : i32 to index
    %swap3A_2121 = arith.constant 496 : index
    %swap3A_2122 = tpu.vector_load %arg6[%swap3A_2120, %swap3A_2121] {strides = array<i32>} : memref<6x512xi32, #tpu.memory_space<vmem>>, vector<1x16xi32>,
    %swap3A_2123 = vector.shape_cast %swap3A_2122 : vector<1x16xi32> to vector<16xi32>
    %swap3A_2124 = vector.shape_cast %add3A_2118 : vector<16xi32> to vector<1x16xi32>
    tpu.vector_store %arg6[%swap3A_2120, %swap3A_2121], %swap3A_2124 {strides = array<i32>} : memref<6x512xi32, #tpu.memory_space<vmem>>, vector<1x16xi32>,
    %add3A_2125 = arith.constant 512 : i32
    %add3A_2126 = vector.broadcast %add3A_2125 : i32 to vector<16xi32>
    %add3A_2127 = arith.addi %add3A_2088, %add3A_2126 : vector<16xi32>
    %swap3A_2128 = arith.constant 4 : i32
    %swap3A_2129 = arith.index_cast %swap3A_2128 : i32 to index
    %swap3A_2130 = arith.constant 496 : index
    %swap3A_2131 = tpu.vector_load %arg6[%swap3A_2129, %swap3A_2130] {strides = array<i32>} : memref<6x512xi32, #tpu.memory_space<vmem>>, vector<1x16xi32>,
    %swap3A_2132 = vector.shape_cast %swap3A_2131 : vector<1x16xi32> to vector<16xi32>
    %swap3A_2133 = vector.shape_cast %add3A_2127 : vector<16xi32> to vector<1x16xi32>
    tpu.vector_store %arg6[%swap3A_2129, %swap3A_2130], %swap3A_2133 {strides = array<i32>} : memref<6x512xi32, #tpu.memory_space<vmem>>, vector<1x16xi32>,
    %add3A_2134 = arith.constant 640 : i32
    %add3A_2135 = vector.broadcast %add3A_2134 : i32 to vector<16xi32>
    %add3A_2136 = arith.addi %add3A_2088, %add3A_2135 : vector<16xi32>
    %swap3A_2137 = arith.constant 5 : i32
    %swap3A_2138 = arith.index_cast %swap3A_2137 : i32 to index
    %swap3A_2139 = arith.constant 496 : index
    %swap3A_2140 = tpu.vector_load %arg6[%swap3A_2138, %swap3A_2139] {strides = array<i32>} : memref<6x512xi32, #tpu.memory_space<vmem>>, vector<1x16xi32>,
    %swap3A_2141 = vector.shape_cast %swap3A_2140 : vector<1x16xi32> to vector<16xi32>
    %swap3A_2142 = vector.shape_cast %add3A_2136 : vector<16xi32> to vector<1x16xi32>
    tpu.vector_store %arg6[%swap3A_2138, %swap3A_2139], %swap3A_2142 {strides = array<i32>} : memref<6x512xi32, #tpu.memory_space<vmem>>, vector<1x16xi32>,
    %dma_start3A = arith.constant 0 : i32
    %dma_start3A_2143 = arith.constant 0 : i32
    %dma_start3A_2144 = arith.constant 0 : i32
    %dma_start3A_2145 = tpu.memref_slice %arg7[%dma_start3A_2143, %dma_start3A_2144] : memref<6x512xf32, #tpu.memory_space<vmem>> -> memref<1x512xf32, #tpu.memory_space<vmem>>
    %dma_start3A_2146 = tpu.memref_squeeze %dma_start3A_2145 : memref<1x512xf32, #tpu.memory_space<vmem>> -> memref<512xf32, #tpu.memory_space<vmem>>
    %dma_start3A_2147 = arith.constant 0 : i32
    %dma_start3A_2148 = tpu.memref_slice %arg6[%dma_start3A, %dma_start3A_2147] : memref<6x512xi32, #tpu.memory_space<vmem>> -> memref<1x512xi32, #tpu.memory_space<vmem>>
    %dma_start3A_2149 = tpu.memref_squeeze %dma_start3A_2148 : memref<1x512xi32, #tpu.memory_space<vmem>> -> memref<512xi32, #tpu.memory_space<vmem>>
    %dma_start3A_2150 = arith.constant 0 : i32
    %dma_start3A_2151 = tpu.memref_slice %arg2[%dma_start3A_2150] : memref<8000512xf32, #tpu.memory_space<hbm>> -> memref<8000512xf32, #tpu.memory_space<hbm>>
    tpu.enqueue_indirect_dma source(%dma_start3A_2151 : memref<8000512xf32, #tpu.memory_space<hbm>>) target(%dma_start3A_2146 : memref<512xf32, #tpu.memory_space<vmem>>) offsets(%dma_start3A_2149 : memref<512xi32, #tpu.memory_space<vmem>>) semaphore(%arg8 : memref<!tpu.dma_semaphore, #tpu.memory_space<semaphore_mem>>)
    %dma_start3A_2152 = arith.constant 1 : i32
    %dma_start3A_2153 = arith.constant 1 : i32
    %dma_start3A_2154 = arith.constant 0 : i32
    %dma_start3A_2155 = tpu.memref_slice %arg7[%dma_start3A_2153, %dma_start3A_2154] : memref<6x512xf32, #tpu.memory_space<vmem>> -> memref<1x512xf32, #tpu.memory_space<vmem>>
    %dma_start3A_2156 = tpu.memref_squeeze %dma_start3A_2155 : memref<1x512xf32, #tpu.memory_space<vmem>> -> memref<512xf32, #tpu.memory_space<vmem>>
    %dma_start3A_2157 = arith.constant 0 : i32
    %dma_start3A_2158 = tpu.memref_slice %arg6[%dma_start3A_2152, %dma_start3A_2157] : memref<6x512xi32, #tpu.memory_space<vmem>> -> memref<1x512xi32, #tpu.memory_space<vmem>>
    %dma_start3A_2159 = tpu.memref_squeeze %dma_start3A_2158 : memref<1x512xi32, #tpu.memory_space<vmem>> -> memref<512xi32, #tpu.memory_space<vmem>>
    %dma_start3A_2160 = arith.constant 0 : i32
    %dma_start3A_2161 = tpu.memref_slice %arg2[%dma_start3A_2160] : memref<8000512xf32, #tpu.memory_space<hbm>> -> memref<8000512xf32, #tpu.memory_space<hbm>>
    tpu.enqueue_indirect_dma source(%dma_start3A_2161 : memref<8000512xf32, #tpu.memory_space<hbm>>) target(%dma_start3A_2156 : memref<512xf32, #tpu.memory_space<vmem>>) offsets(%dma_start3A_2159 : memref<512xi32, #tpu.memory_space<vmem>>) semaphore(%arg8 : memref<!tpu.dma_semaphore, #tpu.memory_space<semaphore_mem>>)
    %dma_start3A_2162 = arith.constant 2 : i32
    %dma_start3A_2163 = arith.constant 2 : i32
    %dma_start3A_2164 = arith.constant 0 : i32
    %dma_start3A_2165 = tpu.memref_slice %arg7[%dma_start3A_2163, %dma_start3A_2164] : memref<6x512xf32, #tpu.memory_space<vmem>> -> memref<1x512xf32, #tpu.memory_space<vmem>>
    %dma_start3A_2166 = tpu.memref_squeeze %dma_start3A_2165 : memref<1x512xf32, #tpu.memory_space<vmem>> -> memref<512xf32, #tpu.memory_space<vmem>>
    %dma_start3A_2167 = arith.constant 0 : i32
    %dma_start3A_2168 = tpu.memref_slice %arg6[%dma_start3A_2162, %dma_start3A_2167] : memref<6x512xi32, #tpu.memory_space<vmem>> -> memref<1x512xi32, #tpu.memory_space<vmem>>
    %dma_start3A_2169 = tpu.memref_squeeze %dma_start3A_2168 : memref<1x512xi32, #tpu.memory_space<vmem>> -> memref<512xi32, #tpu.memory_space<vmem>>
    %dma_start3A_2170 = arith.constant 0 : i32
    %dma_start3A_2171 = tpu.memref_slice %arg2[%dma_start3A_2170] : memref<8000512xf32, #tpu.memory_space<hbm>> -> memref<8000512xf32, #tpu.memory_space<hbm>>
    tpu.enqueue_indirect_dma source(%dma_start3A_2171 : memref<8000512xf32, #tpu.memory_space<hbm>>) target(%dma_start3A_2166 : memref<512xf32, #tpu.memory_space<vmem>>) offsets(%dma_start3A_2169 : memref<512xi32, #tpu.memory_space<vmem>>) semaphore(%arg8 : memref<!tpu.dma_semaphore, #tpu.memory_space<semaphore_mem>>)
    %dma_start3A_2172 = arith.constant 3 : i32
    %dma_start3A_2173 = arith.constant 3 : i32
    %dma_start3A_2174 = arith.constant 0 : i32
    %dma_start3A_2175 = tpu.memref_slice %arg7[%dma_start3A_2173, %dma_start3A_2174] : memref<6x512xf32, #tpu.memory_space<vmem>> -> memref<1x512xf32, #tpu.memory_space<vmem>>
    %dma_start3A_2176 = tpu.memref_squeeze %dma_start3A_2175 : memref<1x512xf32, #tpu.memory_space<vmem>> -> memref<512xf32, #tpu.memory_space<vmem>>
    %dma_start3A_2177 = arith.constant 0 : i32
    %dma_start3A_2178 = tpu.memref_slice %arg6[%dma_start3A_2172, %dma_start3A_2177] : memref<6x512xi32, #tpu.memory_space<vmem>> -> memref<1x512xi32, #tpu.memory_space<vmem>>
    %dma_start3A_2179 = tpu.memref_squeeze %dma_start3A_2178 : memref<1x512xi32, #tpu.memory_space<vmem>> -> memref<512xi32, #tpu.memory_space<vmem>>
    %dma_start3A_2180 = arith.constant 0 : i32
    %dma_start3A_2181 = tpu.memref_slice %arg2[%dma_start3A_2180] : memref<8000512xf32, #tpu.memory_space<hbm>> -> memref<8000512xf32, #tpu.memory_space<hbm>>
    tpu.enqueue_indirect_dma source(%dma_start3A_2181 : memref<8000512xf32, #tpu.memory_space<hbm>>) target(%dma_start3A_2176 : memref<512xf32, #tpu.memory_space<vmem>>) offsets(%dma_start3A_2179 : memref<512xi32, #tpu.memory_space<vmem>>) semaphore(%arg8 : memref<!tpu.dma_semaphore, #tpu.memory_space<semaphore_mem>>)
    %dma_start3A_2182 = arith.constant 4 : i32
    %dma_start3A_2183 = arith.constant 4 : i32
    %dma_start3A_2184 = arith.constant 0 : i32
    %dma_start3A_2185 = tpu.memref_slice %arg7[%dma_start3A_2183, %dma_start3A_2184] : memref<6x512xf32, #tpu.memory_space<vmem>> -> memref<1x512xf32, #tpu.memory_space<vmem>>
    %dma_start3A_2186 = tpu.memref_squeeze %dma_start3A_2185 : memref<1x512xf32, #tpu.memory_space<vmem>> -> memref<512xf32, #tpu.memory_space<vmem>>
    %dma_start3A_2187 = arith.constant 0 : i32
    %dma_start3A_2188 = tpu.memref_slice %arg6[%dma_start3A_2182, %dma_start3A_2187] : memref<6x512xi32, #tpu.memory_space<vmem>> -> memref<1x512xi32, #tpu.memory_space<vmem>>
    %dma_start3A_2189 = tpu.memref_squeeze %dma_start3A_2188 : memref<1x512xi32, #tpu.memory_space<vmem>> -> memref<512xi32, #tpu.memory_space<vmem>>
    %dma_start3A_2190 = arith.constant 0 : i32
    %dma_start3A_2191 = tpu.memref_slice %arg2[%dma_start3A_2190] : memref<8000512xf32, #tpu.memory_space<hbm>> -> memref<8000512xf32, #tpu.memory_space<hbm>>
    tpu.enqueue_indirect_dma source(%dma_start3A_2191 : memref<8000512xf32, #tpu.memory_space<hbm>>) target(%dma_start3A_2186 : memref<512xf32, #tpu.memory_space<vmem>>) offsets(%dma_start3A_2189 : memref<512xi32, #tpu.memory_space<vmem>>) semaphore(%arg8 : memref<!tpu.dma_semaphore, #tpu.memory_space<semaphore_mem>>)
    %dma_start3A_2192 = arith.constant 5 : i32
    %dma_start3A_2193 = arith.constant 5 : i32
    %dma_start3A_2194 = arith.constant 0 : i32
    %dma_start3A_2195 = tpu.memref_slice %arg7[%dma_start3A_2193, %dma_start3A_2194] : memref<6x512xf32, #tpu.memory_space<vmem>> -> memref<1x512xf32, #tpu.memory_space<vmem>>
    %dma_start3A_2196 = tpu.memref_squeeze %dma_start3A_2195 : memref<1x512xf32, #tpu.memory_space<vmem>> -> memref<512xf32, #tpu.memory_space<vmem>>
    %dma_start3A_2197 = arith.constant 0 : i32
    %dma_start3A_2198 = tpu.memref_slice %arg6[%dma_start3A_2192, %dma_start3A_2197] : memref<6x512xi32, #tpu.memory_space<vmem>> -> memref<1x512xi32, #tpu.memory_space<vmem>>
    %dma_start3A_2199 = tpu.memref_squeeze %dma_start3A_2198 : memref<1x512xi32, #tpu.memory_space<vmem>> -> memref<512xi32, #tpu.memory_space<vmem>>
    %dma_start3A_2200 = arith.constant 0 : i32
    %dma_start3A_2201 = tpu.memref_slice %arg2[%dma_start3A_2200] : memref<8000512xf32, #tpu.memory_space<hbm>> -> memref<8000512xf32, #tpu.memory_space<hbm>>
    tpu.enqueue_indirect_dma source(%dma_start3A_2201 : memref<8000512xf32, #tpu.memory_space<hbm>>) target(%dma_start3A_2196 : memref<512xf32, #tpu.memory_space<vmem>>) offsets(%dma_start3A_2199 : memref<512xi32, #tpu.memory_space<vmem>>) semaphore(%arg8 : memref<!tpu.dma_semaphore, #tpu.memory_space<semaphore_mem>>)
    %dma_wait3A = arith.constant 0 : i32
    %dma_wait3A_2202 = arith.constant 0 : i32
    %dma_wait3A_2203 = arith.constant 0 : i32
    %dma_wait3A_2204 = tpu.memref_slice %arg7[%dma_wait3A_2202, %dma_wait3A_2203] : memref<6x512xf32, #tpu.memory_space<vmem>> -> memref<1x512xf32, #tpu.memory_space<vmem>>
    %dma_wait3A_2205 = tpu.memref_squeeze %dma_wait3A_2204 : memref<1x512xf32, #tpu.memory_space<vmem>> -> memref<512xf32, #tpu.memory_space<vmem>>
    %dma_wait3A_2206 = arith.constant 0 : i32
    %dma_wait3A_2207 = tpu.memref_slice %arg6[%dma_wait3A, %dma_wait3A_2206] : memref<6x512xi32, #tpu.memory_space<vmem>> -> memref<1x512xi32, #tpu.memory_space<vmem>>
    %dma_wait3A_2208 = tpu.memref_squeeze %dma_wait3A_2207 : memref<1x512xi32, #tpu.memory_space<vmem>> -> memref<512xi32, #tpu.memory_space<vmem>>
    %dma_wait3A_2209 = arith.constant 0 : i32
    %dma_wait3A_2210 = tpu.memref_slice %arg2[%dma_wait3A_2209] : memref<8000512xf32, #tpu.memory_space<hbm>> -> memref<8000512xf32, #tpu.memory_space<hbm>>
    tpu.wait_indirect_dma semaphore(%arg8 : memref<!tpu.dma_semaphore, #tpu.memory_space<semaphore_mem>>) src(%dma_wait3A_2210 : memref<8000512xf32, #tpu.memory_space<hbm>>) dst(%dma_wait3A_2205 : memref<512xf32, #tpu.memory_space<vmem>>)
    %dma_wait3A_2211 = arith.constant 1 : i32
    %dma_wait3A_2212 = arith.constant 1 : i32
    %dma_wait3A_2213 = arith.constant 0 : i32
    %dma_wait3A_2214 = tpu.memref_slice %arg7[%dma_wait3A_2212, %dma_wait3A_2213] : memref<6x512xf32, #tpu.memory_space<vmem>> -> memref<1x512xf32, #tpu.memory_space<vmem>>
    %dma_wait3A_2215 = tpu.memref_squeeze %dma_wait3A_2214 : memref<1x512xf32, #tpu.memory_space<vmem>> -> memref<512xf32, #tpu.memory_space<vmem>>
    %dma_wait3A_2216 = arith.constant 0 : i32
    %dma_wait3A_2217 = tpu.memref_slice %arg6[%dma_wait3A_2211, %dma_wait3A_2216] : memref<6x512xi32, #tpu.memory_space<vmem>> -> memref<1x512xi32, #tpu.memory_space<vmem>>
    %dma_wait3A_2218 = tpu.memref_squeeze %dma_wait3A_2217 : memref<1x512xi32, #tpu.memory_space<vmem>> -> memref<512xi32, #tpu.memory_space<vmem>>
    %dma_wait3A_2219 = arith.constant 0 : i32
    %dma_wait3A_2220 = tpu.memref_slice %arg2[%dma_wait3A_2219] : memref<8000512xf32, #tpu.memory_space<hbm>> -> memref<8000512xf32, #tpu.memory_space<hbm>>
    tpu.wait_indirect_dma semaphore(%arg8 : memref<!tpu.dma_semaphore, #tpu.memory_space<semaphore_mem>>) src(%dma_wait3A_2220 : memref<8000512xf32, #tpu.memory_space<hbm>>) dst(%dma_wait3A_2215 : memref<512xf32, #tpu.memory_space<vmem>>)
    %dma_wait3A_2221 = arith.constant 2 : i32
    %dma_wait3A_2222 = arith.constant 2 : i32
    %dma_wait3A_2223 = arith.constant 0 : i32
    %dma_wait3A_2224 = tpu.memref_slice %arg7[%dma_wait3A_2222, %dma_wait3A_2223] : memref<6x512xf32, #tpu.memory_space<vmem>> -> memref<1x512xf32, #tpu.memory_space<vmem>>
    %dma_wait3A_2225 = tpu.memref_squeeze %dma_wait3A_2224 : memref<1x512xf32, #tpu.memory_space<vmem>> -> memref<512xf32, #tpu.memory_space<vmem>>
    %dma_wait3A_2226 = arith.constant 0 : i32
    %dma_wait3A_2227 = tpu.memref_slice %arg6[%dma_wait3A_2221, %dma_wait3A_2226] : memref<6x512xi32, #tpu.memory_space<vmem>> -> memref<1x512xi32, #tpu.memory_space<vmem>>
    %dma_wait3A_2228 = tpu.memref_squeeze %dma_wait3A_2227 : memref<1x512xi32, #tpu.memory_space<vmem>> -> memref<512xi32, #tpu.memory_space<vmem>>
    %dma_wait3A_2229 = arith.constant 0 : i32
    %dma_wait3A_2230 = tpu.memref_slice %arg2[%dma_wait3A_2229] : memref<8000512xf32, #tpu.memory_space<hbm>> -> memref<8000512xf32, #tpu.memory_space<hbm>>
    tpu.wait_indirect_dma semaphore(%arg8 : memref<!tpu.dma_semaphore, #tpu.memory_space<semaphore_mem>>) src(%dma_wait3A_2230 : memref<8000512xf32, #tpu.memory_space<hbm>>) dst(%dma_wait3A_2225 : memref<512xf32, #tpu.memory_space<vmem>>)
    %dma_wait3A_2231 = arith.constant 3 : i32
    %dma_wait3A_2232 = arith.constant 3 : i32
    %dma_wait3A_2233 = arith.constant 0 : i32
    %dma_wait3A_2234 = tpu.memref_slice %arg7[%dma_wait3A_2232, %dma_wait3A_2233] : memref<6x512xf32, #tpu.memory_space<vmem>> -> memref<1x512xf32, #tpu.memory_space<vmem>>
    %dma_wait3A_2235 = tpu.memref_squeeze %dma_wait3A_2234 : memref<1x512xf32, #tpu.memory_space<vmem>> -> memref<512xf32, #tpu.memory_space<vmem>>
    %dma_wait3A_2236 = arith.constant 0 : i32
    %dma_wait3A_2237 = tpu.memref_slice %arg6[%dma_wait3A_2231, %dma_wait3A_2236] : memref<6x512xi32, #tpu.memory_space<vmem>> -> memref<1x512xi32, #tpu.memory_space<vmem>>
    %dma_wait3A_2238 = tpu.memref_squeeze %dma_wait3A_2237 : memref<1x512xi32, #tpu.memory_space<vmem>> -> memref<512xi32, #tpu.memory_space<vmem>>
    %dma_wait3A_2239 = arith.constant 0 : i32
    %dma_wait3A_2240 = tpu.memref_slice %arg2[%dma_wait3A_2239] : memref<8000512xf32, #tpu.memory_space<hbm>> -> memref<8000512xf32, #tpu.memory_space<hbm>>
    tpu.wait_indirect_dma semaphore(%arg8 : memref<!tpu.dma_semaphore, #tpu.memory_space<semaphore_mem>>) src(%dma_wait3A_2240 : memref<8000512xf32, #tpu.memory_space<hbm>>) dst(%dma_wait3A_2235 : memref<512xf32, #tpu.memory_space<vmem>>)
    %dma_wait3A_2241 = arith.constant 4 : i32
    %dma_wait3A_2242 = arith.constant 4 : i32
    %dma_wait3A_2243 = arith.constant 0 : i32
    %dma_wait3A_2244 = tpu.memref_slice %arg7[%dma_wait3A_2242, %dma_wait3A_2243] : memref<6x512xf32, #tpu.memory_space<vmem>> -> memref<1x512xf32, #tpu.memory_space<vmem>>
    %dma_wait3A_2245 = tpu.memref_squeeze %dma_wait3A_2244 : memref<1x512xf32, #tpu.memory_space<vmem>> -> memref<512xf32, #tpu.memory_space<vmem>>
    %dma_wait3A_2246 = arith.constant 0 : i32
    %dma_wait3A_2247 = tpu.memref_slice %arg6[%dma_wait3A_2241, %dma_wait3A_2246] : memref<6x512xi32, #tpu.memory_space<vmem>> -> memref<1x512xi32, #tpu.memory_space<vmem>>
    %dma_wait3A_2248 = tpu.memref_squeeze %dma_wait3A_2247 : memref<1x512xi32, #tpu.memory_space<vmem>> -> memref<512xi32, #tpu.memory_space<vmem>>
    %dma_wait3A_2249 = arith.constant 0 : i32
    %dma_wait3A_2250 = tpu.memref_slice %arg2[%dma_wait3A_2249] : memref<8000512xf32, #tpu.memory_space<hbm>> -> memref<8000512xf32, #tpu.memory_space<hbm>>
    tpu.wait_indirect_dma semaphore(%arg8 : memref<!tpu.dma_semaphore, #tpu.memory_space<semaphore_mem>>) src(%dma_wait3A_2250 : memref<8000512xf32, #tpu.memory_space<hbm>>) dst(%dma_wait3A_2245 : memref<512xf32, #tpu.memory_space<vmem>>)
    %dma_wait3A_2251 = arith.constant 5 : i32
    %dma_wait3A_2252 = arith.constant 5 : i32
    %dma_wait3A_2253 = arith.constant 0 : i32
    %dma_wait3A_2254 = tpu.memref_slice %arg7[%dma_wait3A_2252, %dma_wait3A_2253] : memref<6x512xf32, #tpu.memory_space<vmem>> -> memref<1x512xf32, #tpu.memory_space<vmem>>
    %dma_wait3A_2255 = tpu.memref_squeeze %dma_wait3A_2254 : memref<1x512xf32, #tpu.memory_space<vmem>> -> memref<512xf32, #tpu.memory_space<vmem>>
    %dma_wait3A_2256 = arith.constant 0 : i32
    %dma_wait3A_2257 = tpu.memref_slice %arg6[%dma_wait3A_2251, %dma_wait3A_2256] : memref<6x512xi32, #tpu.memory_space<vmem>> -> memref<1x512xi32, #tpu.memory_space<vmem>>
    %dma_wait3A_2258 = tpu.memref_squeeze %dma_wait3A_2257 : memref<1x512xi32, #tpu.memory_space<vmem>> -> memref<512xi32, #tpu.memory_space<vmem>>
    %dma_wait3A_2259 = arith.constant 0 : i32
    %dma_wait3A_2260 = tpu.memref_slice %arg2[%dma_wait3A_2259] : memref<8000512xf32, #tpu.memory_space<hbm>> -> memref<8000512xf32, #tpu.memory_space<hbm>>
    tpu.wait_indirect_dma semaphore(%arg8 : memref<!tpu.dma_semaphore, #tpu.memory_space<semaphore_mem>>) src(%dma_wait3A_2260 : memref<8000512xf32, #tpu.memory_space<hbm>>) dst(%dma_wait3A_2255 : memref<512xf32, #tpu.memory_space<vmem>>)
    %run_scoped3A = arith.constant 0 : i32
    %run_scoped3A_2261 = arith.constant 0 : i32
    "tpu.region"() ({
      %run_scoped3A_2272 = tpu.sem_alloc : memref<!tpu.dma_semaphore, #tpu.memory_space<semaphore_mem>>
      %dma_start3A_2273 = arith.constant 0 : i32
      %dma_start3A_2274 = tpu.memref_slice %arg7[%run_scoped3A, %dma_start3A_2273] : memref<6x512xf32, #tpu.memory_space<vmem>> -> memref<1x512xf32, #tpu.memory_space<vmem>>
      %dma_start3A_2275 = tpu.memref_squeeze %dma_start3A_2274 : memref<1x512xf32, #tpu.memory_space<vmem>> -> memref<512xf32, #tpu.memory_space<vmem>>
      %dma_start3A_2276 = tpu.memref_slice %arg4[%run_scoped3A_2261, %mul3A_2] : memref<6x16384xf32, #tpu.memory_space<hbm>> -> memref<1x512xf32, #tpu.memory_space<hbm>>
      %dma_start3A_2277 = tpu.memref_squeeze %dma_start3A_2276 : memref<1x512xf32, #tpu.memory_space<hbm>> -> memref<512xf32, #tpu.memory_space<hbm>>
      %dma_start3A_2278 = tpu.memref_slice %arg4[%run_scoped3A_2261, %mul3A_2] : memref<6x16384xf32, #tpu.memory_space<hbm>> -> memref<1x512xf32, #tpu.memory_space<hbm>>
      %dma_start3A_2279 = tpu.memref_squeeze %dma_start3A_2278 : memref<1x512xf32, #tpu.memory_space<hbm>> -> memref<512xf32, #tpu.memory_space<hbm>>
      %dma_start3A_2280 = arith.constant 0 : i32
      %dma_start3A_2281 = tpu.memref_slice %arg7[%run_scoped3A, %dma_start3A_2280] : memref<6x512xf32, #tpu.memory_space<vmem>> -> memref<1x512xf32, #tpu.memory_space<vmem>>
      %dma_start3A_2282 = tpu.memref_squeeze %dma_start3A_2281 : memref<1x512xf32, #tpu.memory_space<vmem>> -> memref<512xf32, #tpu.memory_space<vmem>>
      tpu.enqueue_dma source(%dma_start3A_2282 : memref<512xf32, #tpu.memory_space<vmem>>) target(%dma_start3A_2279 : memref<512xf32, #tpu.memory_space<hbm>>) target_semaphore(%run_scoped3A_2272 : memref<!tpu.dma_semaphore, #tpu.memory_space<semaphore_mem>>)
      %dma_wait3A_2283 = arith.constant 0 : i32
      %dma_wait3A_2284 = tpu.memref_slice %arg7[%run_scoped3A, %dma_wait3A_2283] : memref<6x512xf32, #tpu.memory_space<vmem>> -> memref<1x512xf32, #tpu.memory_space<vmem>>
      %dma_wait3A_2285 = tpu.memref_squeeze %dma_wait3A_2284 : memref<1x512xf32, #tpu.memory_space<vmem>> -> memref<512xf32, #tpu.memory_space<vmem>>
      %dma_wait3A_2286 = tpu.memref_slice %arg4[%run_scoped3A_2261, %mul3A_2] : memref<6x16384xf32, #tpu.memory_space<hbm>> -> memref<1x512xf32, #tpu.memory_space<hbm>>
      %dma_wait3A_2287 = tpu.memref_squeeze %dma_wait3A_2286 : memref<1x512xf32, #tpu.memory_space<hbm>> -> memref<512xf32, #tpu.memory_space<hbm>>
      %dma_wait3A_2288 = tpu.memref_slice %arg4[%run_scoped3A_2261, %mul3A_2] : memref<6x16384xf32, #tpu.memory_space<hbm>> -> memref<1x512xf32, #tpu.memory_space<hbm>>
      %dma_wait3A_2289 = tpu.memref_squeeze %dma_wait3A_2288 : memref<1x512xf32, #tpu.memory_space<hbm>> -> memref<512xf32, #tpu.memory_space<hbm>>
      %dma_wait3A_2290 = arith.constant 0 : i32
      %dma_wait3A_2291 = tpu.memref_slice %arg7[%run_scoped3A, %dma_wait3A_2290] : memref<6x512xf32, #tpu.memory_space<vmem>> -> memref<1x512xf32, #tpu.memory_space<vmem>>
      %dma_wait3A_2292 = tpu.memref_squeeze %dma_wait3A_2291 : memref<1x512xf32, #tpu.memory_space<vmem>> -> memref<512xf32, #tpu.memory_space<vmem>>
      tpu.wait_dma2 semaphore(%run_scoped3A_2272 : memref<!tpu.dma_semaphore, #tpu.memory_space<semaphore_mem>>) src(%dma_wait3A_2292 : memref<512xf32, #tpu.memory_space<vmem>>) dst(%dma_wait3A_2289 : memref<512xf32, #tpu.memory_space<hbm>>)
      tpu.yield
    }) : () -> ()
    %run_scoped3A_2262 = arith.constant 1 : i32
    %run_scoped3A_2263 = arith.constant 1 : i32
    "tpu.region"() ({
      %run_scoped3A_2272 = tpu.sem_alloc : memref<!tpu.dma_semaphore, #tpu.memory_space<semaphore_mem>>
      %dma_start3A_2273 = arith.constant 0 : i32
      %dma_start3A_2274 = tpu.memref_slice %arg7[%run_scoped3A_2262, %dma_start3A_2273] : memref<6x512xf32, #tpu.memory_space<vmem>> -> memref<1x512xf32, #tpu.memory_space<vmem>>
      %dma_start3A_2275 = tpu.memref_squeeze %dma_start3A_2274 : memref<1x512xf32, #tpu.memory_space<vmem>> -> memref<512xf32, #tpu.memory_space<vmem>>
      %dma_start3A_2276 = tpu.memref_slice %arg4[%run_scoped3A_2263, %mul3A_2] : memref<6x16384xf32, #tpu.memory_space<hbm>> -> memref<1x512xf32, #tpu.memory_space<hbm>>
      %dma_start3A_2277 = tpu.memref_squeeze %dma_start3A_2276 : memref<1x512xf32, #tpu.memory_space<hbm>> -> memref<512xf32, #tpu.memory_space<hbm>>
      %dma_start3A_2278 = tpu.memref_slice %arg4[%run_scoped3A_2263, %mul3A_2] : memref<6x16384xf32, #tpu.memory_space<hbm>> -> memref<1x512xf32, #tpu.memory_space<hbm>>
      %dma_start3A_2279 = tpu.memref_squeeze %dma_start3A_2278 : memref<1x512xf32, #tpu.memory_space<hbm>> -> memref<512xf32, #tpu.memory_space<hbm>>
      %dma_start3A_2280 = arith.constant 0 : i32
      %dma_start3A_2281 = tpu.memref_slice %arg7[%run_scoped3A_2262, %dma_start3A_2280] : memref<6x512xf32, #tpu.memory_space<vmem>> -> memref<1x512xf32, #tpu.memory_space<vmem>>
      %dma_start3A_2282 = tpu.memref_squeeze %dma_start3A_2281 : memref<1x512xf32, #tpu.memory_space<vmem>> -> memref<512xf32, #tpu.memory_space<vmem>>
      tpu.enqueue_dma source(%dma_start3A_2282 : memref<512xf32, #tpu.memory_space<vmem>>) target(%dma_start3A_2279 : memref<512xf32, #tpu.memory_space<hbm>>) target_semaphore(%run_scoped3A_2272 : memref<!tpu.dma_semaphore, #tpu.memory_space<semaphore_mem>>)
      %dma_wait3A_2283 = arith.constant 0 : i32
      %dma_wait3A_2284 = tpu.memref_slice %arg7[%run_scoped3A_2262, %dma_wait3A_2283] : memref<6x512xf32, #tpu.memory_space<vmem>> -> memref<1x512xf32, #tpu.memory_space<vmem>>
      %dma_wait3A_2285 = tpu.memref_squeeze %dma_wait3A_2284 : memref<1x512xf32, #tpu.memory_space<vmem>> -> memref<512xf32, #tpu.memory_space<vmem>>
      %dma_wait3A_2286 = tpu.memref_slice %arg4[%run_scoped3A_2263, %mul3A_2] : memref<6x16384xf32, #tpu.memory_space<hbm>> -> memref<1x512xf32, #tpu.memory_space<hbm>>
      %dma_wait3A_2287 = tpu.memref_squeeze %dma_wait3A_2286 : memref<1x512xf32, #tpu.memory_space<hbm>> -> memref<512xf32, #tpu.memory_space<hbm>>
      %dma_wait3A_2288 = tpu.memref_slice %arg4[%run_scoped3A_2263, %mul3A_2] : memref<6x16384xf32, #tpu.memory_space<hbm>> -> memref<1x512xf32, #tpu.memory_space<hbm>>
      %dma_wait3A_2289 = tpu.memref_squeeze %dma_wait3A_2288 : memref<1x512xf32, #tpu.memory_space<hbm>> -> memref<512xf32, #tpu.memory_space<hbm>>
      %dma_wait3A_2290 = arith.constant 0 : i32
      %dma_wait3A_2291 = tpu.memref_slice %arg7[%run_scoped3A_2262, %dma_wait3A_2290] : memref<6x512xf32, #tpu.memory_space<vmem>> -> memref<1x512xf32, #tpu.memory_space<vmem>>
      %dma_wait3A_2292 = tpu.memref_squeeze %dma_wait3A_2291 : memref<1x512xf32, #tpu.memory_space<vmem>> -> memref<512xf32, #tpu.memory_space<vmem>>
      tpu.wait_dma2 semaphore(%run_scoped3A_2272 : memref<!tpu.dma_semaphore, #tpu.memory_space<semaphore_mem>>) src(%dma_wait3A_2292 : memref<512xf32, #tpu.memory_space<vmem>>) dst(%dma_wait3A_2289 : memref<512xf32, #tpu.memory_space<hbm>>)
      tpu.yield
    }) : () -> ()
    %run_scoped3A_2264 = arith.constant 2 : i32
    %run_scoped3A_2265 = arith.constant 2 : i32
    "tpu.region"() ({
      %run_scoped3A_2272 = tpu.sem_alloc : memref<!tpu.dma_semaphore, #tpu.memory_space<semaphore_mem>>
      %dma_start3A_2273 = arith.constant 0 : i32
      %dma_start3A_2274 = tpu.memref_slice %arg7[%run_scoped3A_2264, %dma_start3A_2273] : memref<6x512xf32, #tpu.memory_space<vmem>> -> memref<1x512xf32, #tpu.memory_space<vmem>>
      %dma_start3A_2275 = tpu.memref_squeeze %dma_start3A_2274 : memref<1x512xf32, #tpu.memory_space<vmem>> -> memref<512xf32, #tpu.memory_space<vmem>>
      %dma_start3A_2276 = tpu.memref_slice %arg4[%run_scoped3A_2265, %mul3A_2] : memref<6x16384xf32, #tpu.memory_space<hbm>> -> memref<1x512xf32, #tpu.memory_space<hbm>>
      %dma_start3A_2277 = tpu.memref_squeeze %dma_start3A_2276 : memref<1x512xf32, #tpu.memory_space<hbm>> -> memref<512xf32, #tpu.memory_space<hbm>>
      %dma_start3A_2278 = tpu.memref_slice %arg4[%run_scoped3A_2265, %mul3A_2] : memref<6x16384xf32, #tpu.memory_space<hbm>> -> memref<1x512xf32, #tpu.memory_space<hbm>>
      %dma_start3A_2279 = tpu.memref_squeeze %dma_start3A_2278 : memref<1x512xf32, #tpu.memory_space<hbm>> -> memref<512xf32, #tpu.memory_space<hbm>>
      %dma_start3A_2280 = arith.constant 0 : i32
      %dma_start3A_2281 = tpu.memref_slice %arg7[%run_scoped3A_2264, %dma_start3A_2280] : memref<6x512xf32, #tpu.memory_space<vmem>> -> memref<1x512xf32, #tpu.memory_space<vmem>>
      %dma_start3A_2282 = tpu.memref_squeeze %dma_start3A_2281 : memref<1x512xf32, #tpu.memory_space<vmem>> -> memref<512xf32, #tpu.memory_space<vmem>>
      tpu.enqueue_dma source(%dma_start3A_2282 : memref<512xf32, #tpu.memory_space<vmem>>) target(%dma_start3A_2279 : memref<512xf32, #tpu.memory_space<hbm>>) target_semaphore(%run_scoped3A_2272 : memref<!tpu.dma_semaphore, #tpu.memory_space<semaphore_mem>>)
      %dma_wait3A_2283 = arith.constant 0 : i32
      %dma_wait3A_2284 = tpu.memref_slice %arg7[%run_scoped3A_2264, %dma_wait3A_2283] : memref<6x512xf32, #tpu.memory_space<vmem>> -> memref<1x512xf32, #tpu.memory_space<vmem>>
      %dma_wait3A_2285 = tpu.memref_squeeze %dma_wait3A_2284 : memref<1x512xf32, #tpu.memory_space<vmem>> -> memref<512xf32, #tpu.memory_space<vmem>>
      %dma_wait3A_2286 = tpu.memref_slice %arg4[%run_scoped3A_2265, %mul3A_2] : memref<6x16384xf32, #tpu.memory_space<hbm>> -> memref<1x512xf32, #tpu.memory_space<hbm>>
      %dma_wait3A_2287 = tpu.memref_squeeze %dma_wait3A_2286 : memref<1x512xf32, #tpu.memory_space<hbm>> -> memref<512xf32, #tpu.memory_space<hbm>>
      %dma_wait3A_2288 = tpu.memref_slice %arg4[%run_scoped3A_2265, %mul3A_2] : memref<6x16384xf32, #tpu.memory_space<hbm>> -> memref<1x512xf32, #tpu.memory_space<hbm>>
      %dma_wait3A_2289 = tpu.memref_squeeze %dma_wait3A_2288 : memref<1x512xf32, #tpu.memory_space<hbm>> -> memref<512xf32, #tpu.memory_space<hbm>>
      %dma_wait3A_2290 = arith.constant 0 : i32
      %dma_wait3A_2291 = tpu.memref_slice %arg7[%run_scoped3A_2264, %dma_wait3A_2290] : memref<6x512xf32, #tpu.memory_space<vmem>> -> memref<1x512xf32, #tpu.memory_space<vmem>>
      %dma_wait3A_2292 = tpu.memref_squeeze %dma_wait3A_2291 : memref<1x512xf32, #tpu.memory_space<vmem>> -> memref<512xf32, #tpu.memory_space<vmem>>
      tpu.wait_dma2 semaphore(%run_scoped3A_2272 : memref<!tpu.dma_semaphore, #tpu.memory_space<semaphore_mem>>) src(%dma_wait3A_2292 : memref<512xf32, #tpu.memory_space<vmem>>) dst(%dma_wait3A_2289 : memref<512xf32, #tpu.memory_space<hbm>>)
      tpu.yield
    }) : () -> ()
    %run_scoped3A_2266 = arith.constant 3 : i32
    %run_scoped3A_2267 = arith.constant 3 : i32
    "tpu.region"() ({
      %run_scoped3A_2272 = tpu.sem_alloc : memref<!tpu.dma_semaphore, #tpu.memory_space<semaphore_mem>>
      %dma_start3A_2273 = arith.constant 0 : i32
      %dma_start3A_2274 = tpu.memref_slice %arg7[%run_scoped3A_2266, %dma_start3A_2273] : memref<6x512xf32, #tpu.memory_space<vmem>> -> memref<1x512xf32, #tpu.memory_space<vmem>>
      %dma_start3A_2275 = tpu.memref_squeeze %dma_start3A_2274 : memref<1x512xf32, #tpu.memory_space<vmem>> -> memref<512xf32, #tpu.memory_space<vmem>>
      %dma_start3A_2276 = tpu.memref_slice %arg4[%run_scoped3A_2267, %mul3A_2] : memref<6x16384xf32, #tpu.memory_space<hbm>> -> memref<1x512xf32, #tpu.memory_space<hbm>>
      %dma_start3A_2277 = tpu.memref_squeeze %dma_start3A_2276 : memref<1x512xf32, #tpu.memory_space<hbm>> -> memref<512xf32, #tpu.memory_space<hbm>>
      %dma_start3A_2278 = tpu.memref_slice %arg4[%run_scoped3A_2267, %mul3A_2] : memref<6x16384xf32, #tpu.memory_space<hbm>> -> memref<1x512xf32, #tpu.memory_space<hbm>>
      %dma_start3A_2279 = tpu.memref_squeeze %dma_start3A_2278 : memref<1x512xf32, #tpu.memory_space<hbm>> -> memref<512xf32, #tpu.memory_space<hbm>>
      %dma_start3A_2280 = arith.constant 0 : i32
      %dma_start3A_2281 = tpu.memref_slice %arg7[%run_scoped3A_2266, %dma_start3A_2280] : memref<6x512xf32, #tpu.memory_space<vmem>> -> memref<1x512xf32, #tpu.memory_space<vmem>>
      %dma_start3A_2282 = tpu.memref_squeeze %dma_start3A_2281 : memref<1x512xf32, #tpu.memory_space<vmem>> -> memref<512xf32, #tpu.memory_space<vmem>>
      tpu.enqueue_dma source(%dma_start3A_2282 : memref<512xf32, #tpu.memory_space<vmem>>) target(%dma_start3A_2279 : memref<512xf32, #tpu.memory_space<hbm>>) target_semaphore(%run_scoped3A_2272 : memref<!tpu.dma_semaphore, #tpu.memory_space<semaphore_mem>>)
      %dma_wait3A_2283 = arith.constant 0 : i32
      %dma_wait3A_2284 = tpu.memref_slice %arg7[%run_scoped3A_2266, %dma_wait3A_2283] : memref<6x512xf32, #tpu.memory_space<vmem>> -> memref<1x512xf32, #tpu.memory_space<vmem>>
      %dma_wait3A_2285 = tpu.memref_squeeze %dma_wait3A_2284 : memref<1x512xf32, #tpu.memory_space<vmem>> -> memref<512xf32, #tpu.memory_space<vmem>>
      %dma_wait3A_2286 = tpu.memref_slice %arg4[%run_scoped3A_2267, %mul3A_2] : memref<6x16384xf32, #tpu.memory_space<hbm>> -> memref<1x512xf32, #tpu.memory_space<hbm>>
      %dma_wait3A_2287 = tpu.memref_squeeze %dma_wait3A_2286 : memref<1x512xf32, #tpu.memory_space<hbm>> -> memref<512xf32, #tpu.memory_space<hbm>>
      %dma_wait3A_2288 = tpu.memref_slice %arg4[%run_scoped3A_2267, %mul3A_2] : memref<6x16384xf32, #tpu.memory_space<hbm>> -> memref<1x512xf32, #tpu.memory_space<hbm>>
      %dma_wait3A_2289 = tpu.memref_squeeze %dma_wait3A_2288 : memref<1x512xf32, #tpu.memory_space<hbm>> -> memref<512xf32, #tpu.memory_space<hbm>>
      %dma_wait3A_2290 = arith.constant 0 : i32
      %dma_wait3A_2291 = tpu.memref_slice %arg7[%run_scoped3A_2266, %dma_wait3A_2290] : memref<6x512xf32, #tpu.memory_space<vmem>> -> memref<1x512xf32, #tpu.memory_space<vmem>>
      %dma_wait3A_2292 = tpu.memref_squeeze %dma_wait3A_2291 : memref<1x512xf32, #tpu.memory_space<vmem>> -> memref<512xf32, #tpu.memory_space<vmem>>
      tpu.wait_dma2 semaphore(%run_scoped3A_2272 : memref<!tpu.dma_semaphore, #tpu.memory_space<semaphore_mem>>) src(%dma_wait3A_2292 : memref<512xf32, #tpu.memory_space<vmem>>) dst(%dma_wait3A_2289 : memref<512xf32, #tpu.memory_space<hbm>>)
      tpu.yield
    }) : () -> ()
    %run_scoped3A_2268 = arith.constant 4 : i32
    %run_scoped3A_2269 = arith.constant 4 : i32
    "tpu.region"() ({
      %run_scoped3A_2272 = tpu.sem_alloc : memref<!tpu.dma_semaphore, #tpu.memory_space<semaphore_mem>>
      %dma_start3A_2273 = arith.constant 0 : i32
      %dma_start3A_2274 = tpu.memref_slice %arg7[%run_scoped3A_2268, %dma_start3A_2273] : memref<6x512xf32, #tpu.memory_space<vmem>> -> memref<1x512xf32, #tpu.memory_space<vmem>>
      %dma_start3A_2275 = tpu.memref_squeeze %dma_start3A_2274 : memref<1x512xf32, #tpu.memory_space<vmem>> -> memref<512xf32, #tpu.memory_space<vmem>>
      %dma_start3A_2276 = tpu.memref_slice %arg4[%run_scoped3A_2269, %mul3A_2] : memref<6x16384xf32, #tpu.memory_space<hbm>> -> memref<1x512xf32, #tpu.memory_space<hbm>>
      %dma_start3A_2277 = tpu.memref_squeeze %dma_start3A_2276 : memref<1x512xf32, #tpu.memory_space<hbm>> -> memref<512xf32, #tpu.memory_space<hbm>>
      %dma_start3A_2278 = tpu.memref_slice %arg4[%run_scoped3A_2269, %mul3A_2] : memref<6x16384xf32, #tpu.memory_space<hbm>> -> memref<1x512xf32, #tpu.memory_space<hbm>>
      %dma_start3A_2279 = tpu.memref_squeeze %dma_start3A_2278 : memref<1x512xf32, #tpu.memory_space<hbm>> -> memref<512xf32, #tpu.memory_space<hbm>>
      %dma_start3A_2280 = arith.constant 0 : i32
      %dma_start3A_2281 = tpu.memref_slice %arg7[%run_scoped3A_2268, %dma_start3A_2280] : memref<6x512xf32, #tpu.memory_space<vmem>> -> memref<1x512xf32, #tpu.memory_space<vmem>>
      %dma_start3A_2282 = tpu.memref_squeeze %dma_start3A_2281 : memref<1x512xf32, #tpu.memory_space<vmem>> -> memref<512xf32, #tpu.memory_space<vmem>>
      tpu.enqueue_dma source(%dma_start3A_2282 : memref<512xf32, #tpu.memory_space<vmem>>) target(%dma_start3A_2279 : memref<512xf32, #tpu.memory_space<hbm>>) target_semaphore(%run_scoped3A_2272 : memref<!tpu.dma_semaphore, #tpu.memory_space<semaphore_mem>>)
      %dma_wait3A_2283 = arith.constant 0 : i32
      %dma_wait3A_2284 = tpu.memref_slice %arg7[%run_scoped3A_2268, %dma_wait3A_2283] : memref<6x512xf32, #tpu.memory_space<vmem>> -> memref<1x512xf32, #tpu.memory_space<vmem>>
      %dma_wait3A_2285 = tpu.memref_squeeze %dma_wait3A_2284 : memref<1x512xf32, #tpu.memory_space<vmem>> -> memref<512xf32, #tpu.memory_space<vmem>>
      %dma_wait3A_2286 = tpu.memref_slice %arg4[%run_scoped3A_2269, %mul3A_2] : memref<6x16384xf32, #tpu.memory_space<hbm>> -> memref<1x512xf32, #tpu.memory_space<hbm>>
      %dma_wait3A_2287 = tpu.memref_squeeze %dma_wait3A_2286 : memref<1x512xf32, #tpu.memory_space<hbm>> -> memref<512xf32, #tpu.memory_space<hbm>>
      %dma_wait3A_2288 = tpu.memref_slice %arg4[%run_scoped3A_2269, %mul3A_2] : memref<6x16384xf32, #tpu.memory_space<hbm>> -> memref<1x512xf32, #tpu.memory_space<hbm>>
      %dma_wait3A_2289 = tpu.memref_squeeze %dma_wait3A_2288 : memref<1x512xf32, #tpu.memory_space<hbm>> -> memref<512xf32, #tpu.memory_space<hbm>>
      %dma_wait3A_2290 = arith.constant 0 : i32
      %dma_wait3A_2291 = tpu.memref_slice %arg7[%run_scoped3A_2268, %dma_wait3A_2290] : memref<6x512xf32, #tpu.memory_space<vmem>> -> memref<1x512xf32, #tpu.memory_space<vmem>>
      %dma_wait3A_2292 = tpu.memref_squeeze %dma_wait3A_2291 : memref<1x512xf32, #tpu.memory_space<vmem>> -> memref<512xf32, #tpu.memory_space<vmem>>
      tpu.wait_dma2 semaphore(%run_scoped3A_2272 : memref<!tpu.dma_semaphore, #tpu.memory_space<semaphore_mem>>) src(%dma_wait3A_2292 : memref<512xf32, #tpu.memory_space<vmem>>) dst(%dma_wait3A_2289 : memref<512xf32, #tpu.memory_space<hbm>>)
      tpu.yield
    }) : () -> ()
    %run_scoped3A_2270 = arith.constant 5 : i32
    %run_scoped3A_2271 = arith.constant 5 : i32
    "tpu.region"() ({
      %run_scoped3A_2272 = tpu.sem_alloc : memref<!tpu.dma_semaphore, #tpu.memory_space<semaphore_mem>>
      %dma_start3A_2273 = arith.constant 0 : i32
      %dma_start3A_2274 = tpu.memref_slice %arg7[%run_scoped3A_2270, %dma_start3A_2273] : memref<6x512xf32, #tpu.memory_space<vmem>> -> memref<1x512xf32, #tpu.memory_space<vmem>>
      %dma_start3A_2275 = tpu.memref_squeeze %dma_start3A_2274 : memref<1x512xf32, #tpu.memory_space<vmem>> -> memref<512xf32, #tpu.memory_space<vmem>>
      %dma_start3A_2276 = tpu.memref_slice %arg4[%run_scoped3A_2271, %mul3A_2] : memref<6x16384xf32, #tpu.memory_space<hbm>> -> memref<1x512xf32, #tpu.memory_space<hbm>>
      %dma_start3A_2277 = tpu.memref_squeeze %dma_start3A_2276 : memref<1x512xf32, #tpu.memory_space<hbm>> -> memref<512xf32, #tpu.memory_space<hbm>>
      %dma_start3A_2278 = tpu.memref_slice %arg4[%run_scoped3A_2271, %mul3A_2] : memref<6x16384xf32, #tpu.memory_space<hbm>> -> memref<1x512xf32, #tpu.memory_space<hbm>>
      %dma_start3A_2279 = tpu.memref_squeeze %dma_start3A_2278 : memref<1x512xf32, #tpu.memory_space<hbm>> -> memref<512xf32, #tpu.memory_space<hbm>>
      %dma_start3A_2280 = arith.constant 0 : i32
      %dma_start3A_2281 = tpu.memref_slice %arg7[%run_scoped3A_2270, %dma_start3A_2280] : memref<6x512xf32, #tpu.memory_space<vmem>> -> memref<1x512xf32, #tpu.memory_space<vmem>>
      %dma_start3A_2282 = tpu.memref_squeeze %dma_start3A_2281 : memref<1x512xf32, #tpu.memory_space<vmem>> -> memref<512xf32, #tpu.memory_space<vmem>>
      tpu.enqueue_dma source(%dma_start3A_2282 : memref<512xf32, #tpu.memory_space<vmem>>) target(%dma_start3A_2279 : memref<512xf32, #tpu.memory_space<hbm>>) target_semaphore(%run_scoped3A_2272 : memref<!tpu.dma_semaphore, #tpu.memory_space<semaphore_mem>>)
      %dma_wait3A_2283 = arith.constant 0 : i32
      %dma_wait3A_2284 = tpu.memref_slice %arg7[%run_scoped3A_2270, %dma_wait3A_2283] : memref<6x512xf32, #tpu.memory_space<vmem>> -> memref<1x512xf32, #tpu.memory_space<vmem>>
      %dma_wait3A_2285 = tpu.memref_squeeze %dma_wait3A_2284 : memref<1x512xf32, #tpu.memory_space<vmem>> -> memref<512xf32, #tpu.memory_space<vmem>>
      %dma_wait3A_2286 = tpu.memref_slice %arg4[%run_scoped3A_2271, %mul3A_2] : memref<6x16384xf32, #tpu.memory_space<hbm>> -> memref<1x512xf32, #tpu.memory_space<hbm>>
      %dma_wait3A_2287 = tpu.memref_squeeze %dma_wait3A_2286 : memref<1x512xf32, #tpu.memory_space<hbm>> -> memref<512xf32, #tpu.memory_space<hbm>>
      %dma_wait3A_2288 = tpu.memref_slice %arg4[%run_scoped3A_2271, %mul3A_2] : memref<6x16384xf32, #tpu.memory_space<hbm>> -> memref<1x512xf32, #tpu.memory_space<hbm>>
      %dma_wait3A_2289 = tpu.memref_squeeze %dma_wait3A_2288 : memref<1x512xf32, #tpu.memory_space<hbm>> -> memref<512xf32, #tpu.memory_space<hbm>>
      %dma_wait3A_2290 = arith.constant 0 : i32
      %dma_wait3A_2291 = tpu.memref_slice %arg7[%run_scoped3A_2270, %dma_wait3A_2290] : memref<6x512xf32, #tpu.memory_space<vmem>> -> memref<1x512xf32, #tpu.memory_space<vmem>>
      %dma_wait3A_2292 = tpu.memref_squeeze %dma_wait3A_2291 : memref<1x512xf32, #tpu.memory_space<vmem>> -> memref<512xf32, #tpu.memory_space<vmem>>
      tpu.wait_dma2 semaphore(%run_scoped3A_2272 : memref<!tpu.dma_semaphore, #tpu.memory_space<semaphore_mem>>) src(%dma_wait3A_2292 : memref<512xf32, #tpu.memory_space<vmem>>) dst(%dma_wait3A_2289 : memref<512xf32, #tpu.memory_space<hbm>>)
      tpu.yield
    }) : () -> ()
    return
  }
}

module attributes {stable_mosaic.version = 14 : i64} {
  func.func @_repack_body(%arg0: i32, %arg1: memref<6x76928xf32, #tpu.memory_space<vmem>>, %arg2: memref<4808x128xf32, #tpu.memory_space<vmem>>) attributes {dimension_semantics = [#tpu.dimension_semantics<arbitrary>], iteration_bounds = array<i64: 13>, scalar_prefetch = 0 : i64, scratch_operands = 0 : i64, tpu.core_type = #tpu.core_type<tc>, window_params = [{transform_indices = @transform_0, window_bounds = array<i64: 6, 76928>}, {transform_indices = @transform_1, window_bounds = array<i64: 4808, 128>}]} {
    %get3A = arith.constant 0 : index
    %get3A_0 = arith.constant 0 : index
    %get3A_1 = vector.load %arg1[%get3A, %get3A_0] : memref<6x76928xf32, #tpu.memory_space<vmem>>, vector<6x76928xf32>
    %reshape3A = vector.shape_cast %get3A_1 : vector<6x76928xf32> to vector<6x601x128xf32>
    %transpose3A = tpu.transpose %reshape3A, [1, 0, 2] : vector<6x601x128xf32> -> vector<601x6x128xf32>
    %broadcast_in_dim3A = arith.constant 0.000000e+00 : f32
    %broadcast_in_dim3A_2 = vector.broadcast %broadcast_in_dim3A : f32 to vector<601x2x128xf32>
    %concatenate3A = tpu.concatenate %transpose3A, %broadcast_in_dim3A_2 in 1 : vector<601x6x128xf32>, vector<601x2x128xf32> -> vector<601x8x128xf32>
    %reshape3A_3 = vector.shape_cast %concatenate3A : vector<601x8x128xf32> to vector<4808x128xf32>
    %swap3A = arith.constant 0 : index
    %swap3A_4 = arith.constant 0 : index
    %swap3A_5 = vector.load %arg2[%swap3A, %swap3A_4] : memref<4808x128xf32, #tpu.memory_space<vmem>>, vector<4808x128xf32>
    tpu.vector_store %arg2[%swap3A, %swap3A_4], %reshape3A_3 {strides = array<i32>} : memref<4808x128xf32, #tpu.memory_space<vmem>>, vector<4808x128xf32>,
    return
  }
  func.func @transform_0(%arg0: i32) -> (i32, i32) {
    %c0_i32 = arith.constant 0 : i32
    %c0_i32_0 = arith.constant 0 : i32
    return %c0_i32, %arg0 : i32, i32
  }
  func.func @transform_1(%arg0: i32) -> (i32, i32) {
    %c0_i32 = arith.constant 0 : i32
    %c0_i32_0 = arith.constant 0 : i32
    return %arg0, %c0_i32 : i32, i32
  }
}

module attributes {stable_mosaic.version = 14 : i64} {
  func.func @_expmap_body(%arg0: memref<6x128x128xf32, #tpu.memory_space<vmem>>, %arg1: memref<12x128x128xf32, #tpu.memory_space<vmem>>) attributes {dimension_semantics = [], scalar_prefetch = 0 : i64, scratch_operands = 0 : i64, tpu.core_type = #tpu.core_type<tc>} {
    %get3A = arith.constant 0 : index
    %get3A_0 = arith.constant 0 : index
    %get3A_1 = arith.constant 0 : index
    %get3A_2 = vector.load %arg0[%get3A, %get3A_0, %get3A_1] : memref<6x128x128xf32, #tpu.memory_space<vmem>>, vector<1x128x128xf32>
    %get3A_3 = vector.shape_cast %get3A_2 : vector<1x128x128xf32> to vector<128x128xf32>
    %get3A_4 = arith.constant 1 : index
    %get3A_5 = arith.constant 0 : index
    %get3A_6 = arith.constant 0 : index
    %get3A_7 = vector.load %arg0[%get3A_4, %get3A_5, %get3A_6] : memref<6x128x128xf32, #tpu.memory_space<vmem>>, vector<1x128x128xf32>
    %get3A_8 = vector.shape_cast %get3A_7 : vector<1x128x128xf32> to vector<128x128xf32>
    %get3A_9 = arith.constant 2 : index
    %get3A_10 = arith.constant 0 : index
    %get3A_11 = arith.constant 0 : index
    %get3A_12 = vector.load %arg0[%get3A_9, %get3A_10, %get3A_11] : memref<6x128x128xf32, #tpu.memory_space<vmem>>, vector<1x128x128xf32>
    %get3A_13 = vector.shape_cast %get3A_12 : vector<1x128x128xf32> to vector<128x128xf32>
    %get3A_14 = arith.constant 3 : index
    %get3A_15 = arith.constant 0 : index
    %get3A_16 = arith.constant 0 : index
    %get3A_17 = vector.load %arg0[%get3A_14, %get3A_15, %get3A_16] : memref<6x128x128xf32, #tpu.memory_space<vmem>>, vector<1x128x128xf32>
    %get3A_18 = vector.shape_cast %get3A_17 : vector<1x128x128xf32> to vector<128x128xf32>
    %get3A_19 = arith.constant 4 : index
    %get3A_20 = arith.constant 0 : index
    %get3A_21 = arith.constant 0 : index
    %get3A_22 = vector.load %arg0[%get3A_19, %get3A_20, %get3A_21] : memref<6x128x128xf32, #tpu.memory_space<vmem>>, vector<1x128x128xf32>
    %get3A_23 = vector.shape_cast %get3A_22 : vector<1x128x128xf32> to vector<128x128xf32>
    %get3A_24 = arith.constant 5 : index
    %get3A_25 = arith.constant 0 : index
    %get3A_26 = arith.constant 0 : index
    %get3A_27 = vector.load %arg0[%get3A_24, %get3A_25, %get3A_26] : memref<6x128x128xf32, #tpu.memory_space<vmem>>, vector<1x128x128xf32>
    %get3A_28 = vector.shape_cast %get3A_27 : vector<1x128x128xf32> to vector<128x128xf32>
    %mul3A = arith.mulf %get3A_18, %get3A_18 : vector<128x128xf32>
    %mul3A_29 = arith.mulf %get3A_23, %get3A_23 : vector<128x128xf32>
    %add3A = arith.addf %mul3A, %mul3A_29 : vector<128x128xf32>
    %mul3A_30 = arith.mulf %get3A_28, %get3A_28 : vector<128x128xf32>
    %add3A_31 = arith.addf %add3A, %mul3A_30 : vector<128x128xf32>
    %max3A = arith.constant 9.99999974E-5 : f32
    %max3A_32 = vector.broadcast %max3A : f32 to vector<128x128xf32>
    %max3A_33 = arith.maximumf %add3A_31, %max3A_32 : vector<128x128xf32>
    %sqrt3A = math.sqrt %max3A_33 : vector<128x128xf32>
    %div3A = arith.constant 1.000000e+00 : f32
    %div3A_34 = vector.broadcast %div3A : f32 to vector<128x128xf32>
    %div3A_35 = arith.divf %div3A_34, %sqrt3A : vector<128x128xf32>
    %sin3A = math.sin %sqrt3A : vector<128x128xf32>
    %mul3A_36 = arith.mulf %div3A_35, %sin3A : vector<128x128xf32>
    %mul3A_37 = arith.mulf %div3A_35, %div3A_35 : vector<128x128xf32>
    %cos3A = math.cos %sqrt3A : vector<128x128xf32>
    %sub3A = arith.constant 1.000000e+00 : f32
    %sub3A_38 = vector.broadcast %sub3A : f32 to vector<128x128xf32>
    %sub3A_39 = arith.subf %sub3A_38, %cos3A : vector<128x128xf32>
    %mul3A_40 = arith.mulf %mul3A_37, %sub3A_39 : vector<128x128xf32>
    %mul3A_41 = arith.mulf %get3A_18, %get3A_18 : vector<128x128xf32>
    %mul3A_42 = arith.mulf %get3A_23, %get3A_23 : vector<128x128xf32>
    %mul3A_43 = arith.mulf %get3A_28, %get3A_28 : vector<128x128xf32>
    %mul3A_44 = arith.mulf %get3A_18, %get3A_23 : vector<128x128xf32>
    %mul3A_45 = arith.mulf %get3A_18, %get3A_28 : vector<128x128xf32>
    %mul3A_46 = arith.mulf %get3A_23, %get3A_28 : vector<128x128xf32>
    %sub3A_47 = arith.subf %mul3A_41, %add3A_31 : vector<128x128xf32>
    %mul3A_48 = arith.mulf %mul3A_40, %sub3A_47 : vector<128x128xf32>
    %add3A_49 = arith.constant 1.000000e+00 : f32
    %add3A_50 = vector.broadcast %add3A_49 : f32 to vector<128x128xf32>
    %add3A_51 = arith.addf %add3A_50, %mul3A_48 : vector<128x128xf32>
    %swap3A = arith.constant 0 : index
    %swap3A_52 = arith.constant 0 : index
    %swap3A_53 = arith.constant 0 : index
    %swap3A_54 = vector.load %arg1[%swap3A, %swap3A_52, %swap3A_53] : memref<12x128x128xf32, #tpu.memory_space<vmem>>, vector<1x128x128xf32>
    %swap3A_55 = vector.shape_cast %swap3A_54 : vector<1x128x128xf32> to vector<128x128xf32>
    %swap3A_56 = vector.shape_cast %add3A_51 : vector<128x128xf32> to vector<1x128x128xf32>
    tpu.vector_store %arg1[%swap3A, %swap3A_52, %swap3A_53], %swap3A_56 {strides = array<i32>} : memref<12x128x128xf32, #tpu.memory_space<vmem>>, vector<1x128x128xf32>,
    %mul3A_57 = arith.mulf %mul3A_40, %mul3A_44 : vector<128x128xf32>
    %mul3A_58 = arith.mulf %mul3A_36, %get3A_28 : vector<128x128xf32>
    %sub3A_59 = arith.subf %mul3A_57, %mul3A_58 : vector<128x128xf32>
    %swap3A_60 = arith.constant 1 : index
    %swap3A_61 = arith.constant 0 : index
    %swap3A_62 = arith.constant 0 : index
    %swap3A_63 = vector.load %arg1[%swap3A_60, %swap3A_61, %swap3A_62] : memref<12x128x128xf32, #tpu.memory_space<vmem>>, vector<1x128x128xf32>
    %swap3A_64 = vector.shape_cast %swap3A_63 : vector<1x128x128xf32> to vector<128x128xf32>
    %swap3A_65 = vector.shape_cast %sub3A_59 : vector<128x128xf32> to vector<1x128x128xf32>
    tpu.vector_store %arg1[%swap3A_60, %swap3A_61, %swap3A_62], %swap3A_65 {strides = array<i32>} : memref<12x128x128xf32, #tpu.memory_space<vmem>>, vector<1x128x128xf32>,
    %mul3A_66 = arith.mulf %mul3A_40, %mul3A_45 : vector<128x128xf32>
    %mul3A_67 = arith.mulf %mul3A_36, %get3A_23 : vector<128x128xf32>
    %add3A_68 = arith.addf %mul3A_66, %mul3A_67 : vector<128x128xf32>
    %swap3A_69 = arith.constant 2 : index
    %swap3A_70 = arith.constant 0 : index
    %swap3A_71 = arith.constant 0 : index
    %swap3A_72 = vector.load %arg1[%swap3A_69, %swap3A_70, %swap3A_71] : memref<12x128x128xf32, #tpu.memory_space<vmem>>, vector<1x128x128xf32>
    %swap3A_73 = vector.shape_cast %swap3A_72 : vector<1x128x128xf32> to vector<128x128xf32>
    %swap3A_74 = vector.shape_cast %add3A_68 : vector<128x128xf32> to vector<1x128x128xf32>
    tpu.vector_store %arg1[%swap3A_69, %swap3A_70, %swap3A_71], %swap3A_74 {strides = array<i32>} : memref<12x128x128xf32, #tpu.memory_space<vmem>>, vector<1x128x128xf32>,
    %swap3A_75 = arith.constant 3 : index
    %swap3A_76 = arith.constant 0 : index
    %swap3A_77 = arith.constant 0 : index
    %swap3A_78 = vector.load %arg1[%swap3A_75, %swap3A_76, %swap3A_77] : memref<12x128x128xf32, #tpu.memory_space<vmem>>, vector<1x128x128xf32>
    %swap3A_79 = vector.shape_cast %swap3A_78 : vector<1x128x128xf32> to vector<128x128xf32>
    %swap3A_80 = vector.shape_cast %get3A_3 : vector<128x128xf32> to vector<1x128x128xf32>
    tpu.vector_store %arg1[%swap3A_75, %swap3A_76, %swap3A_77], %swap3A_80 {strides = array<i32>} : memref<12x128x128xf32, #tpu.memory_space<vmem>>, vector<1x128x128xf32>,
    %mul3A_81 = arith.mulf %mul3A_40, %mul3A_44 : vector<128x128xf32>
    %mul3A_82 = arith.mulf %mul3A_36, %get3A_28 : vector<128x128xf32>
    %add3A_83 = arith.addf %mul3A_81, %mul3A_82 : vector<128x128xf32>
    %swap3A_84 = arith.constant 4 : index
    %swap3A_85 = arith.constant 0 : index
    %swap3A_86 = arith.constant 0 : index
    %swap3A_87 = vector.load %arg1[%swap3A_84, %swap3A_85, %swap3A_86] : memref<12x128x128xf32, #tpu.memory_space<vmem>>, vector<1x128x128xf32>
    %swap3A_88 = vector.shape_cast %swap3A_87 : vector<1x128x128xf32> to vector<128x128xf32>
    %swap3A_89 = vector.shape_cast %add3A_83 : vector<128x128xf32> to vector<1x128x128xf32>
    tpu.vector_store %arg1[%swap3A_84, %swap3A_85, %swap3A_86], %swap3A_89 {strides = array<i32>} : memref<12x128x128xf32, #tpu.memory_space<vmem>>, vector<1x128x128xf32>,
    %sub3A_90 = arith.subf %mul3A_42, %add3A_31 : vector<128x128xf32>
    %mul3A_91 = arith.mulf %mul3A_40, %sub3A_90 : vector<128x128xf32>
    %add3A_92 = arith.constant 1.000000e+00 : f32
    %add3A_93 = vector.broadcast %add3A_92 : f32 to vector<128x128xf32>
    %add3A_94 = arith.addf %add3A_93, %mul3A_91 : vector<128x128xf32>
    %swap3A_95 = arith.constant 5 : index
    %swap3A_96 = arith.constant 0 : index
    %swap3A_97 = arith.constant 0 : index
    %swap3A_98 = vector.load %arg1[%swap3A_95, %swap3A_96, %swap3A_97] : memref<12x128x128xf32, #tpu.memory_space<vmem>>, vector<1x128x128xf32>
    %swap3A_99 = vector.shape_cast %swap3A_98 : vector<1x128x128xf32> to vector<128x128xf32>
    %swap3A_100 = vector.shape_cast %add3A_94 : vector<128x128xf32> to vector<1x128x128xf32>
    tpu.vector_store %arg1[%swap3A_95, %swap3A_96, %swap3A_97], %swap3A_100 {strides = array<i32>} : memref<12x128x128xf32, #tpu.memory_space<vmem>>, vector<1x128x128xf32>,
    %mul3A_101 = arith.mulf %mul3A_40, %mul3A_46 : vector<128x128xf32>
    %mul3A_102 = arith.mulf %mul3A_36, %get3A_18 : vector<128x128xf32>
    %sub3A_103 = arith.subf %mul3A_101, %mul3A_102 : vector<128x128xf32>
    %swap3A_104 = arith.constant 6 : index
    %swap3A_105 = arith.constant 0 : index
    %swap3A_106 = arith.constant 0 : index
    %swap3A_107 = vector.load %arg1[%swap3A_104, %swap3A_105, %swap3A_106] : memref<12x128x128xf32, #tpu.memory_space<vmem>>, vector<1x128x128xf32>
    %swap3A_108 = vector.shape_cast %swap3A_107 : vector<1x128x128xf32> to vector<128x128xf32>
    %swap3A_109 = vector.shape_cast %sub3A_103 : vector<128x128xf32> to vector<1x128x128xf32>
    tpu.vector_store %arg1[%swap3A_104, %swap3A_105, %swap3A_106], %swap3A_109 {strides = array<i32>} : memref<12x128x128xf32, #tpu.memory_space<vmem>>, vector<1x128x128xf32>,
    %swap3A_110 = arith.constant 7 : index
    %swap3A_111 = arith.constant 0 : index
    %swap3A_112 = arith.constant 0 : index
    %swap3A_113 = vector.load %arg1[%swap3A_110, %swap3A_111, %swap3A_112] : memref<12x128x128xf32, #tpu.memory_space<vmem>>, vector<1x128x128xf32>
    %swap3A_114 = vector.shape_cast %swap3A_113 : vector<1x128x128xf32> to vector<128x128xf32>
    %swap3A_115 = vector.shape_cast %get3A_8 : vector<128x128xf32> to vector<1x128x128xf32>
    tpu.vector_store %arg1[%swap3A_110, %swap3A_111, %swap3A_112], %swap3A_115 {strides = array<i32>} : memref<12x128x128xf32, #tpu.memory_space<vmem>>, vector<1x128x128xf32>,
    %mul3A_116 = arith.mulf %mul3A_40, %mul3A_45 : vector<128x128xf32>
    %mul3A_117 = arith.mulf %mul3A_36, %get3A_23 : vector<128x128xf32>
    %sub3A_118 = arith.subf %mul3A_116, %mul3A_117 : vector<128x128xf32>
    %swap3A_119 = arith.constant 8 : index
    %swap3A_120 = arith.constant 0 : index
    %swap3A_121 = arith.constant 0 : index
    %swap3A_122 = vector.load %arg1[%swap3A_119, %swap3A_120, %swap3A_121] : memref<12x128x128xf32, #tpu.memory_space<vmem>>, vector<1x128x128xf32>
    %swap3A_123 = vector.shape_cast %swap3A_122 : vector<1x128x128xf32> to vector<128x128xf32>
    %swap3A_124 = vector.shape_cast %sub3A_118 : vector<128x128xf32> to vector<1x128x128xf32>
    tpu.vector_store %arg1[%swap3A_119, %swap3A_120, %swap3A_121], %swap3A_124 {strides = array<i32>} : memref<12x128x128xf32, #tpu.memory_space<vmem>>, vector<1x128x128xf32>,
    %mul3A_125 = arith.mulf %mul3A_40, %mul3A_46 : vector<128x128xf32>
    %mul3A_126 = arith.mulf %mul3A_36, %get3A_18 : vector<128x128xf32>
    %add3A_127 = arith.addf %mul3A_125, %mul3A_126 : vector<128x128xf32>
    %swap3A_128 = arith.constant 9 : index
    %swap3A_129 = arith.constant 0 : index
    %swap3A_130 = arith.constant 0 : index
    %swap3A_131 = vector.load %arg1[%swap3A_128, %swap3A_129, %swap3A_130] : memref<12x128x128xf32, #tpu.memory_space<vmem>>, vector<1x128x128xf32>
    %swap3A_132 = vector.shape_cast %swap3A_131 : vector<1x128x128xf32> to vector<128x128xf32>
    %swap3A_133 = vector.shape_cast %add3A_127 : vector<128x128xf32> to vector<1x128x128xf32>
    tpu.vector_store %arg1[%swap3A_128, %swap3A_129, %swap3A_130], %swap3A_133 {strides = array<i32>} : memref<12x128x128xf32, #tpu.memory_space<vmem>>, vector<1x128x128xf32>,
    %sub3A_134 = arith.subf %mul3A_43, %add3A_31 : vector<128x128xf32>
    %mul3A_135 = arith.mulf %mul3A_40, %sub3A_134 : vector<128x128xf32>
    %add3A_136 = arith.constant 1.000000e+00 : f32
    %add3A_137 = vector.broadcast %add3A_136 : f32 to vector<128x128xf32>
    %add3A_138 = arith.addf %add3A_137, %mul3A_135 : vector<128x128xf32>
    %swap3A_139 = arith.constant 10 : index
    %swap3A_140 = arith.constant 0 : index
    %swap3A_141 = arith.constant 0 : index
    %swap3A_142 = vector.load %arg1[%swap3A_139, %swap3A_140, %swap3A_141] : memref<12x128x128xf32, #tpu.memory_space<vmem>>, vector<1x128x128xf32>
    %swap3A_143 = vector.shape_cast %swap3A_142 : vector<1x128x128xf32> to vector<128x128xf32>
    %swap3A_144 = vector.shape_cast %add3A_138 : vector<128x128xf32> to vector<1x128x128xf32>
    tpu.vector_store %arg1[%swap3A_139, %swap3A_140, %swap3A_141], %swap3A_144 {strides = array<i32>} : memref<12x128x128xf32, #tpu.memory_space<vmem>>, vector<1x128x128xf32>,
    %swap3A_145 = arith.constant 11 : index
    %swap3A_146 = arith.constant 0 : index
    %swap3A_147 = arith.constant 0 : index
    %swap3A_148 = vector.load %arg1[%swap3A_145, %swap3A_146, %swap3A_147] : memref<12x128x128xf32, #tpu.memory_space<vmem>>, vector<1x128x128xf32>
    %swap3A_149 = vector.shape_cast %swap3A_148 : vector<1x128x128xf32> to vector<128x128xf32>
    %swap3A_150 = vector.shape_cast %get3A_13 : vector<128x128xf32> to vector<1x128x128xf32>
    tpu.vector_store %arg1[%swap3A_145, %swap3A_146, %swap3A_147], %swap3A_150 {strides = array<i32>} : memref<12x128x128xf32, #tpu.memory_space<vmem>>, vector<1x128x128xf32>,
    return
  }
}

</mosaic_0001>

<sc_bundles>
// kernel: kernel.5.cloned.1.call-start
scs
__scs_entry_jumppad:
0x0: {  	(pc) =	sbr.rel $0x88, $3  }
0x1: {  	(tag) =	ssettag $0x0;
	lr =	simm.s32 $0x1  }
0x2: {  	[smem:$0x3F9F] =	sst lr;
	_ =	strace $0xD0000000  }
0x3: {  	_ = 	snop  }
0x4: {  	_ = 	snop  }
0x5: {  	_ = 	snop  }
0x6: {  	_ = 	snop  }
0x7: {  	_ = 	snop  }
__scs_overlays_trampoline_lowered:
0x8: {  	[smem:$0x3FAE] =	sst s0  }
0x9: {  	[smem:$0x3FAF] =	sst s1  }
0xa: {  	[smem:$0x3FB0] =	sst s2  }
0xb: {  	[smem:$0x3FB1] =	sst s3  }
0xc: {  	[smem:$0x3FB2] =	sst s4  }
0xd: {  	[smem:$0x3FB3] =	sst s5  }
0xe: {  	[smem:$0x3FB4] =	sst s6  }
0xf: {  	[smem:$0x3FB5] =	sst s7  }
0x10: {  	[smem:$0x3FB6] =	sst s8  }
0x11: {  	[smem:$0x3FB7] =	sst s9;
	s0 =	simm.s32 @!p0 $0x0  }
0x12: {  	s1 =	sld [smem:$0x3F9D];
	s0 =	simm.s32 @p0 $0x1  }
0x13: {  	[smem:$0x3FB8] =	sst s0;
	s0 =	simm.s32 @!p1 $0x0  }
0x14: {  	s2 =	sld [smem:$0x3F9C];
	s0 =	simm.s32 @p1 $0x1  }
0x15: {  	[smem:$0x3FB9] =	sst s0;
	s0 =	simm.s32 @!p2 $0x0  }
0x16: {  	s3 =	sld [smem:$0x3FDB];
	s0 =	simm.s32 @p2 $0x1  }
0x17: {  	s4 =	simm.s32 $0x1BF5;
	[smem:$0x3FBB] =	sst s0  }
0x18: {  	s0 =	sld [smem:$0x3F9E];
	_ =	swait.ge [sflag:s4], $0x0  }
0x19: {  	s7 =	sld [smem:$0x3F9F]  }
0x1a: {  	s8 =	sadd.s32 $0xFFFFE003, lr  }
0x1b: {  	s9 =	sadd.s32 $0xFFFFFEF7, lr;
	s5 =	simm.s32 $0xFFFFFFFF;
	p2 =	slt.u32 s8, $0xFFFFF086  }
0x1c: {  	p1 =	slt.u32 s9, $0xF7A;
	s5 =	simm.s32 @!p2 $0x0  }
0x1d: {  	s5 =	simm.s32 @p1 $0x1;
	p0 =	seq.s32 s7, s2  }
0x1e: {  	s7 =	smul.u32 @!p0 $0xF7A, s2;
	p2 =	seq.s32 @!p0 s5, $0x0  }
0x1f: {  	s9 =	smul.u32 $0xF7A, s1;
	s8 =	simm.s32 @!p0 $0x1BF5;
	p2 =	por !p2, p0  }
0x20: {  	[sflag:s8] =	ssyncset.s32 @!p0 $0xFFFFF086;
	s6 =	sadd.s32 @!p0 s3, s7;
	s7 =	simm.s32 @!p0 $0x108  }
0x21: {  	s3 =	sadd.s32 s3, s9;
	s6 =	sadd.s32 @!p0 $0x88, s6;
	s7 =	simm.s32 @p2 $0x1082  }
0x22: {  	[simem:s7], [sflag:s8] =	dma.local @!p0 [hbm:s6], $0xF7A  }
0x23: {  	s9 =	sor.u32 $0xD0000000, s2;
	s6 =	simm.s32 $0x108;
	_ =	swait.ge @!p0 [sflag:s8], $0x0  }
0x24: {  	s3 =	sadd.s32 $0x88, s3;
	s6 =	simm.s32 @!p1 $0x1082;
	[sflag:s4] =	ssyncset.s32 $0xFFFFF086  }
0x25: {  	[simem:s6], [sflag:s4] =	dma.local [hbm:s3], $0xF7A  }
0x26: {  	[smem:$0x3F9F] =	sst s1;
	(tag) =	ssettag s2;
	_ =	strace s9  }
0x27: {  	s1 =	sld [smem:$0x3FAF]  }
0x28: {  	s2 =	sld [smem:$0x3FB0]  }
0x29: {  	s4 =	sld [smem:$0x3FB2]  }
0x2a: {  	p0 =	seq.s32 s5, $0x0;
	s5 =	sld [smem:$0x3FB3]  }
0x2b: {  	s6 =	sld [smem:$0x3FB4]  }
0x2c: {  	s7 =	sld [smem:$0x3FB5]  }
0x2d: {  	s3 =	simm.s32 $0x108;
	s8 =	sld [smem:$0x3FB6]  }
0x2e: {  	s3 =	simm.s32 @!p0 $0x1082;
	s9 =	sld [smem:$0x3FB7]  }
0x2f: {  	lr =	sadd.s32 s0, s3;
	s0 =	sld [smem:$0x3FAE]  }
0x30: {  	s3 =	sld [smem:$0x3FB1]  }
0x31: {  	[smem:$0x3FBA] =	sst s10  }
0x32: {  	s10 =	sld [smem:$0x3FB8];
	_ =	sdelay $0x3  }
0x33: {  	p0 =	seq.s32 s10, $0x1;
	s10 =	sld [smem:$0x3FBA];
	_ =	sdelay $0x3  }
0x34: {  	[smem:$0x3FBA] =	sst s10  }
0x35: {  	s10 =	sld [smem:$0x3FB9];
	_ =	sdelay $0x3  }
0x36: {  	p1 =	seq.s32 s10, $0x1;
	s10 =	sld [smem:$0x3FBA];
	_ =	sdelay $0x3  }
0x37: {  	[smem:$0x3FBA] =	sst s10  }
0x38: {  	s10 =	sld [smem:$0x3FBB]  }
0x39: {  	_ = 	snop;
	(pc) =	sbr.ind lr, $3  }
0x3a: {  	_ = 	snop  }
0x3b: {  	_ = 	snop  }
0x3c: {  	p2 =	seq.s32 s10, $0x1;
	s10 =	sld [smem:$0x3FBA]  }
0x3d: {  	_ =	shalt  }
0x3e: {  	_ =	shalt  }
0x3f: {  	_ =	shalt  }
0x40: {  	_ =	shalt  }
0x41: {  	_ =	shalt  }
0x42: {  	_ =	shalt  }
0x43: {  	_ =	shalt  }
0x44: {  	_ =	shalt  }
0x45: {  	_ =	shalt  }
0x46: {  	_ =	shalt  }
0x47: {  	_ =	shalt  }
0x48: {  	_ =	shalt  }
0x49: {  	_ =	shalt  }
0x4a: {  	_ =	shalt  }
0x4b: {  	_ =	shalt  }
0x4c: {  	_ =	shalt  }
0x4d: {  	_ =	shalt  }
0x4e: {  	_ =	shalt  }
0x4f: {  	_ =	shalt  }
0x50: {  	_ =	shalt  }
0x51: {  	_ =	shalt  }
0x52: {  	_ =	shalt  }
0x53: {  	_ =	shalt  }
0x54: {  	_ =	shalt  }
0x55: {  	_ =	shalt  }
0x56: {  	_ =	shalt  }
0x57: {  	_ =	shalt  }
0x58: {  	_ =	shalt  }
0x59: {  	_ =	shalt  }
0x5a: {  	_ =	shalt  }
0x5b: {  	_ =	shalt  }
0x5c: {  	_ =	shalt  }
0x5d: {  	_ =	shalt  }
0x5e: {  	_ =	shalt  }
0x5f: {  	_ =	shalt  }
0x60: {  	_ =	shalt  }
0x61: {  	_ =	shalt  }
0x62: {  	_ =	shalt  }
0x63: {  	_ =	shalt  }
0x64: {  	_ =	shalt  }
0x65: {  	_ =	shalt  }
0x66: {  	_ =	shalt  }
0x67: {  	_ =	shalt  }
0x68: {  	_ =	shalt  }
0x69: {  	_ =	shalt  }
0x6a: {  	_ =	shalt  }
0x6b: {  	_ =	shalt  }
0x6c: {  	_ =	shalt  }
0x6d: {  	_ =	shalt  }
0x6e: {  	_ =	shalt  }
0x6f: {  	_ =	shalt  }
0x70: {  	_ =	shalt  }
0x71: {  	_ =	shalt  }
0x72: {  	_ =	shalt  }
0x73: {  	_ =	shalt  }
0x74: {  	_ =	shalt  }
0x75: {  	_ =	shalt  }
0x76: {  	_ =	shalt  }
0x77: {  	_ =	shalt  }
0x78: {  	_ =	shalt  }
0x79: {  	_ =	shalt  }
0x7a: {  	_ =	shalt  }
0x7b: {  	_ =	shalt  }
0x7c: {  	_ =	shalt  }
0x7d: {  	_ =	shalt  }
0x7e: {  	_ =	shalt  }
0x7f: {  	_ =	shalt  }
0x80: {  	_ =	shalt  }
0x81: {  	_ =	shalt  }
0x82: {  	_ =	shalt  }
0x83: {  	_ =	shalt  }
0x84: {  	_ =	shalt  }
0x85: {  	_ =	shalt  }
0x86: {  	_ =	shalt  }
0x87: {  	_ =	shalt  }
.Lfunc_end0:
.L_simem_size_0:
called_computation_lowered:
.L_overlay_start_0:
0x88: {  	s2 =	sld [smem:$0x3FD9]  }
0x89: {  	s3 =	sld [smem:$0x3FFE];
	_ =	sdelay $0x1  }
0x8a: {  	s1 =	srdreg.scid  }
0x8b: {  	s0 =	sand.u32 $0x1, s1  }
0x8c: {  	s17 =	sshll.u32 s0, $0xA;
	s2 =	sadd.s32 s3, s2  }
0x8d: {  	s2 =	sadd.s32 s2, s17  }
0x8e: {  	[smem:$0x3FC6] =	sst s2  }
0x8f: {  	_ = 	snop  }
0x90: {  	s2 =	sld [smem:$0x3FC9]  }
0x91: {  	s18 =	sld [smem:$0x3FD0];
	(tm) =	ssettm $0x1  }
0x92: {  	s4 =	sld [smem:$0x3FFB];
	_ =	sdelay $0x3  }
0x93: {  	_ =	strace s4  }
0x94: {  	s4 =	sld [smem:$0x3FFC];
	_ =	sdelay $0x3  }
0x95: {  	_ =	strace s4  }
0x96: {  	s4 =	sld [smem:$0x3FFD];
	_ =	sdelay $0x3  }
0x97: {  	_ =	strace s4  }
0x98: {  	_ =	strace $0x8FFFFFFF  }
0x99: {  	s19 =	sld [smem:$0x3FDB];
	_ =	sdelay $0x1  }
0x9a: {  	s5 =	simm.s32 $_scs_section_size  }
0x9b: {  	s6 =	simm.s32 $_size__tile_overlayer_lowered;
	s7 =	simm.s32 $_tile_overlayer_lowered  }
0x9c: {  	s22 =	simm.s32 $0x1BFF;
	s21 =	sshll.u32 s7, $0x1;
	s4 =	sadd.s32 s5, s19  }
0x9d: {  	s8 =	simm.s32 $0x0;
	s20 =	sshll.u32 s6, $0x1;
	s6 =	sadd.s32 s21, s4  }
0x9e: {  	[timem:s8], [sflag:s22] =	dma.local [hbm:s6], s20  }
0x9f: {  	_ =	swait.ge [sflag:s22], s20  }
0xa0: {  	s5 =	ssub.s32 $0x0, s20;
	[sflag:s22] =	ssyncset.done $0x0  }
0xa1: {  	[sflag:s22] =	ssyncadd.s32 s5;
	_ =	sdelay $0x1  }
0xa2: {  	s23 =	simm.s32 $0x1B8B  }
0xa3: {  	_ =	swait.ge [sflag:s23], $0x1  }
0xa4: {  	[sflag:s23] =	ssyncset.done $0x0  }
0xa5: {  	s25 =	simm.s32 $0x1B8E;
	s24 =	sld [smem:$0x3FFE];
	[sflag:s23] =	ssyncadd.s32 $0xFFFFFFFF  }
0xa6: {  	s26 =	simm.s32 $execute0_lowered;
	[smem:$0x3FD2] =	sst s25  }
0xa7: {  	s6 =	sshll.u32 s26, $0x1;
	_ =	strace $0x80000046;
	[dreg:$0x1] =	wrdreg $0xFFFFFFFF  }
0xa8: {  	s28 =	simm.s32 $_size_execute0_lowered;
	s4 =	sadd.s32 s4, s6;
	[dreg:$0x0] =	wrdreg $0x0  }
0xa9: {  	s6 =	sshll.u32 s28, $0x1;
	[dreg:$0x2] =	wrdreg s4  }
0xaa: {  	[dreg:$0x3] =	wrdreg s6  }
0xab: {  	[dreg:$0x4] =	wrdreg $0xC0  }
0xac: {  	_ =	task [dreg:s8], $0x5FFFF  }
0xad: {  	[dreg:$0x1] =	wrdreg $0xFFFFFFFF  }
0xae: {  	[dreg:$0x0] =	wrdreg $0x60  }
0xaf: {  	[dreg:$0x2] =	wrdreg s24  }
0xb0: {  	[dreg:$0x3] =	wrdreg s2  }
0xb1: {  	[dreg:$0x4] =	wrdreg s18  }
0xb2: {  	[dreg:$0x5] =	wrdreg $0x9  }
0xb3: {  	_ =	task.clear_ibuf [dreg:s8], $0x6FFFF;
	_ =	strace $0x90000046  }
0xb4: {  	s29 =	simm.s32 $0x9;
	_ =	strace $0x80000048  }
0xb5: {  	_ =	swait.ge [sflag:s29], $0x1  }
0xb6: {  	[sflag:s29] =	ssyncadd.s32 $0xFFFFFFFF  }
0xb7: {  	_ =	strace $0x90000048  }
0xb8: {  	_ =	sfence  }
0xb9: {  	s30 =	sld [smem:$0x0];
	_ =	sdelay $0x2  }
0xba: {  	s31 =	sshll.u32 s1, $0xD;
	s1 =	sshrl.u32 s1, $0x2  }
0xbb: {  	s3 =	sand.u32 $0x4000, s31;
	s1 =	sadd.s32 s1, s30  }
0xbc: {  	s0 =	sor.u32 s3, s0;
	s1 =	sshll.u32 s1, $0x11  }
0xbd: {  	s0 =	sor.u32 s1, s0  }
0xbe: {  	s0 =	sadd.s32 $0x8F2B, s0  }
0xbf: {  	[sflag:s0] =	ssyncadd.remote.s32 $0x1  }
0xc0: {  	_ =	sfence.sel $0xFFFF  }
0xc1: {  	[dreg:$0x0] =	wrdreg $0xFFFFFFFF;
	(pc) =	sbr.abs _section_cstart, $3  }
0xc2: {  	[dreg:$0x1] =	wrdreg $0xFFFFFFFF  }
0xc3: {  	_ =	task.clear_ibuf [dreg:s8], $0x2FFFF;
	_ =	strace $0x9FFFFFFF  }
0xc4: {  	(tm) =	ssettm $0x7FFFFFFF  }
0xc5: {  	_ =	shalt  }
tec
execute0_lowered:
.L_overlay_start_1:
0x0: {  	(tag) =	ssettag $0x1  }
0x1: {  	s3 =	rddreg [dreg:$0x0]  }
0x2: {  	s5 =	rddreg [dreg:$0x1]  }
0x3: {  	s4 =	rddreg [dreg:$0x2]  }
0x4: {  	s0 =	rddreg [dreg:$0x3];
	s2 =	simm.s32 $0x0;
	s6 =	srdreg.scid  }
0x5: {  	s1 =	stileid.u32;
	s12 =	simm.s32 $0x2;
	s13 =	simm.s32 $0x200  }
0x6: {  	s14 =	simm.s32 $0xE00;
	s15 =	simm.s32 $0x400;
	s16 =	simm.s32 $0x1000  }
0x7: {  	s17 =	simm.s32 $0x600;
	s18 =	simm.s32 $0x1200;
	s19 =	simm.s32 $0x800  }
0x8: {  	s20 =	simm.s32 $0x1400;
	s21 =	simm.s32 $0xA00;
	s22 =	simm.s32 $0x1600  }
0x9: {  	s23 =	simm.s32 $0xC00;
	s24 =	simm.s32 $0x1800;
	s25 =	simm.s32 $0x1  }
0xa: {  	[smem:$0x7FF] =	sst s2;
	s6 =	sand.u32 $0x1, s6;
	s8 =	sshll.u32 s1, $0x7  }
0xb: {  	s3 =	sadd.s32 $0x600, s3;
	s7 =	ssub.s32 $0x2, s6;
	s6 =	sshll.u32 s6, $0x6  }
0xc: {  	_ =	strace $0x80000047;
	s9 =	sshrl.u32 s7, $0x1;
	s6 =	sor.u32 s6, s8  }
0xd: {  	s11 =	ssub.s32 s7, s9;
	s4 =	sadd.s32 s4, s6;
	s5 =	sadd.s32 s5, s6  }
0xe: {  	s6 =	sadd.s32 $0x800, s4;
	s7 =	sadd.s32 $0x1000, s4;
	s8 =	sadd.s32 $0x1800, s4  }
0xf: {  	s9 =	sadd.s32 $0x2000, s4;
	s10 =	sadd.s32 $0x2800, s4;
	s11 =	smax.u32 s11, $0x1  }
.LBB2_1:
0x10: {  	[tilespmem:s2], [sflag:$0x2] =	stream.linear.gather [hbm4b:s5+s2], $0x200, $0x38;
	[tilespmem:$0x1A00] =	vst v63  }
0x11: {  	_ =	swait.ge [sflag:s12], $0x200  }
0x12: {  	[sflag:s12] =	ssyncset.done $0x0  }
0x13: {  	[sflag:s12] =	ssyncadd.s32 $0xFFFFFE00  }
0x14: {  	v0 =	vld [tilespmem:$0x0];
	_ =	sdelay $0x4  }
0x15: {  	v1 =	vshll.u32 v0, $0x3  }
0x16: {  	v2 =	vld [tilespmem:$0x10];
	v0 =	vand.u32 $0x7F, v0;
	v1 =	vand.u32 $0xFFFFFC00, v1  }
0x17: {  	v57 =	vld [tilespmem:$0x20];
	v0 =	vor.u32 v0, v1  }
0x18: {  	v1 =	vor.u32 $0x80, v0;
	[tilespmem:$0x200] =	vst v0  }
0x19: {  	v53 =	vor.u32 $0x100, v0;
	[tilespmem:$0x400] =	vst v1  }
0x1a: {  	v54 =	vor.u32 $0x180, v0;
	[tilespmem:$0x600] =	vst v53  }
0x1b: {  	v3 =	vshll.u32 v2, $0x3;
	v2 =	vand.u32 $0x7F, v2;
	v55 =	vor.u32 $0x200, v0;
	[tilespmem:$0x800] =	vst v54  }
0x1c: {  	v62 =	vshll.u32 v57, $0x3;
	v56 =	vand.u32 $0xFFFFFC00, v3;
	v0 =	vor.u32 $0x280, v0;
	[tilespmem:$0xA00] =	vst v55  }
0x1d: {  	v6 =	vand.u32 $0x7F, v57;
	v63 =	vand.u32 $0xFFFFFC00, v62;
	v1 =	vor.u32 v2, v56;
	[tilespmem:$0xC00] =	vst v0  }
0x1e: {  	v0 =	vor.u32 v6, v63;
	[tilespmem:$0x210] =	vst v1  }
0x1f: {  	v58 =	vor.u32 $0x80, v1;
	[tilespmem:$0x220] =	vst v0  }
0x20: {  	v59 =	vor.u32 $0x100, v1;
	[tilespmem:$0x410] =	vst v58  }
0x21: {  	v60 =	vor.u32 $0x180, v1;
	[tilespmem:$0x610] =	vst v59  }
0x22: {  	v7 =	vld [tilespmem:$0x30];
	v61 =	vor.u32 $0x200, v1;
	[tilespmem:$0x810] =	vst v60  }
0x23: {  	v15 =	vld [tilespmem:$0x40];
	v1 =	vor.u32 $0x280, v1;
	[tilespmem:$0xA10] =	vst v61  }
0x24: {  	v8 =	vor.u32 $0x80, v0;
	[tilespmem:$0xC10] =	vst v1  }
0x25: {  	v9 =	vor.u32 $0x100, v0;
	[tilespmem:$0x420] =	vst v8  }
0x26: {  	v10 =	vor.u32 $0x180, v0;
	[tilespmem:$0x620] =	vst v9  }
0x27: {  	v12 =	vshll.u32 v7, $0x3;
	v14 =	vand.u32 $0x7F, v7;
	v11 =	vor.u32 $0x200, v0;
	[tilespmem:$0x820] =	vst v10  }
0x28: {  	v20 =	vshll.u32 v15, $0x3;
	v13 =	vand.u32 $0xFFFFFC00, v12;
	v0 =	vor.u32 $0x280, v0;
	[tilespmem:$0xA20] =	vst v11  }
0x29: {  	v22 =	vand.u32 $0x7F, v15;
	v21 =	vand.u32 $0xFFFFFC00, v20;
	v1 =	vor.u32 v14, v13;
	[tilespmem:$0xC20] =	vst v0  }
0x2a: {  	v0 =	vor.u32 v22, v21;
	[tilespmem:$0x230] =	vst v1  }
0x2b: {  	v16 =	vor.u32 $0x80, v1;
	[tilespmem:$0x240] =	vst v0  }
0x2c: {  	v17 =	vor.u32 $0x100, v1;
	[tilespmem:$0x430] =	vst v16  }
0x2d: {  	v18 =	vor.u32 $0x180, v1;
	[tilespmem:$0x630] =	vst v17  }
0x2e: {  	v23 =	vld [tilespmem:$0x50];
	v19 =	vor.u32 $0x200, v1;
	[tilespmem:$0x830] =	vst v18  }
0x2f: {  	v31 =	vld [tilespmem:$0x60];
	v1 =	vor.u32 $0x280, v1;
	[tilespmem:$0xA30] =	vst v19  }
0x30: {  	v24 =	vor.u32 $0x80, v0;
	[tilespmem:$0xC30] =	vst v1  }
0x31: {  	v25 =	vor.u32 $0x100, v0;
	[tilespmem:$0x440] =	vst v24  }
0x32: {  	v26 =	vor.u32 $0x180, v0;
	[tilespmem:$0x640] =	vst v25  }
0x33: {  	v28 =	vshll.u32 v23, $0x3;
	v30 =	vand.u32 $0x7F, v23;
	v27 =	vor.u32 $0x200, v0;
	[tilespmem:$0x840] =	vst v26  }
0x34: {  	v36 =	vshll.u32 v31, $0x3;
	v29 =	vand.u32 $0xFFFFFC00, v28;
	v0 =	vor.u32 $0x280, v0;
	[tilespmem:$0xA40] =	vst v27  }
0x35: {  	v38 =	vand.u32 $0x7F, v31;
	v37 =	vand.u32 $0xFFFFFC00, v36;
	v1 =	vor.u32 v30, v29;
	[tilespmem:$0xC40] =	vst v0  }
0x36: {  	v0 =	vor.u32 v38, v37;
	[tilespmem:$0x250] =	vst v1  }
0x37: {  	v32 =	vor.u32 $0x80, v1;
	[tilespmem:$0x260] =	vst v0  }
0x38: {  	v33 =	vor.u32 $0x100, v1;
	[tilespmem:$0x450] =	vst v32  }
0x39: {  	v34 =	vor.u32 $0x180, v1;
	[tilespmem:$0x650] =	vst v33  }
0x3a: {  	v39 =	vld [tilespmem:$0x70];
	v35 =	vor.u32 $0x200, v1;
	[tilespmem:$0x850] =	vst v34  }
0x3b: {  	v47 =	vld [tilespmem:$0x80];
	v1 =	vor.u32 $0x280, v1;
	[tilespmem:$0xA50] =	vst v35  }
0x3c: {  	v40 =	vor.u32 $0x80, v0;
	[tilespmem:$0xC50] =	vst v1  }
0x3d: {  	v41 =	vor.u32 $0x100, v0;
	[tilespmem:$0x460] =	vst v40  }
0x3e: {  	v42 =	vor.u32 $0x180, v0;
	[tilespmem:$0x660] =	vst v41  }
0x3f: {  	v44 =	vshll.u32 v39, $0x3;
	v46 =	vand.u32 $0x7F, v39;
	v43 =	vor.u32 $0x200, v0;
	[tilespmem:$0x860] =	vst v42  }
0x40: {  	v52 =	vshll.u32 v47, $0x3;
	v45 =	vand.u32 $0xFFFFFC00, v44;
	v0 =	vor.u32 $0x280, v0;
	[tilespmem:$0xA60] =	vst v43  }
0x41: {  	v53 =	vand.u32 $0xFFFFFC00, v52;
	v54 =	vand.u32 $0x7F, v47;
	v1 =	vor.u32 v46, v45;
	[tilespmem:$0xC60] =	vst v0  }
0x42: {  	v0 =	vor.u32 v54, v53;
	[tilespmem:$0x270] =	vst v1  }
0x43: {  	v48 =	vor.u32 $0x80, v1;
	[tilespmem:$0x280] =	vst v0  }
0x44: {  	v49 =	vor.u32 $0x100, v1;
	[tilespmem:$0x470] =	vst v48  }
0x45: {  	v50 =	vor.u32 $0x180, v1;
	[tilespmem:$0x670] =	vst v49  }
0x46: {  	v55 =	vld [tilespmem:$0x90];
	v51 =	vor.u32 $0x200, v1;
	[tilespmem:$0x870] =	vst v50  }
0x47: {  	v63 =	vld [tilespmem:$0xA0];
	v1 =	vor.u32 $0x280, v1;
	[tilespmem:$0xA70] =	vst v51  }
0x48: {  	v56 =	vor.u32 $0x80, v0;
	[tilespmem:$0xC70] =	vst v1  }
0x49: {  	v57 =	vor.u32 $0x100, v0;
	[tilespmem:$0x480] =	vst v56  }
0x4a: {  	v58 =	vor.u32 $0x180, v0;
	[tilespmem:$0x680] =	vst v57  }
0x4b: {  	v60 =	vshll.u32 v55, $0x3;
	v62 =	vand.u32 $0x7F, v55;
	v59 =	vor.u32 $0x200, v0;
	[tilespmem:$0x880] =	vst v58  }
0x4c: {  	v9 =	vshll.u32 v63, $0x3;
	v61 =	vand.u32 $0xFFFFFC00, v60;
	v0 =	vor.u32 $0x280, v0;
	[tilespmem:$0xA80] =	vst v59  }
0x4d: {  	v11 =	vand.u32 $0x7F, v63;
	v10 =	vand.u32 $0xFFFFFC00, v9;
	v1 =	vor.u32 v62, v61;
	[tilespmem:$0xC80] =	vst v0  }
0x4e: {  	v0 =	vor.u32 v11, v10;
	[tilespmem:$0x290] =	vst v1  }
0x4f: {  	v5 =	vor.u32 $0x80, v1;
	[tilespmem:$0x2A0] =	vst v0  }
0x50: {  	v6 =	vor.u32 $0x100, v1;
	[tilespmem:$0x490] =	vst v5  }
0x51: {  	v7 =	vor.u32 $0x180, v1;
	[tilespmem:$0x690] =	vst v6  }
0x52: {  	v12 =	vld [tilespmem:$0xB0];
	v8 =	vor.u32 $0x200, v1;
	[tilespmem:$0x890] =	vst v7  }
0x53: {  	v20 =	vld [tilespmem:$0xC0];
	v1 =	vor.u32 $0x280, v1;
	[tilespmem:$0xA90] =	vst v8  }
0x54: {  	v13 =	vor.u32 $0x80, v0;
	[tilespmem:$0xC90] =	vst v1  }
0x55: {  	v14 =	vor.u32 $0x100, v0;
	[tilespmem:$0x4A0] =	vst v13  }
0x56: {  	v15 =	vor.u32 $0x180, v0;
	[tilespmem:$0x6A0] =	vst v14  }
0x57: {  	v17 =	vshll.u32 v12, $0x3;
	v19 =	vand.u32 $0x7F, v12;
	v16 =	vor.u32 $0x200, v0;
	[tilespmem:$0x8A0] =	vst v15  }
0x58: {  	v25 =	vshll.u32 v20, $0x3;
	v18 =	vand.u32 $0xFFFFFC00, v17;
	v0 =	vor.u32 $0x280, v0;
	[tilespmem:$0xAA0] =	vst v16  }
0x59: {  	v27 =	vand.u32 $0x7F, v20;
	v26 =	vand.u32 $0xFFFFFC00, v25;
	v1 =	vor.u32 v19, v18;
	[tilespmem:$0xCA0] =	vst v0  }
0x5a: {  	v0 =	vor.u32 v27, v26;
	[tilespmem:$0x2B0] =	vst v1  }
0x5b: {  	v21 =	vor.u32 $0x80, v1;
	[tilespmem:$0x2C0] =	vst v0  }
0x5c: {  	v22 =	vor.u32 $0x100, v1;
	[tilespmem:$0x4B0] =	vst v21  }
0x5d: {  	v23 =	vor.u32 $0x180, v1;
	[tilespmem:$0x6B0] =	vst v22  }
0x5e: {  	v28 =	vld [tilespmem:$0xD0];
	v24 =	vor.u32 $0x200, v1;
	[tilespmem:$0x8B0] =	vst v23  }
0x5f: {  	v36 =	vld [tilespmem:$0xE0];
	v1 =	vor.u32 $0x280, v1;
	[tilespmem:$0xAB0] =	vst v24  }
0x60: {  	v29 =	vor.u32 $0x80, v0;
	[tilespmem:$0xCB0] =	vst v1  }
0x61: {  	v30 =	vor.u32 $0x100, v0;
	[tilespmem:$0x4C0] =	vst v29  }
0x62: {  	v31 =	vor.u32 $0x180, v0;
	[tilespmem:$0x6C0] =	vst v30  }
0x63: {  	v33 =	vshll.u32 v28, $0x3;
	v35 =	vand.u32 $0x7F, v28;
	v32 =	vor.u32 $0x200, v0;
	[tilespmem:$0x8C0] =	vst v31  }
0x64: {  	v41 =	vshll.u32 v36, $0x3;
	v34 =	vand.u32 $0xFFFFFC00, v33;
	v0 =	vor.u32 $0x280, v0;
	[tilespmem:$0xAC0] =	vst v32  }
0x65: {  	v43 =	vand.u32 $0x7F, v36;
	v42 =	vand.u32 $0xFFFFFC00, v41;
	v1 =	vor.u32 v35, v34;
	[tilespmem:$0xCC0] =	vst v0  }
0x66: {  	v0 =	vor.u32 v43, v42;
	[tilespmem:$0x2D0] =	vst v1  }
0x67: {  	v37 =	vor.u32 $0x80, v1;
	[tilespmem:$0x2E0] =	vst v0  }
0x68: {  	v38 =	vor.u32 $0x100, v1;
	[tilespmem:$0x4D0] =	vst v37  }
0x69: {  	v39 =	vor.u32 $0x180, v1;
	[tilespmem:$0x6D0] =	vst v38  }
0x6a: {  	v44 =	vld [tilespmem:$0xF0];
	v40 =	vor.u32 $0x200, v1;
	[tilespmem:$0x8D0] =	vst v39  }
0x6b: {  	v52 =	vld [tilespmem:$0x100];
	v1 =	vor.u32 $0x280, v1;
	[tilespmem:$0xAD0] =	vst v40  }
0x6c: {  	v45 =	vor.u32 $0x80, v0;
	[tilespmem:$0xCD0] =	vst v1  }
0x6d: {  	v46 =	vor.u32 $0x100, v0;
	[tilespmem:$0x4E0] =	vst v45  }
0x6e: {  	v47 =	vor.u32 $0x180, v0;
	[tilespmem:$0x6E0] =	vst v46  }
0x6f: {  	v49 =	vshll.u32 v44, $0x3;
	v51 =	vand.u32 $0x7F, v44;
	v48 =	vor.u32 $0x200, v0;
	[tilespmem:$0x8E0] =	vst v47  }
0x70: {  	v57 =	vshll.u32 v52, $0x3;
	v50 =	vand.u32 $0xFFFFFC00, v49;
	v0 =	vor.u32 $0x280, v0;
	[tilespmem:$0xAE0] =	vst v48  }
0x71: {  	v59 =	vand.u32 $0x7F, v52;
	v58 =	vand.u32 $0xFFFFFC00, v57;
	v1 =	vor.u32 v51, v50;
	[tilespmem:$0xCE0] =	vst v0  }
0x72: {  	v0 =	vor.u32 v59, v58;
	[tilespmem:$0x2F0] =	vst v1  }
0x73: {  	v53 =	vor.u32 $0x80, v1;
	[tilespmem:$0x300] =	vst v0  }
0x74: {  	v54 =	vor.u32 $0x100, v1;
	[tilespmem:$0x4F0] =	vst v53  }
0x75: {  	v55 =	vor.u32 $0x180, v1;
	[tilespmem:$0x6F0] =	vst v54  }
0x76: {  	v60 =	vld [tilespmem:$0x110];
	v56 =	vor.u32 $0x200, v1;
	[tilespmem:$0x8F0] =	vst v55  }
0x77: {  	v1 =	vor.u32 $0x280, v1;
	[tilespmem:$0xAF0] =	vst v56  }
0x78: {  	v61 =	vor.u32 $0x80, v0;
	[tilespmem:$0xCF0] =	vst v1  }
0x79: {  	v62 =	vor.u32 $0x100, v0;
	[tilespmem:$0x500] =	vst v61  }
0x7a: {  	v63 =	vor.u32 $0x180, v0;
	[tilespmem:$0x700] =	vst v62  }
0x7b: {  	v5 =	vshll.u32 v60, $0x3;
	v4 =	vor.u32 $0x200, v0;
	[tilespmem:$0x900] =	vst v63  }
0x7c: {  	v8 =	vld [tilespmem:$0x120];
	v7 =	vand.u32 $0x7F, v60;
	v6 =	vand.u32 $0xFFFFFC00, v5;
	v0 =	vor.u32 $0x280, v0;
	[tilespmem:$0xB00] =	vst v4  }
0x7d: {  	v1 =	vor.u32 v7, v6;
	[tilespmem:$0xD00] =	vst v0  }
0x7e: {  	v9 =	vor.u32 $0x80, v1;
	[tilespmem:$0x310] =	vst v1  }
0x7f: {  	v10 =	vor.u32 $0x100, v1;
	[tilespmem:$0x510] =	vst v9  }
0x80: {  	v11 =	vor.u32 $0x180, v1;
	[tilespmem:$0x710] =	vst v10  }
0x81: {  	v13 =	vshll.u32 v8, $0x3;
	v12 =	vor.u32 $0x200, v1;
	[tilespmem:$0x910] =	vst v11  }
0x82: {  	v16 =	vld [tilespmem:$0x130];
	v15 =	vand.u32 $0x7F, v8;
	v14 =	vand.u32 $0xFFFFFC00, v13;
	v1 =	vor.u32 $0x280, v1;
	[tilespmem:$0xB10] =	vst v12  }
0x83: {  	v0 =	vor.u32 v15, v14;
	[tilespmem:$0xD10] =	vst v1  }
0x84: {  	v17 =	vor.u32 $0x80, v0;
	[tilespmem:$0x320] =	vst v0  }
0x85: {  	v18 =	vor.u32 $0x100, v0;
	[tilespmem:$0x520] =	vst v17  }
0x86: {  	v19 =	vor.u32 $0x180, v0;
	[tilespmem:$0x720] =	vst v18  }
0x87: {  	v21 =	vshll.u32 v16, $0x3;
	v20 =	vor.u32 $0x200, v0;
	[tilespmem:$0x920] =	vst v19  }
0x88: {  	v24 =	vld [tilespmem:$0x140];
	v23 =	vand.u32 $0x7F, v16;
	v22 =	vand.u32 $0xFFFFFC00, v21;
	v0 =	vor.u32 $0x280, v0;
	[tilespmem:$0xB20] =	vst v20  }
0x89: {  	v1 =	vor.u32 v23, v22;
	[tilespmem:$0xD20] =	vst v0  }
0x8a: {  	v25 =	vor.u32 $0x80, v1;
	[tilespmem:$0x330] =	vst v1  }
0x8b: {  	v26 =	vor.u32 $0x100, v1;
	[tilespmem:$0x530] =	vst v25  }
0x8c: {  	v27 =	vor.u32 $0x180, v1;
	[tilespmem:$0x730] =	vst v26  }
0x8d: {  	v29 =	vshll.u32 v24, $0x3;
	v28 =	vor.u32 $0x200, v1;
	[tilespmem:$0x930] =	vst v27  }
0x8e: {  	v32 =	vld [tilespmem:$0x150];
	v31 =	vand.u32 $0x7F, v24;
	v30 =	vand.u32 $0xFFFFFC00, v29;
	v1 =	vor.u32 $0x280, v1;
	[tilespmem:$0xB30] =	vst v28  }
0x8f: {  	v0 =	vor.u32 v31, v30;
	[tilespmem:$0xD30] =	vst v1  }
0x90: {  	v33 =	vor.u32 $0x80, v0;
	[tilespmem:$0x340] =	vst v0  }
0x91: {  	v34 =	vor.u32 $0x100, v0;
	[tilespmem:$0x540] =	vst v33  }
0x92: {  	v35 =	vor.u32 $0x180, v0;
	[tilespmem:$0x740] =	vst v34  }
0x93: {  	v37 =	vshll.u32 v32, $0x3;
	v36 =	vor.u32 $0x200, v0;
	[tilespmem:$0x940] =	vst v35  }
0x94: {  	v40 =	vld [tilespmem:$0x160];
	v39 =	vand.u32 $0x7F, v32;
	v38 =	vand.u32 $0xFFFFFC00, v37;
	v0 =	vor.u32 $0x280, v0;
	[tilespmem:$0xB40] =	vst v36  }
0x95: {  	v1 =	vor.u32 v39, v38;
	[tilespmem:$0xD40] =	vst v0  }
0x96: {  	v41 =	vor.u32 $0x80, v1;
	[tilespmem:$0x350] =	vst v1  }
0x97: {  	v42 =	vor.u32 $0x100, v1;
	[tilespmem:$0x550] =	vst v41  }
0x98: {  	v43 =	vor.u32 $0x180, v1;
	[tilespmem:$0x750] =	vst v42  }
0x99: {  	v45 =	vshll.u32 v40, $0x3;
	v44 =	vor.u32 $0x200, v1;
	[tilespmem:$0x950] =	vst v43  }
0x9a: {  	v48 =	vld [tilespmem:$0x170];
	v47 =	vand.u32 $0x7F, v40;
	v46 =	vand.u32 $0xFFFFFC00, v45;
	v1 =	vor.u32 $0x280, v1;
	[tilespmem:$0xB50] =	vst v44  }
0x9b: {  	v0 =	vor.u32 v47, v46;
	[tilespmem:$0xD50] =	vst v1  }
0x9c: {  	v49 =	vor.u32 $0x80, v0;
	[tilespmem:$0x360] =	vst v0  }
0x9d: {  	v50 =	vor.u32 $0x100, v0;
	[tilespmem:$0x560] =	vst v49  }
0x9e: {  	v51 =	vor.u32 $0x180, v0;
	[tilespmem:$0x760] =	vst v50  }
0x9f: {  	v53 =	vshll.u32 v48, $0x3;
	v52 =	vor.u32 $0x200, v0;
	[tilespmem:$0x960] =	vst v51  }
0xa0: {  	v56 =	vld [tilespmem:$0x180];
	v55 =	vand.u32 $0x7F, v48;
	v54 =	vand.u32 $0xFFFFFC00, v53;
	v0 =	vor.u32 $0x280, v0;
	[tilespmem:$0xB60] =	vst v52  }
0xa1: {  	v1 =	vor.u32 v55, v54;
	[tilespmem:$0xD60] =	vst v0  }
0xa2: {  	v57 =	vor.u32 $0x80, v1;
	[tilespmem:$0x370] =	vst v1  }
0xa3: {  	v58 =	vor.u32 $0x100, v1;
	[tilespmem:$0x570] =	vst v57  }
0xa4: {  	v59 =	vor.u32 $0x180, v1;
	[tilespmem:$0x770] =	vst v58  }
0xa5: {  	v61 =	vshll.u32 v56, $0x3;
	v60 =	vor.u32 $0x200, v1;
	[tilespmem:$0x970] =	vst v59  }
0xa6: {  	v6 =	vld [tilespmem:$0x190];
	v63 =	vand.u32 $0x7F, v56;
	v62 =	vand.u32 $0xFFFFFC00, v61;
	v1 =	vor.u32 $0x280, v1;
	[tilespmem:$0xB70] =	vst v60  }
0xa7: {  	v0 =	vor.u32 v63, v62;
	[tilespmem:$0xD70] =	vst v1  }
0xa8: {  	v7 =	vor.u32 $0x80, v0;
	[tilespmem:$0x380] =	vst v0  }
0xa9: {  	v8 =	vor.u32 $0x100, v0;
	[tilespmem:$0x580] =	vst v7  }
0xaa: {  	v9 =	vor.u32 $0x180, v0;
	[tilespmem:$0x780] =	vst v8  }
0xab: {  	v11 =	vshll.u32 v6, $0x3;
	v10 =	vor.u32 $0x200, v0;
	[tilespmem:$0x980] =	vst v9  }
0xac: {  	v14 =	vld [tilespmem:$0x1A0];
	v13 =	vand.u32 $0x7F, v6;
	v12 =	vand.u32 $0xFFFFFC00, v11;
	v0 =	vor.u32 $0x280, v0;
	[tilespmem:$0xB80] =	vst v10  }
0xad: {  	v1 =	vor.u32 v13, v12;
	[tilespmem:$0xD80] =	vst v0  }
0xae: {  	v15 =	vor.u32 $0x80, v1;
	[tilespmem:$0x390] =	vst v1  }
0xaf: {  	v16 =	vor.u32 $0x100, v1;
	[tilespmem:$0x590] =	vst v15  }
0xb0: {  	v17 =	vor.u32 $0x180, v1;
	[tilespmem:$0x790] =	vst v16  }
0xb1: {  	v19 =	vshll.u32 v14, $0x3;
	v18 =	vor.u32 $0x200, v1;
	[tilespmem:$0x990] =	vst v17  }
0xb2: {  	v22 =	vld [tilespmem:$0x1B0];
	v21 =	vand.u32 $0x7F, v14;
	v20 =	vand.u32 $0xFFFFFC00, v19;
	v1 =	vor.u32 $0x280, v1;
	[tilespmem:$0xB90] =	vst v18  }
0xb3: {  	v0 =	vor.u32 v21, v20;
	[tilespmem:$0xD90] =	vst v1  }
0xb4: {  	v23 =	vor.u32 $0x80, v0;
	[tilespmem:$0x3A0] =	vst v0  }
0xb5: {  	v24 =	vor.u32 $0x100, v0;
	[tilespmem:$0x5A0] =	vst v23  }
0xb6: {  	v25 =	vor.u32 $0x180, v0;
	[tilespmem:$0x7A0] =	vst v24  }
0xb7: {  	v27 =	vshll.u32 v22, $0x3;
	v26 =	vor.u32 $0x200, v0;
	[tilespmem:$0x9A0] =	vst v25  }
0xb8: {  	v30 =	vld [tilespmem:$0x1C0];
	v29 =	vand.u32 $0x7F, v22;
	v28 =	vand.u32 $0xFFFFFC00, v27;
	v0 =	vor.u32 $0x280, v0;
	[tilespmem:$0xBA0] =	vst v26  }
0xb9: {  	v1 =	vor.u32 v29, v28;
	[tilespmem:$0xDA0] =	vst v0  }
0xba: {  	v31 =	vor.u32 $0x80, v1;
	[tilespmem:$0x3B0] =	vst v1  }
0xbb: {  	v32 =	vor.u32 $0x100, v1;
	[tilespmem:$0x5B0] =	vst v31  }
0xbc: {  	v33 =	vor.u32 $0x180, v1;
	[tilespmem:$0x7B0] =	vst v32  }
0xbd: {  	v35 =	vshll.u32 v30, $0x3;
	v34 =	vor.u32 $0x200, v1;
	[tilespmem:$0x9B0] =	vst v33  }
0xbe: {  	v38 =	vld [tilespmem:$0x1D0];
	v37 =	vand.u32 $0x7F, v30;
	v36 =	vand.u32 $0xFFFFFC00, v35;
	v1 =	vor.u32 $0x280, v1;
	[tilespmem:$0xBB0] =	vst v34  }
0xbf: {  	v0 =	vor.u32 v37, v36;
	[tilespmem:$0xDB0] =	vst v1  }
0xc0: {  	v39 =	vor.u32 $0x80, v0;
	[tilespmem:$0x3C0] =	vst v0  }
0xc1: {  	v40 =	vor.u32 $0x100, v0;
	[tilespmem:$0x5C0] =	vst v39  }
0xc2: {  	v41 =	vor.u32 $0x180, v0;
	[tilespmem:$0x7C0] =	vst v40  }
0xc3: {  	v43 =	vshll.u32 v38, $0x3;
	v42 =	vor.u32 $0x200, v0;
	[tilespmem:$0x9C0] =	vst v41  }
0xc4: {  	v46 =	vld [tilespmem:$0x1E0];
	v45 =	vand.u32 $0x7F, v38;
	v44 =	vand.u32 $0xFFFFFC00, v43;
	v0 =	vor.u32 $0x280, v0;
	[tilespmem:$0xBC0] =	vst v42  }
0xc5: {  	v1 =	vor.u32 v45, v44;
	[tilespmem:$0xDC0] =	vst v0  }
0xc6: {  	v47 =	vor.u32 $0x80, v1;
	[tilespmem:$0x3D0] =	vst v1  }
0xc7: {  	v48 =	vor.u32 $0x100, v1;
	[tilespmem:$0x5D0] =	vst v47  }
0xc8: {  	v49 =	vor.u32 $0x180, v1;
	[tilespmem:$0x7D0] =	vst v48  }
0xc9: {  	v51 =	vshll.u32 v46, $0x3;
	v50 =	vor.u32 $0x200, v1;
	[tilespmem:$0x9D0] =	vst v49  }
0xca: {  	v54 =	vld [tilespmem:$0x1F0];
	v53 =	vand.u32 $0x7F, v46;
	v52 =	vand.u32 $0xFFFFFC00, v51;
	v1 =	vor.u32 $0x280, v1;
	[tilespmem:$0xBD0] =	vst v50  }
0xcb: {  	v0 =	vor.u32 v53, v52;
	[tilespmem:$0xDD0] =	vst v1  }
0xcc: {  	v55 =	vor.u32 $0x80, v0;
	[tilespmem:$0x3E0] =	vst v0  }
0xcd: {  	v56 =	vor.u32 $0x100, v0;
	[tilespmem:$0x5E0] =	vst v55  }
0xce: {  	v57 =	vor.u32 $0x180, v0;
	[tilespmem:$0x7E0] =	vst v56  }
0xcf: {  	v59 =	vshll.u32 v54, $0x3;
	v58 =	vor.u32 $0x200, v0;
	[tilespmem:$0x9E0] =	vst v57  }
0xd0: {  	v2 =	vand.u32 $0x7F, v54;
	v0 =	vor.u32 $0x280, v0;
	v1 =	vand.u32 $0xFFFFFC00, v59;
	[tilespmem:$0xBE0] =	vst v58  }
0xd1: {  	[tilespmem:$0xDE0] =	vst v0;
	v60 =	vor.u32 v2, v1  }
0xd2: {  	[tilespmem:$0x3F0] =	vst v60;
	v1 =	vor.u32 $0x80, v60  }
0xd3: {  	v61 =	vor.u32 $0x100, v60;
	[tilespmem:$0x5F0] =	vst v1  }
0xd4: {  	v62 =	vor.u32 $0x180, v60;
	[tilespmem:$0x7F0] =	vst v61  }
0xd5: {  	v63 =	vor.u32 $0x200, v60;
	[tilespmem:$0x9F0] =	vst v62  }
0xd6: {  	v0 =	vor.u32 $0x280, v60;
	[tilespmem:$0xBF0] =	vst v63  }
0xd7: {  	[tilespmem:$0xDF0] =	vst v0  }
0xd8: {  	[tilespmem:s14], [sflag:$0x1] =	stream.indirect.gather [hbm4b:s3+s13], $0x1, s13, s13, $0xb8;
	[tilespmem:$0x1A00] =	vst v63  }
0xd9: {  	_ = 	snop  }
0xda: {  	[tilespmem:s16], [sflag:$0x1] =	stream.indirect.gather [hbm4b:s3+s13], $0x1, s15, s13, $0xb8;
	[tilespmem:$0x1A00] =	vst v63  }
0xdb: {  	_ = 	snop  }
0xdc: {  	[tilespmem:s18], [sflag:$0x1] =	stream.indirect.gather [hbm4b:s3+s13], $0x1, s17, s13, $0xb8;
	[tilespmem:$0x1A00] =	vst v63  }
0xdd: {  	_ = 	snop  }
0xde: {  	[tilespmem:s20], [sflag:$0x1] =	stream.indirect.gather [hbm4b:s3+s13], $0x1, s19, s13, $0xb8;
	[tilespmem:$0x1A00] =	vst v63  }
0xdf: {  	_ = 	snop  }
0xe0: {  	[tilespmem:s22], [sflag:$0x1] =	stream.indirect.gather [hbm4b:s3+s13], $0x1, s21, s13, $0xb8;
	[tilespmem:$0x1A00] =	vst v63  }
0xe1: {  	_ = 	snop  }
0xe2: {  	[tilespmem:s24], [sflag:$0x1] =	stream.indirect.gather [hbm4b:s3+s13], $0x1, s23, s13, $0xb8;
	[tilespmem:$0x1A00] =	vst v63  }
0xe3: {  	_ =	swait.ge [sflag:s25], $0x200  }
0xe4: {  	[sflag:s25] =	ssyncset.done $0x0  }
0xe5: {  	[sflag:s25] =	ssyncadd.s32 $0xFFFFFE00  }
0xe6: {  	_ =	swait.ge [sflag:s25], $0x200  }
0xe7: {  	[sflag:s25] =	ssyncset.done $0x0  }
0xe8: {  	[sflag:s25] =	ssyncadd.s32 $0xFFFFFE00  }
0xe9: {  	_ =	swait.ge [sflag:s25], $0x200  }
0xea: {  	[sflag:s25] =	ssyncset.done $0x0  }
0xeb: {  	[sflag:s25] =	ssyncadd.s32 $0xFFFFFE00  }
0xec: {  	_ =	swait.ge [sflag:s25], $0x200  }
0xed: {  	[sflag:s25] =	ssyncset.done $0x0  }
0xee: {  	[sflag:s25] =	ssyncadd.s32 $0xFFFFFE00  }
0xef: {  	_ =	swait.ge [sflag:s25], $0x200  }
0xf0: {  	[sflag:s25] =	ssyncset.done $0x0  }
0xf1: {  	[sflag:s25] =	ssyncadd.s32 $0xFFFFFE00  }
0xf2: {  	_ =	swait.ge [sflag:s25], $0x200  }
0xf3: {  	[sflag:s25] =	ssyncset.done $0x0  }
0xf4: {  	[sflag:s25] =	ssyncadd.s32 $0xFFFFFE00  }
0xf5: {  	[hbm4b:s4+s2] =	stream.linear.scatter [tilespmem:s14], [sflag:$0x2], $0x200, $0x38;
	[tilespmem:$0x1A00] =	vst v63  }
0xf6: {  	_ =	swait.ge [sflag:s12], $0x200  }
0xf7: {  	[sflag:s12] =	ssyncset.done $0x0  }
0xf8: {  	[sflag:s12] =	ssyncadd.s32 $0xFFFFFE00  }
0xf9: {  	[hbm4b:s6+s2] =	stream.linear.scatter [tilespmem:s16], [sflag:$0x2], $0x200, $0x38;
	[tilespmem:$0x1A00] =	vst v63  }
0xfa: {  	_ =	swait.ge [sflag:s12], $0x200  }
0xfb: {  	[sflag:s12] =	ssyncset.done $0x0  }
0xfc: {  	[sflag:s12] =	ssyncadd.s32 $0xFFFFFE00  }
0xfd: {  	[hbm4b:s7+s2] =	stream.linear.scatter [tilespmem:s18], [sflag:$0x2], $0x200, $0x38;
	[tilespmem:$0x1A00] =	vst v63  }
0xfe: {  	_ =	swait.ge [sflag:s12], $0x200  }
0xff: {  	[sflag:s12] =	ssyncset.done $0x0  }
0x100: {  	[sflag:s12] =	ssyncadd.s32 $0xFFFFFE00  }
0x101: {  	[hbm4b:s8+s2] =	stream.linear.scatter [tilespmem:s20], [sflag:$0x2], $0x200, $0x38;
	[tilespmem:$0x1A00] =	vst v63  }
0x102: {  	_ =	swait.ge [sflag:s12], $0x200  }
0x103: {  	[sflag:s12] =	ssyncset.done $0x0  }
0x104: {  	[sflag:s12] =	ssyncadd.s32 $0xFFFFFE00  }
0x105: {  	[hbm4b:s9+s2] =	stream.linear.scatter [tilespmem:s22], [sflag:$0x2], $0x200, $0x38;
	[tilespmem:$0x1A00] =	vst v63  }
0x106: {  	_ =	swait.ge [sflag:s12], $0x200  }
0x107: {  	p0 =	sne.s32 s11, $0x1;
	[sflag:s12] =	ssyncset.done $0x0  }
.Ltmp0:
0x108: {  	[sflag:s12] =	ssyncadd.s32 $0xFFFFFE00;
	(pc) =	sbr.rel @p0 .LBB2_1-.Ltmp0, $4  }
0x109: {  	[hbm4b:s10+s2] =	stream.linear.scatter [tilespmem:s24], [sflag:$0x2], $0x200, $0x38;
	[tilespmem:$0x1A00] =	vst v63  }
0x10a: {  	_ =	swait.ge [sflag:s12], $0x200  }
0x10b: {  	[sflag:s12] =	ssyncset.done $0x0  }
0x10c: {  	s11 =	sadd.s32 $0xFFFFFFFF, s11;
	[sflag:s12] =	ssyncadd.s32 $0xFFFFFE00  }
0x10d: {  	_ =	sfence.sel $0x180000  }
0x10e: {  	[bflag:$0x0] =	sbarrier.arrive $0xFFFF  }
0x10f: {  	p0 =	sne.s32 s1, $0x0;
	_ =	strace $0x90000047  }
0x110: {  	s0 =	sadd.s32 @!p0 $0x100000, s0;
	[bflag:$0x2] =	sbarrier.arrive $0xFFFF  }
0x111: {  	[sflag:s0] =	ssyncadd.tile.s32 @!p0 $0x1;
	_ =	shalt  }
.Lfunc_end2:
_tile_overlayer_lowered:
.L_overlay_start_2:
0x112: {  	(tag) =	ssettag $0x2  }
0x113: {  	s0 =	rddreg [dreg:$0x0];
	s2 =	stileid.u32  }
0x114: {  	s1 =	rddreg [dreg:$0x1];
	p0 =	sne.s32 s2, $0x0  }
0x115: {  	s3 =	rddreg [dreg:$0x2];
	[bflag:$0x3] =	sbarrier.arrive $0xFFFF;
	s2 =	simm.s32 @!p0 $0x1C02  }
0x116: {  	[timem:s3], [sflag:s2] =	dma.local @!p0 [hbm:s0], s1  }
0x117: {  	s0 =	simm.s32 @!p0 $0x2  }
0x118: {  	_ =	swait.ge @!p0 [sflag:s0], s1  }
0x119: {  	s1 =	ssub.s32 @!p0 $0x0, s1;
	[sflag:s0] =	ssyncset.done @!p0 $0x0  }
0x11a: {  	[sflag:s0] =	ssyncadd.s32 @!p0 s1  }
0x11b: {  	[bflag:$0x3] =	sbarrier.arrive $0xFFFF  }
0x11c: {  	_ =	shalt  }

</sc_bundles>
